<compile_context>
chip_gen: v7x
topology: tpu7x:2x2x1
jax: 0.10.2.dev20260603
libtpu: 0.0.44.dev20260713+nightly
codegen_flags: <defaults>
</compile_context>

<pallas_src>
import jax
import jax.numpy as jnp
from jax import lax
from jax.experimental import pallas as pl
from jax.experimental.pallas import tpu as pltpu
from jax.experimental.pallas import tpu_sc as plsc

NC = 2
NS = 16
NW = NC * NS
CH = 125
ZR = 64


def _seg_sum_call(n_pad, d, iters, nchunks):
    rpt = n_pad // NS
    assert n_pad % NS == 0 and rpt % ZR == 0 and d % 16 == 0

    NB = 8
    LA = NB // 2
    assert iters % NB == 0

    def body(*refs):
        src_hbm, dst_hbm = refs[0], refs[1]
        tabs = refs[2:2 + nchunks]
        outs = refs[2 + nchunks:2 + 2 * nchunks]
        rest = refs[2 + 2 * nchunks:]
        src_v, dst_v = rest[0], rest[1]
        rows = rest[2:2 + NB]
        zbuf, acc = rest[2 + NB], rest[3 + NB]
        gsems = rest[4 + NB:4 + 2 * NB]
        ssems = rest[4 + 2 * NB:4 + 3 * NB]
        c = lax.axis_index("c")
        s = lax.axis_index("s")
        w = s * NC + c
        row0 = s * rpt

        def zrow(r, _):
            def zcol(k, _):
                zbuf[r, pl.ds(k * 16, 16)] = jnp.zeros((16,), jnp.float32)
                return 0
            lax.fori_loop(0, d // 16, zcol, 0)
            return 0
        lax.fori_loop(0, ZR, zrow, 0)

        pltpu.sync_copy(src_hbm.at[pl.ds(w * iters, iters)], src_v)
        pltpu.sync_copy(dst_hbm.at[pl.ds(w * iters, iters)], dst_v)

        def wait_dma(sem, k):
            pltpu.make_async_copy(tabs[0].at[pl.ds(0, CH)], rows[k],
                                  sem).wait()

        G = iters // NB
        for ph, (tab_hbm, out_hbm) in enumerate(zip(tabs, outs)):
            def gather(j, k):
                pltpu.async_copy(tab_hbm.at[src_v.at[j]], rows[k], gsems[k])

            def scatter(j, k):
                pltpu.async_copy(rows[k], acc.at[dst_v.at[j]], ssems[k],
                                 add=True)

            for k in range(LA):
                gather(k, k)

            def zacc(k, _):
                pltpu.sync_copy(zbuf, acc.at[pl.ds(row0 + k * ZR, ZR)])
                return 0
            lax.fori_loop(0, rpt // ZR, zacc, 0)
            plsc.subcore_barrier()

            def group(g, _):
                for k in range(NB):
                    j = g * NB + k
                    ka = (k + LA) % NB
                    if k < LA:
                        @pl.when(g > 0)
                        def _():
                            wait_dma(ssems[ka], ka)
                        gather(j + LA, ka)
                    else:
                        @pl.when(g < G - 1)
                        def _():
                            wait_dma(ssems[ka], ka)
                            gather(j + LA, ka)
                    wait_dma(gsems[k], k)
                    scatter(j, k)
                return 0
            lax.fori_loop(0, G, group, 0)

            for k in range(NB):
                wait_dma(ssems[k], k)
            plsc.subcore_barrier()
            pltpu.sync_copy(acc.at[pl.ds(row0, rpt)],
                            out_hbm.at[c, pl.ds(row0, rpt)])

    mesh = plsc.VectorSubcoreMesh(core_axis_name="c", subcore_axis_name="s",
                                  num_cores=NC, num_subcores=NS)
    return pl.kernel(
        body,
        out_type=[jax.ShapeDtypeStruct((NC, n_pad, d), jnp.float32)
                  for _ in range(nchunks)],
        mesh=mesh,
        scratch_types=(
            [pltpu.VMEM((iters, CH), jnp.int32)] * 2
            + [pltpu.VMEM((CH, d), jnp.float32)] * 8
            + [pltpu.VMEM((ZR, d), jnp.float32),
               pltpu.VMEM_SHARED((n_pad, d), jnp.float32)]
            + [pltpu.SemaphoreType.DMA] * 16
        ),
        compiler_params=pltpu.CompilerParams(use_tc_tiling_on_sc=False),
    )


def _tc1a_body(xp_ref, ws1_ref, b1_ref, hs_ref):
    hs_ref[...] = jnp.dot(xp_ref[...], ws1_ref[...],
                          preferred_element_type=jnp.float32) + b1_ref[...]


def _make_tc1b_body(nchunks):
    def body(*refs):
        hs_ref = refs[0]
        p_refs = refs[1:1 + nchunks]
        (dinv_ref, wn1_ref, ws2_ref, wn2_ref, b2_ref,
         t2_ref, s2_ref) = refs[1 + nchunks:]
        agg = jnp.concatenate([p[0] + p[1] for p in p_refs],
                              axis=-1) * dinv_ref[...]
        h = hs_ref[...] + jnp.dot(agg, wn1_ref[...],
                                  preferred_element_type=jnp.float32)
        h = jnp.maximum(h, 0.0)
        t2_ref[...] = jnp.dot(h, wn2_ref[...],
                              preferred_element_type=jnp.float32)
        s2_ref[...] = jnp.dot(h, ws2_ref[...],
                              preferred_element_type=jnp.float32) + b2_ref[...]
    return body


def _tc2_body(s2_ref, p_ref, dinv_ref, o_ref):
    o_ref[...] = s2_ref[...] + (p_ref[0] + p_ref[1]) * dinv_ref[...]


def _pair(w):
    z = jnp.zeros_like(w)
    return jnp.concatenate([jnp.concatenate([w, z], 1),
                            jnp.concatenate([z, w], 1)], 0)


def _pick_bm(n):
    for bm in (2000, 1024, 1000, 512, 400, 256, 200, 128, 80, 40, 16, 8):
        if n % bm == 0:
            return bm
    return n


def kernel(x, edge_index, in_degrees, W_self1, W_neigh1, b1, W_self2,
           W_neigh2, b2):
    n, d_in = x.shape
    d_hid = W_self1.shape[1]
    d_out = W_self2.shape[1]
    e = edge_index.shape[1]

    src = edge_index[0]
    dst = edge_index[1]
    epb = NW * CH * 8
    e_pad = ((e + epb - 1) // epb) * epb
    if e_pad != e:
        src = jnp.concatenate([src, jnp.zeros((e_pad - e,), jnp.int32)])
        dst = jnp.concatenate([dst, jnp.full((e_pad - e,), n, jnp.int32)])
    iters = e_pad // (NW * CH)
    n_pad = ((n + NS * ZR - 1) // (NS * ZR)) * (NS * ZR)
    src2 = src.reshape(NW * iters, CH)
    dst2 = dst.reshape(NW * iters, CH)

    bm = _pick_bm(n)
    bmh = bm // 2
    grid = (n // bm,)

    xp = jnp.reshape(x, (n // 2, 2 * d_in))
    dinv = 1.0 / jnp.maximum(in_degrees.astype(jnp.float32), 1.0)

    hs = pl.pallas_call(
        _tc1a_body,
        grid=grid,
        in_specs=[
            pl.BlockSpec((bmh, 2 * d_in), lambda i: (i, 0)),
            pl.BlockSpec((2 * d_in, 2 * d_hid), lambda i: (0, 0)),
            pl.BlockSpec((1, 2 * d_hid), lambda i: (0, 0)),
        ],
        out_specs=pl.BlockSpec((bmh, 2 * d_hid), lambda i: (i, 0)),
        out_shape=jax.ShapeDtypeStruct((n // 2, 2 * d_hid), jnp.float32),
    )(xp, _pair(W_self1), jnp.concatenate([b1, b1]).reshape(1, 2 * d_hid))

    spmem_budget_words = 1_200_000
    max_d = max(16, (spmem_budget_words // n_pad) // 16 * 16)
    nchunks = -(-d_in // max_d)
    d_chunk = -(-(d_in // nchunks) // 16) * 16
    assert d_chunk * nchunks >= d_in and d_in % d_chunk == 0
    nchunks = d_in // d_chunk

    seg1 = _seg_sum_call(n_pad, d_chunk, iters, nchunks)
    xs = [lax.slice_in_dim(x, k * d_chunk, (k + 1) * d_chunk, axis=1)
          for k in range(nchunks)]
    p1s = seg1(src2, dst2, *xs)
    if not isinstance(p1s, (list, tuple)):
        p1s = [p1s]
    p1s = [jnp.reshape(p, (NC, n_pad // 2, 2 * d_chunk)) for p in p1s]

    wn1_rows = []
    zc = jnp.zeros((d_chunk, d_hid), jnp.float32)
    for k in range(nchunks):
        wk = W_neigh1[k * d_chunk:(k + 1) * d_chunk]
        wn1_rows.append(jnp.concatenate([wk, zc], 1))
        wn1_rows.append(jnp.concatenate([zc, wk], 1))
    wn1p = jnp.concatenate(wn1_rows, 0)
    dinv1 = jnp.tile(
        jnp.reshape(jnp.broadcast_to(dinv[:, None], (n, d_chunk)),
                    (n // 2, 2 * d_chunk)), (1, nchunks))

    t2p, s2p = pl.pallas_call(
        _make_tc1b_body(nchunks),
        grid=grid,
        in_specs=[
            pl.BlockSpec((bmh, 2 * d_hid), lambda i: (i, 0)),
        ] + [
            pl.BlockSpec((NC, bmh, 2 * d_chunk), lambda i: (0, i, 0))
            for _ in range(nchunks)
        ] + [
            pl.BlockSpec((bmh, 2 * d_in), lambda i: (i, 0)),
            pl.BlockSpec((2 * d_in, 2 * d_hid), lambda i: (0, 0)),
            pl.BlockSpec((2 * d_hid, 2 * d_out), lambda i: (0, 0)),
            pl.BlockSpec((2 * d_hid, 2 * d_out), lambda i: (0, 0)),
            pl.BlockSpec((1, 2 * d_out), lambda i: (0, 0)),
        ],
        out_specs=[
            pl.BlockSpec((bmh, 2 * d_out), lambda i: (i, 0)),
            pl.BlockSpec((bmh, 2 * d_out), lambda i: (i, 0)),
        ],
        out_shape=[jax.ShapeDtypeStruct((n // 2, 2 * d_out), jnp.float32)] * 2,
    )(hs, *p1s, dinv1, wn1p, _pair(W_self2), _pair(W_neigh2),
      jnp.concatenate([b2, b2]).reshape(1, 2 * d_out))

    t2 = jnp.reshape(t2p, (n, d_out))
    seg2 = _seg_sum_call(n_pad, d_out, iters, 1)
    p2 = seg2(src2, dst2, t2)
    if isinstance(p2, (list, tuple)):
        p2 = p2[0]
    p2 = jnp.reshape(p2, (NC, n_pad // 2, 2 * d_out))
    dinv2 = jnp.reshape(jnp.broadcast_to(dinv[:, None], (n, d_out)),
                        (n // 2, 2 * d_out))

    outp = pl.pallas_call(
        _tc2_body,
        grid=grid,
        in_specs=[
            pl.BlockSpec((bmh, 2 * d_out), lambda i: (i, 0)),
            pl.BlockSpec((NC, bmh, 2 * d_out), lambda i: (0, i, 0)),
            pl.BlockSpec((bmh, 2 * d_out), lambda i: (i, 0)),
        ],
        out_specs=pl.BlockSpec((bmh, 2 * d_out), lambda i: (i, 0)),
        out_shape=jax.ShapeDtypeStruct((n // 2, 2 * d_out), jnp.float32),
    )(s2p, p2, dinv2)
    return jnp.reshape(outp, (n, d_out))

# --- scband reference (transcript-rebuilt; emitter-appended) ---
"""Pipeline reference for scband-dist-sagemodel-57741540327962 (READ-ONLY COPY).

The authoritative reference and input builder live on the scoring server;
editing this copy changes nothing except your own understanding.
"""

import jax, jax.numpy as jnp
import numpy as np

N = 10000
E = 320000
D_IN = 128
D_HID = 256
D_OUT = 64


def setup_inputs(seed: int = 0) -> dict:
    key = jax.random.key(seed)
    ks = jax.random.split(key, 10)
    x = jax.random.normal(ks[0], (N, D_IN), dtype=jnp.float32)
    edge_index = jax.random.randint(ks[1], (2, E), 0, N, dtype=jnp.int32)
    in_degrees = jnp.bincount(edge_index[1], length=N).astype(jnp.int32)
    s1 = 1.0 / np.sqrt(D_IN)
    s2 = 1.0 / np.sqrt(D_HID)
    W_self1 = jax.random.normal(ks[2], (D_IN, D_HID), dtype=jnp.float32) * s1
    W_neigh1 = jax.random.normal(ks[3], (D_IN, D_HID), dtype=jnp.float32) * s1
    b1 = jnp.zeros((D_HID,), dtype=jnp.float32)
    W_self2 = jax.random.normal(ks[4], (D_HID, D_OUT), dtype=jnp.float32) * s2
    W_neigh2 = jax.random.normal(ks[5], (D_HID, D_OUT), dtype=jnp.float32) * s2
    b2 = jnp.zeros((D_OUT,), dtype=jnp.float32)
    return {"x": x, "edge_index": edge_index, "in_degrees": in_degrees,
            "W_self1": W_self1, "W_neigh1": W_neigh1, "b1": b1,
            "W_self2": W_self2, "W_neigh2": W_neigh2, "b2": b2}


def _sage_conv(h, src, dst, deg, W_self, W_neigh, b, n_nodes):
    # DistSageConv with aggregator_type='sum': gather src feats, scatter-add to dst,
    # normalize by in-degree (sum -> mean via provided in_degrees), then
    # fc_self(h) + fc_neigh(agg) + b  (standard SAGE combine).
    msgs = jnp.take(h, src, axis=0)
    agg = jax.ops.segment_sum(msgs, dst, num_segments=n_nodes)
    denom = jnp.maximum(deg.astype(jnp.float32), 1.0)[:, None]
    agg = agg / denom
    return h @ W_self + agg @ W_neigh + b


def reference(x, edge_index, in_degrees, W_self1, W_neigh1, b1, W_self2, W_neigh2, b2):
    src = edge_index[0]
    dst = edge_index[1]
    n_nodes = x.shape[0]
    h = _sage_conv(x, src, dst, in_degrees, W_self1, W_neigh1, b1, n_nodes)
    h = jax.nn.relu(h)  # dropout p=0.0 -> identity
    h = _sage_conv(h, src, dst, in_degrees, W_self2, W_neigh2, b2, n_nodes)
    return h

if __name__ == "__main__":
    import jax
    _d = setup_inputs()
    print(jax.jit(kernel)(*tuple(_d.values())))

</pallas_src>

<mosaic_0001>
#map = affine_map<(d0, d1) -> (0, 0)>
#map1 = affine_map<(d0, d1) -> (0, 0, 0)>
module attributes {stable_mosaic.version = 14 : i64} {
  func.func @body(%arg0: i32, %arg1: i32, %arg2: memref<2560x125xi32, #tpu.memory_space<hbm>>, %arg3: memref<2560x125xi32, #tpu.memory_space<hbm>>, %arg4: memref<10000x64xf32, #tpu.memory_space<hbm>>, %arg5: memref<2x10240x64xf32, #tpu.memory_space<hbm>>, %arg6: memref<80x125xi32, #tpu.memory_space<vmem>>, %arg7: memref<80x125xi32, #tpu.memory_space<vmem>>, %arg8: memref<125x64xf32, #tpu.memory_space<vmem>>, %arg9: memref<125x64xf32, #tpu.memory_space<vmem>>, %arg10: memref<125x64xf32, #tpu.memory_space<vmem>>, %arg11: memref<125x64xf32, #tpu.memory_space<vmem>>, %arg12: memref<125x64xf32, #tpu.memory_space<vmem>>, %arg13: memref<125x64xf32, #tpu.memory_space<vmem>>, %arg14: memref<125x64xf32, #tpu.memory_space<vmem>>, %arg15: memref<125x64xf32, #tpu.memory_space<vmem>>, %arg16: memref<64x64xf32, #tpu.memory_space<vmem>>, %arg17: memref<10240x64xf32, #tpu.memory_space<vmem_shared>>, %arg18: memref<!tpu.dma_semaphore, #tpu.memory_space<semaphore_mem>>, %arg19: memref<!tpu.dma_semaphore, #tpu.memory_space<semaphore_mem>>, %arg20: memref<!tpu.dma_semaphore, #tpu.memory_space<semaphore_mem>>, %arg21: memref<!tpu.dma_semaphore, #tpu.memory_space<semaphore_mem>>, %arg22: memref<!tpu.dma_semaphore, #tpu.memory_space<semaphore_mem>>, %arg23: memref<!tpu.dma_semaphore, #tpu.memory_space<semaphore_mem>>, %arg24: memref<!tpu.dma_semaphore, #tpu.memory_space<semaphore_mem>>, %arg25: memref<!tpu.dma_semaphore, #tpu.memory_space<semaphore_mem>>, %arg26: memref<!tpu.dma_semaphore, #tpu.memory_space<semaphore_mem>>, %arg27: memref<!tpu.dma_semaphore, #tpu.memory_space<semaphore_mem>>, %arg28: memref<!tpu.dma_semaphore, #tpu.memory_space<semaphore_mem>>, %arg29: memref<!tpu.dma_semaphore, #tpu.memory_space<semaphore_mem>>, %arg30: memref<!tpu.dma_semaphore, #tpu.memory_space<semaphore_mem>>, %arg31: memref<!tpu.dma_semaphore, #tpu.memory_space<semaphore_mem>>, %arg32: memref<!tpu.dma_semaphore, #tpu.memory_space<semaphore_mem>>, %arg33: memref<!tpu.dma_semaphore, #tpu.memory_space<semaphore_mem>>) attributes {dimension_semantics = [#tpu.dimension_semantics<core_parallel>, #tpu.dimension_semantics<subcore_parallel>], iteration_bounds = array<i64: 2, 16>, scalar_prefetch = 0 : i64, scratch_operands = 28 : i64, tpu.core_type = #tpu.core_type<sc_vector_subcore>, window_params = [{transform_indices = #map}, {transform_indices = #map}, {transform_indices = #map}, {transform_indices = #map1}]} {
    %mul3A = arith.constant 2 : i32
    %mul3A_0 = arith.muli %arg1, %mul3A : i32
    %add3A = arith.addi %mul3A_0, %arg0 : i32
    %mul3A_1 = arith.constant 640 : i32
    %mul3A_2 = arith.muli %arg1, %mul3A_1 : i32
    %scan3A = arith.constant 0 : i32
    %scan3A_3 = arith.constant 0 : i32
    %scan3A_4 = arith.constant 64 : i32
    %scan3A_5 = arith.addi %scan3A_3, %scan3A_4 : i32
    %scan3A_6 = arith.constant 1 : i32
    %scan3A_7 = scf.for %scan3A_102 = %scan3A_3 to %scan3A_5 step %scan3A_6 iter_args(%scan3A_103 = %scan3A) -> (i32)  : i32 {
      %scan3A_104 = arith.constant 0 : i32
      %scan3A_105 = arith.constant 0 : i32
      %scan3A_106 = arith.constant 4 : i32
      %scan3A_107 = arith.addi %scan3A_105, %scan3A_106 : i32
      %scan3A_108 = arith.constant 1 : i32
      %scan3A_109 = scf.for %scan3A_112 = %scan3A_105 to %scan3A_107 step %scan3A_108 iter_args(%scan3A_113 = %scan3A_104) -> (i32)  : i32 {
        %broadcast_in_dim3A = arith.constant 0.000000e+00 : f32
        %broadcast_in_dim3A_114 = vector.broadcast %broadcast_in_dim3A : f32 to vector<16xf32>
        %mul3A_115 = arith.constant 16 : i32
        %mul3A_116 = arith.muli %scan3A_112, %mul3A_115 : i32
        %swap3A = arith.index_cast %scan3A_102 : i32 to index
        %swap3A_117 = arith.index_cast %mul3A_116 : i32 to index
        %swap3A_118 = tpu.vector_load %arg16[%swap3A, %swap3A_117] {strides = array<i32>} : memref<64x64xf32, #tpu.memory_space<vmem>>, vector<1x16xf32>,
        %swap3A_119 = vector.shape_cast %swap3A_118 : vector<1x16xf32> to vector<16xf32>
        %swap3A_120 = vector.shape_cast %broadcast_in_dim3A_114 : vector<16xf32> to vector<1x16xf32>
        tpu.vector_store %arg16[%swap3A, %swap3A_117], %swap3A_120 {strides = array<i32>} : memref<64x64xf32, #tpu.memory_space<vmem>>, vector<1x16xf32>,
        %scan3A_121 = arith.constant 0 : i32
        scf.yield %scan3A_121 : i32
      }
      %scan3A_110 = arith.constant 4 : i32
      %scan3A_111 = arith.constant 0 : i32
      scf.yield %scan3A_111 : i32
    }
    %scan3A_8 = arith.constant 64 : i32
    %mul3A_9 = arith.constant 80 : i32
    %mul3A_10 = arith.muli %add3A, %mul3A_9 : i32
    "tpu.region"() ({
      %run_scoped3A = tpu.sem_alloc : memref<!tpu.dma_semaphore, #tpu.memory_space<semaphore_mem>>
      %dma_start3A_102 = arith.constant 0 : i32
      %dma_start3A_103 = tpu.memref_slice %arg2[%mul3A_10, %dma_start3A_102] : memref<2560x125xi32, #tpu.memory_space<hbm>> -> memref<80x125xi32, #tpu.memory_space<hbm>>
      %dma_start3A_104 = arith.constant 0 : i32
      %dma_start3A_105 = tpu.memref_slice %arg2[%mul3A_10, %dma_start3A_104] : memref<2560x125xi32, #tpu.memory_space<hbm>> -> memref<80x125xi32, #tpu.memory_space<hbm>>
      tpu.enqueue_dma source(%dma_start3A_105 : memref<80x125xi32, #tpu.memory_space<hbm>>) target(%arg6 : memref<80x125xi32, #tpu.memory_space<vmem>>) target_semaphore(%run_scoped3A : memref<!tpu.dma_semaphore, #tpu.memory_space<semaphore_mem>>)
      %dma_wait3A_106 = arith.constant 0 : i32
      %dma_wait3A_107 = tpu.memref_slice %arg2[%mul3A_10, %dma_wait3A_106] : memref<2560x125xi32, #tpu.memory_space<hbm>> -> memref<80x125xi32, #tpu.memory_space<hbm>>
      %dma_wait3A_108 = arith.constant 0 : i32
      %dma_wait3A_109 = tpu.memref_slice %arg2[%mul3A_10, %dma_wait3A_108] : memref<2560x125xi32, #tpu.memory_space<hbm>> -> memref<80x125xi32, #tpu.memory_space<hbm>>
      tpu.wait_dma2 semaphore(%run_scoped3A : memref<!tpu.dma_semaphore, #tpu.memory_space<semaphore_mem>>) src(%dma_wait3A_109 : memref<80x125xi32, #tpu.memory_space<hbm>>) dst(%arg6 : memref<80x125xi32, #tpu.memory_space<vmem>>)
      tpu.yield
    }) : () -> ()
    %mul3A_11 = arith.constant 80 : i32
    %mul3A_12 = arith.muli %add3A, %mul3A_11 : i32
    "tpu.region"() ({
      %run_scoped3A = tpu.sem_alloc : memref<!tpu.dma_semaphore, #tpu.memory_space<semaphore_mem>>
      %dma_start3A_102 = arith.constant 0 : i32
      %dma_start3A_103 = tpu.memref_slice %arg3[%mul3A_12, %dma_start3A_102] : memref<2560x125xi32, #tpu.memory_space<hbm>> -> memref<80x125xi32, #tpu.memory_space<hbm>>
      %dma_start3A_104 = arith.constant 0 : i32
      %dma_start3A_105 = tpu.memref_slice %arg3[%mul3A_12, %dma_start3A_104] : memref<2560x125xi32, #tpu.memory_space<hbm>> -> memref<80x125xi32, #tpu.memory_space<hbm>>
      tpu.enqueue_dma source(%dma_start3A_105 : memref<80x125xi32, #tpu.memory_space<hbm>>) target(%arg7 : memref<80x125xi32, #tpu.memory_space<vmem>>) target_semaphore(%run_scoped3A : memref<!tpu.dma_semaphore, #tpu.memory_space<semaphore_mem>>)
      %dma_wait3A_106 = arith.constant 0 : i32
      %dma_wait3A_107 = tpu.memref_slice %arg3[%mul3A_12, %dma_wait3A_106] : memref<2560x125xi32, #tpu.memory_space<hbm>> -> memref<80x125xi32, #tpu.memory_space<hbm>>
      %dma_wait3A_108 = arith.constant 0 : i32
      %dma_wait3A_109 = tpu.memref_slice %arg3[%mul3A_12, %dma_wait3A_108] : memref<2560x125xi32, #tpu.memory_space<hbm>> -> memref<80x125xi32, #tpu.memory_space<hbm>>
      tpu.wait_dma2 semaphore(%run_scoped3A : memref<!tpu.dma_semaphore, #tpu.memory_space<semaphore_mem>>) src(%dma_wait3A_109 : memref<80x125xi32, #tpu.memory_space<hbm>>) dst(%arg7 : memref<80x125xi32, #tpu.memory_space<vmem>>)
      tpu.yield
    }) : () -> ()
    %dma_start3A = arith.constant 0 : i32
    %dma_start3A_13 = arith.constant 0 : i32
    %dma_start3A_14 = tpu.memref_slice %arg6[%dma_start3A, %dma_start3A_13] : memref<80x125xi32, #tpu.memory_space<vmem>> -> memref<1x125xi32, #tpu.memory_space<vmem>>
    %dma_start3A_15 = tpu.memref_squeeze %dma_start3A_14 : memref<1x125xi32, #tpu.memory_space<vmem>> -> memref<125xi32, #tpu.memory_space<vmem>>
    %dma_start3A_16 = arith.constant 0 : i32
    %dma_start3A_17 = arith.constant 0 : i32
    %dma_start3A_18 = tpu.memref_slice %arg4[%dma_start3A_16, %dma_start3A_17] : memref<10000x64xf32, #tpu.memory_space<hbm>> -> memref<10000x64xf32, #tpu.memory_space<hbm>>
    tpu.enqueue_indirect_dma source(%dma_start3A_18 : memref<10000x64xf32, #tpu.memory_space<hbm>>) target(%arg8 : memref<125x64xf32, #tpu.memory_space<vmem>>) offsets(%dma_start3A_15 : memref<125xi32, #tpu.memory_space<vmem>>) semaphore(%arg18 : memref<!tpu.dma_semaphore, #tpu.memory_space<semaphore_mem>>)
    %dma_start3A_19 = arith.constant 1 : i32
    %dma_start3A_20 = arith.constant 0 : i32
    %dma_start3A_21 = tpu.memref_slice %arg6[%dma_start3A_19, %dma_start3A_20] : memref<80x125xi32, #tpu.memory_space<vmem>> -> memref<1x125xi32, #tpu.memory_space<vmem>>
    %dma_start3A_22 = tpu.memref_squeeze %dma_start3A_21 : memref<1x125xi32, #tpu.memory_space<vmem>> -> memref<125xi32, #tpu.memory_space<vmem>>
    %dma_start3A_23 = arith.constant 0 : i32
    %dma_start3A_24 = arith.constant 0 : i32
    %dma_start3A_25 = tpu.memref_slice %arg4[%dma_start3A_23, %dma_start3A_24] : memref<10000x64xf32, #tpu.memory_space<hbm>> -> memref<10000x64xf32, #tpu.memory_space<hbm>>
    tpu.enqueue_indirect_dma source(%dma_start3A_25 : memref<10000x64xf32, #tpu.memory_space<hbm>>) target(%arg9 : memref<125x64xf32, #tpu.memory_space<vmem>>) offsets(%dma_start3A_22 : memref<125xi32, #tpu.memory_space<vmem>>) semaphore(%arg19 : memref<!tpu.dma_semaphore, #tpu.memory_space<semaphore_mem>>)
    %dma_start3A_26 = arith.constant 2 : i32
    %dma_start3A_27 = arith.constant 0 : i32
    %dma_start3A_28 = tpu.memref_slice %arg6[%dma_start3A_26, %dma_start3A_27] : memref<80x125xi32, #tpu.memory_space<vmem>> -> memref<1x125xi32, #tpu.memory_space<vmem>>
    %dma_start3A_29 = tpu.memref_squeeze %dma_start3A_28 : memref<1x125xi32, #tpu.memory_space<vmem>> -> memref<125xi32, #tpu.memory_space<vmem>>
    %dma_start3A_30 = arith.constant 0 : i32
    %dma_start3A_31 = arith.constant 0 : i32
    %dma_start3A_32 = tpu.memref_slice %arg4[%dma_start3A_30, %dma_start3A_31] : memref<10000x64xf32, #tpu.memory_space<hbm>> -> memref<10000x64xf32, #tpu.memory_space<hbm>>
    tpu.enqueue_indirect_dma source(%dma_start3A_32 : memref<10000x64xf32, #tpu.memory_space<hbm>>) target(%arg10 : memref<125x64xf32, #tpu.memory_space<vmem>>) offsets(%dma_start3A_29 : memref<125xi32, #tpu.memory_space<vmem>>) semaphore(%arg20 : memref<!tpu.dma_semaphore, #tpu.memory_space<semaphore_mem>>)
    %dma_start3A_33 = arith.constant 3 : i32
    %dma_start3A_34 = arith.constant 0 : i32
    %dma_start3A_35 = tpu.memref_slice %arg6[%dma_start3A_33, %dma_start3A_34] : memref<80x125xi32, #tpu.memory_space<vmem>> -> memref<1x125xi32, #tpu.memory_space<vmem>>
    %dma_start3A_36 = tpu.memref_squeeze %dma_start3A_35 : memref<1x125xi32, #tpu.memory_space<vmem>> -> memref<125xi32, #tpu.memory_space<vmem>>
    %dma_start3A_37 = arith.constant 0 : i32
    %dma_start3A_38 = arith.constant 0 : i32
    %dma_start3A_39 = tpu.memref_slice %arg4[%dma_start3A_37, %dma_start3A_38] : memref<10000x64xf32, #tpu.memory_space<hbm>> -> memref<10000x64xf32, #tpu.memory_space<hbm>>
    tpu.enqueue_indirect_dma source(%dma_start3A_39 : memref<10000x64xf32, #tpu.memory_space<hbm>>) target(%arg11 : memref<125x64xf32, #tpu.memory_space<vmem>>) offsets(%dma_start3A_36 : memref<125xi32, #tpu.memory_space<vmem>>) semaphore(%arg21 : memref<!tpu.dma_semaphore, #tpu.memory_space<semaphore_mem>>)
    %scan3A_40 = arith.constant 0 : i32
    %scan3A_41 = arith.constant 0 : i32
    %scan3A_42 = arith.constant 10 : i32
    %scan3A_43 = arith.addi %scan3A_41, %scan3A_42 : i32
    %scan3A_44 = arith.constant 1 : i32
    %scan3A_45 = scf.for %scan3A_102 = %scan3A_41 to %scan3A_43 step %scan3A_44 iter_args(%scan3A_103 = %scan3A_40) -> (i32)  : i32 {
      %mul3A_104 = arith.constant 64 : i32
      %mul3A_105 = arith.muli %scan3A_102, %mul3A_104 : i32
      %add3A_106 = arith.addi %mul3A_2, %mul3A_105 : i32
      "tpu.region"() ({
        %run_scoped3A = tpu.sem_alloc : memref<!tpu.dma_semaphore, #tpu.memory_space<semaphore_mem>>
        %dma_start3A_108 = arith.constant 0 : i32
        %dma_start3A_109 = tpu.memref_slice %arg17[%add3A_106, %dma_start3A_108] : memref<10240x64xf32, #tpu.memory_space<vmem_shared>> -> memref<64x64xf32, #tpu.memory_space<vmem_shared>>
        %dma_start3A_110 = arith.constant 0 : i32
        %dma_start3A_111 = tpu.memref_slice %arg17[%add3A_106, %dma_start3A_110] : memref<10240x64xf32, #tpu.memory_space<vmem_shared>> -> memref<64x64xf32, #tpu.memory_space<vmem_shared>>
        tpu.enqueue_dma source(%arg16 : memref<64x64xf32, #tpu.memory_space<vmem>>) target(%dma_start3A_111 : memref<64x64xf32, #tpu.memory_space<vmem_shared>>) target_semaphore(%run_scoped3A : memref<!tpu.dma_semaphore, #tpu.memory_space<semaphore_mem>>)
        %dma_wait3A_112 = arith.constant 0 : i32
        %dma_wait3A_113 = tpu.memref_slice %arg17[%add3A_106, %dma_wait3A_112] : memref<10240x64xf32, #tpu.memory_space<vmem_shared>> -> memref<64x64xf32, #tpu.memory_space<vmem_shared>>
        %dma_wait3A_114 = arith.constant 0 : i32
        %dma_wait3A_115 = tpu.memref_slice %arg17[%add3A_106, %dma_wait3A_114] : memref<10240x64xf32, #tpu.memory_space<vmem_shared>> -> memref<64x64xf32, #tpu.memory_space<vmem_shared>>
        tpu.wait_dma2 semaphore(%run_scoped3A : memref<!tpu.dma_semaphore, #tpu.memory_space<semaphore_mem>>) src(%arg16 : memref<64x64xf32, #tpu.memory_space<vmem>>) dst(%dma_wait3A_115 : memref<64x64xf32, #tpu.memory_space<vmem_shared>>)
        tpu.yield
      }) : () -> ()
      %scan3A_107 = arith.constant 0 : i32
      scf.yield %scan3A_107 : i32
    }
    %scan3A_46 = arith.constant 10 : i32
    %barrier3A = arith.constant 0 : index
    tpu.barrier barrier_id(%barrier3A)
    %scan3A_47 = arith.constant 0 : i32
    %scan3A_48 = arith.constant 0 : i32
    %scan3A_49 = arith.constant 10 : i32
    %scan3A_50 = arith.addi %scan3A_48, %scan3A_49 : i32
    %scan3A_51 = arith.constant 1 : i32
    %scan3A_52 = scf.for %scan3A_102 = %scan3A_48 to %scan3A_50 step %scan3A_51 iter_args(%scan3A_103 = %scan3A_47) -> (i32)  : i32 {
      %mul3A_104 = arith.constant 8 : i32
      %mul3A_105 = arith.muli %scan3A_102, %mul3A_104 : i32
      %add3A_106 = arith.constant 0 : i32
      %add3A_107 = arith.addi %mul3A_105, %add3A_106 : i32
      %gt3A = arith.constant 0 : i32
      %gt3A_108 = arith.cmpi sgt, %scan3A_102, %gt3A : i32
      %convert_element_type3A = arith.extui %gt3A_108 : i1 to i32
      %cond3A = arith.constant 0 : i32
      %cond3A_109 = arith.cmpi ne, %convert_element_type3A, %cond3A : i32
      scf.if %cond3A_109 {
        %dma_wait3A_301 = arith.constant 0 : i32
        %dma_wait3A_302 = arith.constant 0 : i32
        %dma_wait3A_303 = tpu.memref_slice %arg4[%dma_wait3A_301, %dma_wait3A_302] : memref<10000x64xf32, #tpu.memory_space<hbm>> -> memref<125x64xf32, #tpu.memory_space<hbm>>
        %dma_wait3A_304 = arith.constant 0 : i32
        %dma_wait3A_305 = arith.constant 0 : i32
        %dma_wait3A_306 = tpu.memref_slice %arg4[%dma_wait3A_304, %dma_wait3A_305] : memref<10000x64xf32, #tpu.memory_space<hbm>> -> memref<125x64xf32, #tpu.memory_space<hbm>>
        tpu.wait_dma2 semaphore(%arg30 : memref<!tpu.dma_semaphore, #tpu.memory_space<semaphore_mem>>) src(%dma_wait3A_306 : memref<125x64xf32, #tpu.memory_space<hbm>>) dst(%arg12 : memref<125x64xf32, #tpu.memory_space<vmem>>)
      } else {
      }
      %add3A_110 = arith.constant 4 : i32
      %add3A_111 = arith.addi %add3A_107, %add3A_110 : i32
      %dma_start3A_112 = arith.constant 0 : i32
      %dma_start3A_113 = tpu.memref_slice %arg6[%add3A_111, %dma_start3A_112] : memref<80x125xi32, #tpu.memory_space<vmem>> -> memref<1x125xi32, #tpu.memory_space<vmem>>
      %dma_start3A_114 = tpu.memref_squeeze %dma_start3A_113 : memref<1x125xi32, #tpu.memory_space<vmem>> -> memref<125xi32, #tpu.memory_space<vmem>>
      %dma_start3A_115 = arith.constant 0 : i32
      %dma_start3A_116 = arith.constant 0 : i32
      %dma_start3A_117 = tpu.memref_slice %arg4[%dma_start3A_115, %dma_start3A_116] : memref<10000x64xf32, #tpu.memory_space<hbm>> -> memref<10000x64xf32, #tpu.memory_space<hbm>>
      tpu.enqueue_indirect_dma source(%dma_start3A_117 : memref<10000x64xf32, #tpu.memory_space<hbm>>) target(%arg12 : memref<125x64xf32, #tpu.memory_space<vmem>>) offsets(%dma_start3A_114 : memref<125xi32, #tpu.memory_space<vmem>>) semaphore(%arg22 : memref<!tpu.dma_semaphore, #tpu.memory_space<semaphore_mem>>)
      %dma_wait3A_118 = arith.constant 0 : i32
      %dma_wait3A_119 = arith.constant 0 : i32
      %dma_wait3A_120 = tpu.memref_slice %arg4[%dma_wait3A_118, %dma_wait3A_119] : memref<10000x64xf32, #tpu.memory_space<hbm>> -> memref<125x64xf32, #tpu.memory_space<hbm>>
      %dma_wait3A_121 = arith.constant 0 : i32
      %dma_wait3A_122 = arith.constant 0 : i32
      %dma_wait3A_123 = tpu.memref_slice %arg4[%dma_wait3A_121, %dma_wait3A_122] : memref<10000x64xf32, #tpu.memory_space<hbm>> -> memref<125x64xf32, #tpu.memory_space<hbm>>
      tpu.wait_dma2 semaphore(%arg18 : memref<!tpu.dma_semaphore, #tpu.memory_space<semaphore_mem>>) src(%dma_wait3A_123 : memref<125x64xf32, #tpu.memory_space<hbm>>) dst(%arg8 : memref<125x64xf32, #tpu.memory_space<vmem>>)
      %dma_start3A_124 = arith.constant 0 : i32
      %dma_start3A_125 = tpu.memref_slice %arg7[%add3A_107, %dma_start3A_124] : memref<80x125xi32, #tpu.memory_space<vmem>> -> memref<1x125xi32, #tpu.memory_space<vmem>>
      %dma_start3A_126 = tpu.memref_squeeze %dma_start3A_125 : memref<1x125xi32, #tpu.memory_space<vmem>> -> memref<125xi32, #tpu.memory_space<vmem>>
      %dma_start3A_127 = arith.constant 0 : i32
      %dma_start3A_128 = arith.constant 0 : i32
      %dma_start3A_129 = tpu.memref_slice %arg17[%dma_start3A_127, %dma_start3A_128] : memref<10240x64xf32, #tpu.memory_space<vmem_shared>> -> memref<10240x64xf32, #tpu.memory_space<vmem_shared>>
      tpu.enqueue_indirect_dma source(%arg8 : memref<125x64xf32, #tpu.memory_space<vmem>>) target(%dma_start3A_129 : memref<10240x64xf32, #tpu.memory_space<vmem_shared>>) offsets(%dma_start3A_126 : memref<125xi32, #tpu.memory_space<vmem>>) semaphore(%arg26 : memref<!tpu.dma_semaphore, #tpu.memory_space<semaphore_mem>>) {add = true}
      %mul3A_130 = arith.constant 8 : i32
      %mul3A_131 = arith.muli %scan3A_102, %mul3A_130 : i32
      %add3A_132 = arith.constant 1 : i32
      %add3A_133 = arith.addi %mul3A_131, %add3A_132 : i32
      %gt3A_134 = arith.constant 0 : i32
      %gt3A_135 = arith.cmpi sgt, %scan3A_102, %gt3A_134 : i32
      %convert_element_type3A_136 = arith.extui %gt3A_135 : i1 to i32
      %cond3A_137 = arith.constant 0 : i32
      %cond3A_138 = arith.cmpi ne, %convert_element_type3A_136, %cond3A_137 : i32
      scf.if %cond3A_138 {
        %dma_wait3A_301 = arith.constant 0 : i32
        %dma_wait3A_302 = arith.constant 0 : i32
        %dma_wait3A_303 = tpu.memref_slice %arg4[%dma_wait3A_301, %dma_wait3A_302] : memref<10000x64xf32, #tpu.memory_space<hbm>> -> memref<125x64xf32, #tpu.memory_space<hbm>>
        %dma_wait3A_304 = arith.constant 0 : i32
        %dma_wait3A_305 = arith.constant 0 : i32
        %dma_wait3A_306 = tpu.memref_slice %arg4[%dma_wait3A_304, %dma_wait3A_305] : memref<10000x64xf32, #tpu.memory_space<hbm>> -> memref<125x64xf32, #tpu.memory_space<hbm>>
        tpu.wait_dma2 semaphore(%arg31 : memref<!tpu.dma_semaphore, #tpu.memory_space<semaphore_mem>>) src(%dma_wait3A_306 : memref<125x64xf32, #tpu.memory_space<hbm>>) dst(%arg13 : memref<125x64xf32, #tpu.memory_space<vmem>>)
      } else {
      }
      %add3A_139 = arith.constant 4 : i32
      %add3A_140 = arith.addi %add3A_133, %add3A_139 : i32
      %dma_start3A_141 = arith.constant 0 : i32
      %dma_start3A_142 = tpu.memref_slice %arg6[%add3A_140, %dma_start3A_141] : memref<80x125xi32, #tpu.memory_space<vmem>> -> memref<1x125xi32, #tpu.memory_space<vmem>>
      %dma_start3A_143 = tpu.memref_squeeze %dma_start3A_142 : memref<1x125xi32, #tpu.memory_space<vmem>> -> memref<125xi32, #tpu.memory_space<vmem>>
      %dma_start3A_144 = arith.constant 0 : i32
      %dma_start3A_145 = arith.constant 0 : i32
      %dma_start3A_146 = tpu.memref_slice %arg4[%dma_start3A_144, %dma_start3A_145] : memref<10000x64xf32, #tpu.memory_space<hbm>> -> memref<10000x64xf32, #tpu.memory_space<hbm>>
      tpu.enqueue_indirect_dma source(%dma_start3A_146 : memref<10000x64xf32, #tpu.memory_space<hbm>>) target(%arg13 : memref<125x64xf32, #tpu.memory_space<vmem>>) offsets(%dma_start3A_143 : memref<125xi32, #tpu.memory_space<vmem>>) semaphore(%arg23 : memref<!tpu.dma_semaphore, #tpu.memory_space<semaphore_mem>>)
      %dma_wait3A_147 = arith.constant 0 : i32
      %dma_wait3A_148 = arith.constant 0 : i32
      %dma_wait3A_149 = tpu.memref_slice %arg4[%dma_wait3A_147, %dma_wait3A_148] : memref<10000x64xf32, #tpu.memory_space<hbm>> -> memref<125x64xf32, #tpu.memory_space<hbm>>
      %dma_wait3A_150 = arith.constant 0 : i32
      %dma_wait3A_151 = arith.constant 0 : i32
      %dma_wait3A_152 = tpu.memref_slice %arg4[%dma_wait3A_150, %dma_wait3A_151] : memref<10000x64xf32, #tpu.memory_space<hbm>> -> memref<125x64xf32, #tpu.memory_space<hbm>>
      tpu.wait_dma2 semaphore(%arg19 : memref<!tpu.dma_semaphore, #tpu.memory_space<semaphore_mem>>) src(%dma_wait3A_152 : memref<125x64xf32, #tpu.memory_space<hbm>>) dst(%arg9 : memref<125x64xf32, #tpu.memory_space<vmem>>)
      %dma_start3A_153 = arith.constant 0 : i32
      %dma_start3A_154 = tpu.memref_slice %arg7[%add3A_133, %dma_start3A_153] : memref<80x125xi32, #tpu.memory_space<vmem>> -> memref<1x125xi32, #tpu.memory_space<vmem>>
      %dma_start3A_155 = tpu.memref_squeeze %dma_start3A_154 : memref<1x125xi32, #tpu.memory_space<vmem>> -> memref<125xi32, #tpu.memory_space<vmem>>
      %dma_start3A_156 = arith.constant 0 : i32
      %dma_start3A_157 = arith.constant 0 : i32
      %dma_start3A_158 = tpu.memref_slice %arg17[%dma_start3A_156, %dma_start3A_157] : memref<10240x64xf32, #tpu.memory_space<vmem_shared>> -> memref<10240x64xf32, #tpu.memory_space<vmem_shared>>
      tpu.enqueue_indirect_dma source(%arg9 : memref<125x64xf32, #tpu.memory_space<vmem>>) target(%dma_start3A_158 : memref<10240x64xf32, #tpu.memory_space<vmem_shared>>) offsets(%dma_start3A_155 : memref<125xi32, #tpu.memory_space<vmem>>) semaphore(%arg27 : memref<!tpu.dma_semaphore, #tpu.memory_space<semaphore_mem>>) {add = true}
      %mul3A_159 = arith.constant 8 : i32
      %mul3A_160 = arith.muli %scan3A_102, %mul3A_159 : i32
      %add3A_161 = arith.constant 2 : i32
      %add3A_162 = arith.addi %mul3A_160, %add3A_161 : i32
      %gt3A_163 = arith.constant 0 : i32
      %gt3A_164 = arith.cmpi sgt, %scan3A_102, %gt3A_163 : i32
      %convert_element_type3A_165 = arith.extui %gt3A_164 : i1 to i32
      %cond3A_166 = arith.constant 0 : i32
      %cond3A_167 = arith.cmpi ne, %convert_element_type3A_165, %cond3A_166 : i32
      scf.if %cond3A_167 {
        %dma_wait3A_301 = arith.constant 0 : i32
        %dma_wait3A_302 = arith.constant 0 : i32
        %dma_wait3A_303 = tpu.memref_slice %arg4[%dma_wait3A_301, %dma_wait3A_302] : memref<10000x64xf32, #tpu.memory_space<hbm>> -> memref<125x64xf32, #tpu.memory_space<hbm>>
        %dma_wait3A_304 = arith.constant 0 : i32
        %dma_wait3A_305 = arith.constant 0 : i32
        %dma_wait3A_306 = tpu.memref_slice %arg4[%dma_wait3A_304, %dma_wait3A_305] : memref<10000x64xf32, #tpu.memory_space<hbm>> -> memref<125x64xf32, #tpu.memory_space<hbm>>
        tpu.wait_dma2 semaphore(%arg32 : memref<!tpu.dma_semaphore, #tpu.memory_space<semaphore_mem>>) src(%dma_wait3A_306 : memref<125x64xf32, #tpu.memory_space<hbm>>) dst(%arg14 : memref<125x64xf32, #tpu.memory_space<vmem>>)
      } else {
      }
      %add3A_168 = arith.constant 4 : i32
      %add3A_169 = arith.addi %add3A_162, %add3A_168 : i32
      %dma_start3A_170 = arith.constant 0 : i32
      %dma_start3A_171 = tpu.memref_slice %arg6[%add3A_169, %dma_start3A_170] : memref<80x125xi32, #tpu.memory_space<vmem>> -> memref<1x125xi32, #tpu.memory_space<vmem>>
      %dma_start3A_172 = tpu.memref_squeeze %dma_start3A_171 : memref<1x125xi32, #tpu.memory_space<vmem>> -> memref<125xi32, #tpu.memory_space<vmem>>
      %dma_start3A_173 = arith.constant 0 : i32
      %dma_start3A_174 = arith.constant 0 : i32
      %dma_start3A_175 = tpu.memref_slice %arg4[%dma_start3A_173, %dma_start3A_174] : memref<10000x64xf32, #tpu.memory_space<hbm>> -> memref<10000x64xf32, #tpu.memory_space<hbm>>
      tpu.enqueue_indirect_dma source(%dma_start3A_175 : memref<10000x64xf32, #tpu.memory_space<hbm>>) target(%arg14 : memref<125x64xf32, #tpu.memory_space<vmem>>) offsets(%dma_start3A_172 : memref<125xi32, #tpu.memory_space<vmem>>) semaphore(%arg24 : memref<!tpu.dma_semaphore, #tpu.memory_space<semaphore_mem>>)
      %dma_wait3A_176 = arith.constant 0 : i32
      %dma_wait3A_177 = arith.constant 0 : i32
      %dma_wait3A_178 = tpu.memref_slice %arg4[%dma_wait3A_176, %dma_wait3A_177] : memref<10000x64xf32, #tpu.memory_space<hbm>> -> memref<125x64xf32, #tpu.memory_space<hbm>>
      %dma_wait3A_179 = arith.constant 0 : i32
      %dma_wait3A_180 = arith.constant 0 : i32
      %dma_wait3A_181 = tpu.memref_slice %arg4[%dma_wait3A_179, %dma_wait3A_180] : memref<10000x64xf32, #tpu.memory_space<hbm>> -> memref<125x64xf32, #tpu.memory_space<hbm>>
      tpu.wait_dma2 semaphore(%arg20 : memref<!tpu.dma_semaphore, #tpu.memory_space<semaphore_mem>>) src(%dma_wait3A_181 : memref<125x64xf32, #tpu.memory_space<hbm>>) dst(%arg10 : memref<125x64xf32, #tpu.memory_space<vmem>>)
      %dma_start3A_182 = arith.constant 0 : i32
      %dma_start3A_183 = tpu.memref_slice %arg7[%add3A_162, %dma_start3A_182] : memref<80x125xi32, #tpu.memory_space<vmem>> -> memref<1x125xi32, #tpu.memory_space<vmem>>
      %dma_start3A_184 = tpu.memref_squeeze %dma_start3A_183 : memref<1x125xi32, #tpu.memory_space<vmem>> -> memref<125xi32, #tpu.memory_space<vmem>>
      %dma_start3A_185 = arith.constant 0 : i32
      %dma_start3A_186 = arith.constant 0 : i32
      %dma_start3A_187 = tpu.memref_slice %arg17[%dma_start3A_185, %dma_start3A_186] : memref<10240x64xf32, #tpu.memory_space<vmem_shared>> -> memref<10240x64xf32, #tpu.memory_space<vmem_shared>>
      tpu.enqueue_indirect_dma source(%arg10 : memref<125x64xf32, #tpu.memory_space<vmem>>) target(%dma_start3A_187 : memref<10240x64xf32, #tpu.memory_space<vmem_shared>>) offsets(%dma_start3A_184 : memref<125xi32, #tpu.memory_space<vmem>>) semaphore(%arg28 : memref<!tpu.dma_semaphore, #tpu.memory_space<semaphore_mem>>) {add = true}
      %mul3A_188 = arith.constant 8 : i32
      %mul3A_189 = arith.muli %scan3A_102, %mul3A_188 : i32
      %add3A_190 = arith.constant 3 : i32
      %add3A_191 = arith.addi %mul3A_189, %add3A_190 : i32
      %gt3A_192 = arith.constant 0 : i32
      %gt3A_193 = arith.cmpi sgt, %scan3A_102, %gt3A_192 : i32
      %convert_element_type3A_194 = arith.extui %gt3A_193 : i1 to i32
      %cond3A_195 = arith.constant 0 : i32
      %cond3A_196 = arith.cmpi ne, %convert_element_type3A_194, %cond3A_195 : i32
      scf.if %cond3A_196 {
        %dma_wait3A_301 = arith.constant 0 : i32
        %dma_wait3A_302 = arith.constant 0 : i32
        %dma_wait3A_303 = tpu.memref_slice %arg4[%dma_wait3A_301, %dma_wait3A_302] : memref<10000x64xf32, #tpu.memory_space<hbm>> -> memref<125x64xf32, #tpu.memory_space<hbm>>
        %dma_wait3A_304 = arith.constant 0 : i32
        %dma_wait3A_305 = arith.constant 0 : i32
        %dma_wait3A_306 = tpu.memref_slice %arg4[%dma_wait3A_304, %dma_wait3A_305] : memref<10000x64xf32, #tpu.memory_space<hbm>> -> memref<125x64xf32, #tpu.memory_space<hbm>>
        tpu.wait_dma2 semaphore(%arg33 : memref<!tpu.dma_semaphore, #tpu.memory_space<semaphore_mem>>) src(%dma_wait3A_306 : memref<125x64xf32, #tpu.memory_space<hbm>>) dst(%arg15 : memref<125x64xf32, #tpu.memory_space<vmem>>)
      } else {
      }
      %add3A_197 = arith.constant 4 : i32
      %add3A_198 = arith.addi %add3A_191, %add3A_197 : i32
      %dma_start3A_199 = arith.constant 0 : i32
      %dma_start3A_200 = tpu.memref_slice %arg6[%add3A_198, %dma_start3A_199] : memref<80x125xi32, #tpu.memory_space<vmem>> -> memref<1x125xi32, #tpu.memory_space<vmem>>
      %dma_start3A_201 = tpu.memref_squeeze %dma_start3A_200 : memref<1x125xi32, #tpu.memory_space<vmem>> -> memref<125xi32, #tpu.memory_space<vmem>>
      %dma_start3A_202 = arith.constant 0 : i32
      %dma_start3A_203 = arith.constant 0 : i32
      %dma_start3A_204 = tpu.memref_slice %arg4[%dma_start3A_202, %dma_start3A_203] : memref<10000x64xf32, #tpu.memory_space<hbm>> -> memref<10000x64xf32, #tpu.memory_space<hbm>>
      tpu.enqueue_indirect_dma source(%dma_start3A_204 : memref<10000x64xf32, #tpu.memory_space<hbm>>) target(%arg15 : memref<125x64xf32, #tpu.memory_space<vmem>>) offsets(%dma_start3A_201 : memref<125xi32, #tpu.memory_space<vmem>>) semaphore(%arg25 : memref<!tpu.dma_semaphore, #tpu.memory_space<semaphore_mem>>)
      %dma_wait3A_205 = arith.constant 0 : i32
      %dma_wait3A_206 = arith.constant 0 : i32
      %dma_wait3A_207 = tpu.memref_slice %arg4[%dma_wait3A_205, %dma_wait3A_206] : memref<10000x64xf32, #tpu.memory_space<hbm>> -> memref<125x64xf32, #tpu.memory_space<hbm>>
      %dma_wait3A_208 = arith.constant 0 : i32
      %dma_wait3A_209 = arith.constant 0 : i32
      %dma_wait3A_210 = tpu.memref_slice %arg4[%dma_wait3A_208, %dma_wait3A_209] : memref<10000x64xf32, #tpu.memory_space<hbm>> -> memref<125x64xf32, #tpu.memory_space<hbm>>
      tpu.wait_dma2 semaphore(%arg21 : memref<!tpu.dma_semaphore, #tpu.memory_space<semaphore_mem>>) src(%dma_wait3A_210 : memref<125x64xf32, #tpu.memory_space<hbm>>) dst(%arg11 : memref<125x64xf32, #tpu.memory_space<vmem>>)
      %dma_start3A_211 = arith.constant 0 : i32
      %dma_start3A_212 = tpu.memref_slice %arg7[%add3A_191, %dma_start3A_211] : memref<80x125xi32, #tpu.memory_space<vmem>> -> memref<1x125xi32, #tpu.memory_space<vmem>>
      %dma_start3A_213 = tpu.memref_squeeze %dma_start3A_212 : memref<1x125xi32, #tpu.memory_space<vmem>> -> memref<125xi32, #tpu.memory_space<vmem>>
      %dma_start3A_214 = arith.constant 0 : i32
      %dma_start3A_215 = arith.constant 0 : i32
      %dma_start3A_216 = tpu.memref_slice %arg17[%dma_start3A_214, %dma_start3A_215] : memref<10240x64xf32, #tpu.memory_space<vmem_shared>> -> memref<10240x64xf32, #tpu.memory_space<vmem_shared>>
      tpu.enqueue_indirect_dma source(%arg11 : memref<125x64xf32, #tpu.memory_space<vmem>>) target(%dma_start3A_216 : memref<10240x64xf32, #tpu.memory_space<vmem_shared>>) offsets(%dma_start3A_213 : memref<125xi32, #tpu.memory_space<vmem>>) semaphore(%arg29 : memref<!tpu.dma_semaphore, #tpu.memory_space<semaphore_mem>>) {add = true}
      %mul3A_217 = arith.constant 8 : i32
      %mul3A_218 = arith.muli %scan3A_102, %mul3A_217 : i32
      %add3A_219 = arith.constant 4 : i32
      %add3A_220 = arith.addi %mul3A_218, %add3A_219 : i32
      %lt3A = arith.constant 9 : i32
      %lt3A_221 = arith.cmpi slt, %scan3A_102, %lt3A : i32
      %convert_element_type3A_222 = arith.extui %lt3A_221 : i1 to i32
      %cond3A_223 = arith.constant 0 : i32
      %cond3A_224 = arith.cmpi ne, %convert_element_type3A_222, %cond3A_223 : i32
      scf.if %cond3A_224 {
        %dma_wait3A_301 = arith.constant 0 : i32
        %dma_wait3A_302 = arith.constant 0 : i32
        %dma_wait3A_303 = tpu.memref_slice %arg4[%dma_wait3A_301, %dma_wait3A_302] : memref<10000x64xf32, #tpu.memory_space<hbm>> -> memref<125x64xf32, #tpu.memory_space<hbm>>
        %dma_wait3A_304 = arith.constant 0 : i32
        %dma_wait3A_305 = arith.constant 0 : i32
        %dma_wait3A_306 = tpu.memref_slice %arg4[%dma_wait3A_304, %dma_wait3A_305] : memref<10000x64xf32, #tpu.memory_space<hbm>> -> memref<125x64xf32, #tpu.memory_space<hbm>>
        tpu.wait_dma2 semaphore(%arg26 : memref<!tpu.dma_semaphore, #tpu.memory_space<semaphore_mem>>) src(%dma_wait3A_306 : memref<125x64xf32, #tpu.memory_space<hbm>>) dst(%arg8 : memref<125x64xf32, #tpu.memory_space<vmem>>)
        %add3A_307 = arith.constant 4 : i32
        %add3A_308 = arith.addi %add3A_220, %add3A_307 : i32
        %dma_start3A_309 = arith.constant 0 : i32
        %dma_start3A_310 = tpu.memref_slice %arg6[%add3A_308, %dma_start3A_309] : memref<80x125xi32, #tpu.memory_space<vmem>> -> memref<1x125xi32, #tpu.memory_space<vmem>>
        %dma_start3A_311 = tpu.memref_squeeze %dma_start3A_310 : memref<1x125xi32, #tpu.memory_space<vmem>> -> memref<125xi32, #tpu.memory_space<vmem>>
        %dma_start3A_312 = arith.constant 0 : i32
        %dma_start3A_313 = arith.constant 0 : i32
        %dma_start3A_314 = tpu.memref_slice %arg4[%dma_start3A_312, %dma_start3A_313] : memref<10000x64xf32, #tpu.memory_space<hbm>> -> memref<10000x64xf32, #tpu.memory_space<hbm>>
        tpu.enqueue_indirect_dma source(%dma_start3A_314 : memref<10000x64xf32, #tpu.memory_space<hbm>>) target(%arg8 : memref<125x64xf32, #tpu.memory_space<vmem>>) offsets(%dma_start3A_311 : memref<125xi32, #tpu.memory_space<vmem>>) semaphore(%arg18 : memref<!tpu.dma_semaphore, #tpu.memory_space<semaphore_mem>>)
      } else {
      }
      %dma_wait3A_225 = arith.constant 0 : i32
      %dma_wait3A_226 = arith.constant 0 : i32
      %dma_wait3A_227 = tpu.memref_slice %arg4[%dma_wait3A_225, %dma_wait3A_226] : memref<10000x64xf32, #tpu.memory_space<hbm>> -> memref<125x64xf32, #tpu.memory_space<hbm>>
      %dma_wait3A_228 = arith.constant 0 : i32
      %dma_wait3A_229 = arith.constant 0 : i32
      %dma_wait3A_230 = tpu.memref_slice %arg4[%dma_wait3A_228, %dma_wait3A_229] : memref<10000x64xf32, #tpu.memory_space<hbm>> -> memref<125x64xf32, #tpu.memory_space<hbm>>
      tpu.wait_dma2 semaphore(%arg22 : memref<!tpu.dma_semaphore, #tpu.memory_space<semaphore_mem>>) src(%dma_wait3A_230 : memref<125x64xf32, #tpu.memory_space<hbm>>) dst(%arg12 : memref<125x64xf32, #tpu.memory_space<vmem>>)
      %dma_start3A_231 = arith.constant 0 : i32
      %dma_start3A_232 = tpu.memref_slice %arg7[%add3A_220, %dma_start3A_231] : memref<80x125xi32, #tpu.memory_space<vmem>> -> memref<1x125xi32, #tpu.memory_space<vmem>>
      %dma_start3A_233 = tpu.memref_squeeze %dma_start3A_232 : memref<1x125xi32, #tpu.memory_space<vmem>> -> memref<125xi32, #tpu.memory_space<vmem>>
      %dma_start3A_234 = arith.constant 0 : i32
      %dma_start3A_235 = arith.constant 0 : i32
      %dma_start3A_236 = tpu.memref_slice %arg17[%dma_start3A_234, %dma_start3A_235] : memref<10240x64xf32, #tpu.memory_space<vmem_shared>> -> memref<10240x64xf32, #tpu.memory_space<vmem_shared>>
      tpu.enqueue_indirect_dma source(%arg12 : memref<125x64xf32, #tpu.memory_space<vmem>>) target(%dma_start3A_236 : memref<10240x64xf32, #tpu.memory_space<vmem_shared>>) offsets(%dma_start3A_233 : memref<125xi32, #tpu.memory_space<vmem>>) semaphore(%arg30 : memref<!tpu.dma_semaphore, #tpu.memory_space<semaphore_mem>>) {add = true}
      %mul3A_237 = arith.constant 8 : i32
      %mul3A_238 = arith.muli %scan3A_102, %mul3A_237 : i32
      %add3A_239 = arith.constant 5 : i32
      %add3A_240 = arith.addi %mul3A_238, %add3A_239 : i32
      %lt3A_241 = arith.constant 9 : i32
      %lt3A_242 = arith.cmpi slt, %scan3A_102, %lt3A_241 : i32
      %convert_element_type3A_243 = arith.extui %lt3A_242 : i1 to i32
      %cond3A_244 = arith.constant 0 : i32
      %cond3A_245 = arith.cmpi ne, %convert_element_type3A_243, %cond3A_244 : i32
      scf.if %cond3A_245 {
        %dma_wait3A_301 = arith.constant 0 : i32
        %dma_wait3A_302 = arith.constant 0 : i32
        %dma_wait3A_303 = tpu.memref_slice %arg4[%dma_wait3A_301, %dma_wait3A_302] : memref<10000x64xf32, #tpu.memory_space<hbm>> -> memref<125x64xf32, #tpu.memory_space<hbm>>
        %dma_wait3A_304 = arith.constant 0 : i32
        %dma_wait3A_305 = arith.constant 0 : i32
        %dma_wait3A_306 = tpu.memref_slice %arg4[%dma_wait3A_304, %dma_wait3A_305] : memref<10000x64xf32, #tpu.memory_space<hbm>> -> memref<125x64xf32, #tpu.memory_space<hbm>>
        tpu.wait_dma2 semaphore(%arg27 : memref<!tpu.dma_semaphore, #tpu.memory_space<semaphore_mem>>) src(%dma_wait3A_306 : memref<125x64xf32, #tpu.memory_space<hbm>>) dst(%arg9 : memref<125x64xf32, #tpu.memory_space<vmem>>)
        %add3A_307 = arith.constant 4 : i32
        %add3A_308 = arith.addi %add3A_240, %add3A_307 : i32
        %dma_start3A_309 = arith.constant 0 : i32
        %dma_start3A_310 = tpu.memref_slice %arg6[%add3A_308, %dma_start3A_309] : memref<80x125xi32, #tpu.memory_space<vmem>> -> memref<1x125xi32, #tpu.memory_space<vmem>>
        %dma_start3A_311 = tpu.memref_squeeze %dma_start3A_310 : memref<1x125xi32, #tpu.memory_space<vmem>> -> memref<125xi32, #tpu.memory_space<vmem>>
        %dma_start3A_312 = arith.constant 0 : i32
        %dma_start3A_313 = arith.constant 0 : i32
        %dma_start3A_314 = tpu.memref_slice %arg4[%dma_start3A_312, %dma_start3A_313] : memref<10000x64xf32, #tpu.memory_space<hbm>> -> memref<10000x64xf32, #tpu.memory_space<hbm>>
        tpu.enqueue_indirect_dma source(%dma_start3A_314 : memref<10000x64xf32, #tpu.memory_space<hbm>>) target(%arg9 : memref<125x64xf32, #tpu.memory_space<vmem>>) offsets(%dma_start3A_311 : memref<125xi32, #tpu.memory_space<vmem>>) semaphore(%arg19 : memref<!tpu.dma_semaphore, #tpu.memory_space<semaphore_mem>>)
      } else {
      }
      %dma_wait3A_246 = arith.constant 0 : i32
      %dma_wait3A_247 = arith.constant 0 : i32
      %dma_wait3A_248 = tpu.memref_slice %arg4[%dma_wait3A_246, %dma_wait3A_247] : memref<10000x64xf32, #tpu.memory_space<hbm>> -> memref<125x64xf32, #tpu.memory_space<hbm>>
      %dma_wait3A_249 = arith.constant 0 : i32
      %dma_wait3A_250 = arith.constant 0 : i32
      %dma_wait3A_251 = tpu.memref_slice %arg4[%dma_wait3A_249, %dma_wait3A_250] : memref<10000x64xf32, #tpu.memory_space<hbm>> -> memref<125x64xf32, #tpu.memory_space<hbm>>
      tpu.wait_dma2 semaphore(%arg23 : memref<!tpu.dma_semaphore, #tpu.memory_space<semaphore_mem>>) src(%dma_wait3A_251 : memref<125x64xf32, #tpu.memory_space<hbm>>) dst(%arg13 : memref<125x64xf32, #tpu.memory_space<vmem>>)
      %dma_start3A_252 = arith.constant 0 : i32
      %dma_start3A_253 = tpu.memref_slice %arg7[%add3A_240, %dma_start3A_252] : memref<80x125xi32, #tpu.memory_space<vmem>> -> memref<1x125xi32, #tpu.memory_space<vmem>>
      %dma_start3A_254 = tpu.memref_squeeze %dma_start3A_253 : memref<1x125xi32, #tpu.memory_space<vmem>> -> memref<125xi32, #tpu.memory_space<vmem>>
      %dma_start3A_255 = arith.constant 0 : i32
      %dma_start3A_256 = arith.constant 0 : i32
      %dma_start3A_257 = tpu.memref_slice %arg17[%dma_start3A_255, %dma_start3A_256] : memref<10240x64xf32, #tpu.memory_space<vmem_shared>> -> memref<10240x64xf32, #tpu.memory_space<vmem_shared>>
      tpu.enqueue_indirect_dma source(%arg13 : memref<125x64xf32, #tpu.memory_space<vmem>>) target(%dma_start3A_257 : memref<10240x64xf32, #tpu.memory_space<vmem_shared>>) offsets(%dma_start3A_254 : memref<125xi32, #tpu.memory_space<vmem>>) semaphore(%arg31 : memref<!tpu.dma_semaphore, #tpu.memory_space<semaphore_mem>>) {add = true}
      %mul3A_258 = arith.constant 8 : i32
      %mul3A_259 = arith.muli %scan3A_102, %mul3A_258 : i32
      %add3A_260 = arith.constant 6 : i32
      %add3A_261 = arith.addi %mul3A_259, %add3A_260 : i32
      %lt3A_262 = arith.constant 9 : i32
      %lt3A_263 = arith.cmpi slt, %scan3A_102, %lt3A_262 : i32
      %convert_element_type3A_264 = arith.extui %lt3A_263 : i1 to i32
      %cond3A_265 = arith.constant 0 : i32
      %cond3A_266 = arith.cmpi ne, %convert_element_type3A_264, %cond3A_265 : i32
      scf.if %cond3A_266 {
        %dma_wait3A_301 = arith.constant 0 : i32
        %dma_wait3A_302 = arith.constant 0 : i32
        %dma_wait3A_303 = tpu.memref_slice %arg4[%dma_wait3A_301, %dma_wait3A_302] : memref<10000x64xf32, #tpu.memory_space<hbm>> -> memref<125x64xf32, #tpu.memory_space<hbm>>
        %dma_wait3A_304 = arith.constant 0 : i32
        %dma_wait3A_305 = arith.constant 0 : i32
        %dma_wait3A_306 = tpu.memref_slice %arg4[%dma_wait3A_304, %dma_wait3A_305] : memref<10000x64xf32, #tpu.memory_space<hbm>> -> memref<125x64xf32, #tpu.memory_space<hbm>>
        tpu.wait_dma2 semaphore(%arg28 : memref<!tpu.dma_semaphore, #tpu.memory_space<semaphore_mem>>) src(%dma_wait3A_306 : memref<125x64xf32, #tpu.memory_space<hbm>>) dst(%arg10 : memref<125x64xf32, #tpu.memory_space<vmem>>)
        %add3A_307 = arith.constant 4 : i32
        %add3A_308 = arith.addi %add3A_261, %add3A_307 : i32
        %dma_start3A_309 = arith.constant 0 : i32
        %dma_start3A_310 = tpu.memref_slice %arg6[%add3A_308, %dma_start3A_309] : memref<80x125xi32, #tpu.memory_space<vmem>> -> memref<1x125xi32, #tpu.memory_space<vmem>>
        %dma_start3A_311 = tpu.memref_squeeze %dma_start3A_310 : memref<1x125xi32, #tpu.memory_space<vmem>> -> memref<125xi32, #tpu.memory_space<vmem>>
        %dma_start3A_312 = arith.constant 0 : i32
        %dma_start3A_313 = arith.constant 0 : i32
        %dma_start3A_314 = tpu.memref_slice %arg4[%dma_start3A_312, %dma_start3A_313] : memref<10000x64xf32, #tpu.memory_space<hbm>> -> memref<10000x64xf32, #tpu.memory_space<hbm>>
        tpu.enqueue_indirect_dma source(%dma_start3A_314 : memref<10000x64xf32, #tpu.memory_space<hbm>>) target(%arg10 : memref<125x64xf32, #tpu.memory_space<vmem>>) offsets(%dma_start3A_311 : memref<125xi32, #tpu.memory_space<vmem>>) semaphore(%arg20 : memref<!tpu.dma_semaphore, #tpu.memory_space<semaphore_mem>>)
      } else {
      }
      %dma_wait3A_267 = arith.constant 0 : i32
      %dma_wait3A_268 = arith.constant 0 : i32
      %dma_wait3A_269 = tpu.memref_slice %arg4[%dma_wait3A_267, %dma_wait3A_268] : memref<10000x64xf32, #tpu.memory_space<hbm>> -> memref<125x64xf32, #tpu.memory_space<hbm>>
      %dma_wait3A_270 = arith.constant 0 : i32
      %dma_wait3A_271 = arith.constant 0 : i32
      %dma_wait3A_272 = tpu.memref_slice %arg4[%dma_wait3A_270, %dma_wait3A_271] : memref<10000x64xf32, #tpu.memory_space<hbm>> -> memref<125x64xf32, #tpu.memory_space<hbm>>
      tpu.wait_dma2 semaphore(%arg24 : memref<!tpu.dma_semaphore, #tpu.memory_space<semaphore_mem>>) src(%dma_wait3A_272 : memref<125x64xf32, #tpu.memory_space<hbm>>) dst(%arg14 : memref<125x64xf32, #tpu.memory_space<vmem>>)
      %dma_start3A_273 = arith.constant 0 : i32
      %dma_start3A_274 = tpu.memref_slice %arg7[%add3A_261, %dma_start3A_273] : memref<80x125xi32, #tpu.memory_space<vmem>> -> memref<1x125xi32, #tpu.memory_space<vmem>>
      %dma_start3A_275 = tpu.memref_squeeze %dma_start3A_274 : memref<1x125xi32, #tpu.memory_space<vmem>> -> memref<125xi32, #tpu.memory_space<vmem>>
      %dma_start3A_276 = arith.constant 0 : i32
      %dma_start3A_277 = arith.constant 0 : i32
      %dma_start3A_278 = tpu.memref_slice %arg17[%dma_start3A_276, %dma_start3A_277] : memref<10240x64xf32, #tpu.memory_space<vmem_shared>> -> memref<10240x64xf32, #tpu.memory_space<vmem_shared>>
      tpu.enqueue_indirect_dma source(%arg14 : memref<125x64xf32, #tpu.memory_space<vmem>>) target(%dma_start3A_278 : memref<10240x64xf32, #tpu.memory_space<vmem_shared>>) offsets(%dma_start3A_275 : memref<125xi32, #tpu.memory_space<vmem>>) semaphore(%arg32 : memref<!tpu.dma_semaphore, #tpu.memory_space<semaphore_mem>>) {add = true}
      %mul3A_279 = arith.constant 8 : i32
      %mul3A_280 = arith.muli %scan3A_102, %mul3A_279 : i32
      %add3A_281 = arith.constant 7 : i32
      %add3A_282 = arith.addi %mul3A_280, %add3A_281 : i32
      %lt3A_283 = arith.constant 9 : i32
      %lt3A_284 = arith.cmpi slt, %scan3A_102, %lt3A_283 : i32
      %convert_element_type3A_285 = arith.extui %lt3A_284 : i1 to i32
      %cond3A_286 = arith.constant 0 : i32
      %cond3A_287 = arith.cmpi ne, %convert_element_type3A_285, %cond3A_286 : i32
      scf.if %cond3A_287 {
        %dma_wait3A_301 = arith.constant 0 : i32
        %dma_wait3A_302 = arith.constant 0 : i32
        %dma_wait3A_303 = tpu.memref_slice %arg4[%dma_wait3A_301, %dma_wait3A_302] : memref<10000x64xf32, #tpu.memory_space<hbm>> -> memref<125x64xf32, #tpu.memory_space<hbm>>
        %dma_wait3A_304 = arith.constant 0 : i32
        %dma_wait3A_305 = arith.constant 0 : i32
        %dma_wait3A_306 = tpu.memref_slice %arg4[%dma_wait3A_304, %dma_wait3A_305] : memref<10000x64xf32, #tpu.memory_space<hbm>> -> memref<125x64xf32, #tpu.memory_space<hbm>>
        tpu.wait_dma2 semaphore(%arg29 : memref<!tpu.dma_semaphore, #tpu.memory_space<semaphore_mem>>) src(%dma_wait3A_306 : memref<125x64xf32, #tpu.memory_space<hbm>>) dst(%arg11 : memref<125x64xf32, #tpu.memory_space<vmem>>)
        %add3A_307 = arith.constant 4 : i32
        %add3A_308 = arith.addi %add3A_282, %add3A_307 : i32
        %dma_start3A_309 = arith.constant 0 : i32
        %dma_start3A_310 = tpu.memref_slice %arg6[%add3A_308, %dma_start3A_309] : memref<80x125xi32, #tpu.memory_space<vmem>> -> memref<1x125xi32, #tpu.memory_space<vmem>>
        %dma_start3A_311 = tpu.memref_squeeze %dma_start3A_310 : memref<1x125xi32, #tpu.memory_space<vmem>> -> memref<125xi32, #tpu.memory_space<vmem>>
        %dma_start3A_312 = arith.constant 0 : i32
        %dma_start3A_313 = arith.constant 0 : i32
        %dma_start3A_314 = tpu.memref_slice %arg4[%dma_start3A_312, %dma_start3A_313] : memref<10000x64xf32, #tpu.memory_space<hbm>> -> memref<10000x64xf32, #tpu.memory_space<hbm>>
        tpu.enqueue_indirect_dma source(%dma_start3A_314 : memref<10000x64xf32, #tpu.memory_space<hbm>>) target(%arg11 : memref<125x64xf32, #tpu.memory_space<vmem>>) offsets(%dma_start3A_311 : memref<125xi32, #tpu.memory_space<vmem>>) semaphore(%arg21 : memref<!tpu.dma_semaphore, #tpu.memory_space<semaphore_mem>>)
      } else {
      }
      %dma_wait3A_288 = arith.constant 0 : i32
      %dma_wait3A_289 = arith.constant 0 : i32
      %dma_wait3A_290 = tpu.memref_slice %arg4[%dma_wait3A_288, %dma_wait3A_289] : memref<10000x64xf32, #tpu.memory_space<hbm>> -> memref<125x64xf32, #tpu.memory_space<hbm>>
      %dma_wait3A_291 = arith.constant 0 : i32
      %dma_wait3A_292 = arith.constant 0 : i32
      %dma_wait3A_293 = tpu.memref_slice %arg4[%dma_wait3A_291, %dma_wait3A_292] : memref<10000x64xf32, #tpu.memory_space<hbm>> -> memref<125x64xf32, #tpu.memory_space<hbm>>
      tpu.wait_dma2 semaphore(%arg25 : memref<!tpu.dma_semaphore, #tpu.memory_space<semaphore_mem>>) src(%dma_wait3A_293 : memref<125x64xf32, #tpu.memory_space<hbm>>) dst(%arg15 : memref<125x64xf32, #tpu.memory_space<vmem>>)
      %dma_start3A_294 = arith.constant 0 : i32
      %dma_start3A_295 = tpu.memref_slice %arg7[%add3A_282, %dma_start3A_294] : memref<80x125xi32, #tpu.memory_space<vmem>> -> memref<1x125xi32, #tpu.memory_space<vmem>>
      %dma_start3A_296 = tpu.memref_squeeze %dma_start3A_295 : memref<1x125xi32, #tpu.memory_space<vmem>> -> memref<125xi32, #tpu.memory_space<vmem>>
      %dma_start3A_297 = arith.constant 0 : i32
      %dma_start3A_298 = arith.constant 0 : i32
      %dma_start3A_299 = tpu.memref_slice %arg17[%dma_start3A_297, %dma_start3A_298] : memref<10240x64xf32, #tpu.memory_space<vmem_shared>> -> memref<10240x64xf32, #tpu.memory_space<vmem_shared>>
      tpu.enqueue_indirect_dma source(%arg15 : memref<125x64xf32, #tpu.memory_space<vmem>>) target(%dma_start3A_299 : memref<10240x64xf32, #tpu.memory_space<vmem_shared>>) offsets(%dma_start3A_296 : memref<125xi32, #tpu.memory_space<vmem>>) semaphore(%arg33 : memref<!tpu.dma_semaphore, #tpu.memory_space<semaphore_mem>>) {add = true}
      %scan3A_300 = arith.constant 0 : i32
      scf.yield %scan3A_300 : i32
    }
    %scan3A_53 = arith.constant 10 : i32
    %dma_wait3A = arith.constant 0 : i32
    %dma_wait3A_54 = arith.constant 0 : i32
    %dma_wait3A_55 = tpu.memref_slice %arg4[%dma_wait3A, %dma_wait3A_54] : memref<10000x64xf32, #tpu.memory_space<hbm>> -> memref<125x64xf32, #tpu.memory_space<hbm>>
    %dma_wait3A_56 = arith.constant 0 : i32
    %dma_wait3A_57 = arith.constant 0 : i32
    %dma_wait3A_58 = tpu.memref_slice %arg4[%dma_wait3A_56, %dma_wait3A_57] : memref<10000x64xf32, #tpu.memory_space<hbm>> -> memref<125x64xf32, #tpu.memory_space<hbm>>
    tpu.wait_dma2 semaphore(%arg26 : memref<!tpu.dma_semaphore, #tpu.memory_space<semaphore_mem>>) src(%dma_wait3A_58 : memref<125x64xf32, #tpu.memory_space<hbm>>) dst(%arg8 : memref<125x64xf32, #tpu.memory_space<vmem>>)
    %dma_wait3A_59 = arith.constant 0 : i32
    %dma_wait3A_60 = arith.constant 0 : i32
    %dma_wait3A_61 = tpu.memref_slice %arg4[%dma_wait3A_59, %dma_wait3A_60] : memref<10000x64xf32, #tpu.memory_space<hbm>> -> memref<125x64xf32, #tpu.memory_space<hbm>>
    %dma_wait3A_62 = arith.constant 0 : i32
    %dma_wait3A_63 = arith.constant 0 : i32
    %dma_wait3A_64 = tpu.memref_slice %arg4[%dma_wait3A_62, %dma_wait3A_63] : memref<10000x64xf32, #tpu.memory_space<hbm>> -> memref<125x64xf32, #tpu.memory_space<hbm>>
    tpu.wait_dma2 semaphore(%arg27 : memref<!tpu.dma_semaphore, #tpu.memory_space<semaphore_mem>>) src(%dma_wait3A_64 : memref<125x64xf32, #tpu.memory_space<hbm>>) dst(%arg9 : memref<125x64xf32, #tpu.memory_space<vmem>>)
    %dma_wait3A_65 = arith.constant 0 : i32
    %dma_wait3A_66 = arith.constant 0 : i32
    %dma_wait3A_67 = tpu.memref_slice %arg4[%dma_wait3A_65, %dma_wait3A_66] : memref<10000x64xf32, #tpu.memory_space<hbm>> -> memref<125x64xf32, #tpu.memory_space<hbm>>
    %dma_wait3A_68 = arith.constant 0 : i32
    %dma_wait3A_69 = arith.constant 0 : i32
    %dma_wait3A_70 = tpu.memref_slice %arg4[%dma_wait3A_68, %dma_wait3A_69] : memref<10000x64xf32, #tpu.memory_space<hbm>> -> memref<125x64xf32, #tpu.memory_space<hbm>>
    tpu.wait_dma2 semaphore(%arg28 : memref<!tpu.dma_semaphore, #tpu.memory_space<semaphore_mem>>) src(%dma_wait3A_70 : memref<125x64xf32, #tpu.memory_space<hbm>>) dst(%arg10 : memref<125x64xf32, #tpu.memory_space<vmem>>)
    %dma_wait3A_71 = arith.constant 0 : i32
    %dma_wait3A_72 = arith.constant 0 : i32
    %dma_wait3A_73 = tpu.memref_slice %arg4[%dma_wait3A_71, %dma_wait3A_72] : memref<10000x64xf32, #tpu.memory_space<hbm>> -> memref<125x64xf32, #tpu.memory_space<hbm>>
    %dma_wait3A_74 = arith.constant 0 : i32
    %dma_wait3A_75 = arith.constant 0 : i32
    %dma_wait3A_76 = tpu.memref_slice %arg4[%dma_wait3A_74, %dma_wait3A_75] : memref<10000x64xf32, #tpu.memory_space<hbm>> -> memref<125x64xf32, #tpu.memory_space<hbm>>
    tpu.wait_dma2 semaphore(%arg29 : memref<!tpu.dma_semaphore, #tpu.memory_space<semaphore_mem>>) src(%dma_wait3A_76 : memref<125x64xf32, #tpu.memory_space<hbm>>) dst(%arg11 : memref<125x64xf32, #tpu.memory_space<vmem>>)
    %dma_wait3A_77 = arith.constant 0 : i32
    %dma_wait3A_78 = arith.constant 0 : i32
    %dma_wait3A_79 = tpu.memref_slice %arg4[%dma_wait3A_77, %dma_wait3A_78] : memref<10000x64xf32, #tpu.memory_space<hbm>> -> memref<125x64xf32, #tpu.memory_space<hbm>>
    %dma_wait3A_80 = arith.constant 0 : i32
    %dma_wait3A_81 = arith.constant 0 : i32
    %dma_wait3A_82 = tpu.memref_slice %arg4[%dma_wait3A_80, %dma_wait3A_81] : memref<10000x64xf32, #tpu.memory_space<hbm>> -> memref<125x64xf32, #tpu.memory_space<hbm>>
    tpu.wait_dma2 semaphore(%arg30 : memref<!tpu.dma_semaphore, #tpu.memory_space<semaphore_mem>>) src(%dma_wait3A_82 : memref<125x64xf32, #tpu.memory_space<hbm>>) dst(%arg12 : memref<125x64xf32, #tpu.memory_space<vmem>>)
    %dma_wait3A_83 = arith.constant 0 : i32
    %dma_wait3A_84 = arith.constant 0 : i32
    %dma_wait3A_85 = tpu.memref_slice %arg4[%dma_wait3A_83, %dma_wait3A_84] : memref<10000x64xf32, #tpu.memory_space<hbm>> -> memref<125x64xf32, #tpu.memory_space<hbm>>
    %dma_wait3A_86 = arith.constant 0 : i32
    %dma_wait3A_87 = arith.constant 0 : i32
    %dma_wait3A_88 = tpu.memref_slice %arg4[%dma_wait3A_86, %dma_wait3A_87] : memref<10000x64xf32, #tpu.memory_space<hbm>> -> memref<125x64xf32, #tpu.memory_space<hbm>>
    tpu.wait_dma2 semaphore(%arg31 : memref<!tpu.dma_semaphore, #tpu.memory_space<semaphore_mem>>) src(%dma_wait3A_88 : memref<125x64xf32, #tpu.memory_space<hbm>>) dst(%arg13 : memref<125x64xf32, #tpu.memory_space<vmem>>)
    %dma_wait3A_89 = arith.constant 0 : i32
    %dma_wait3A_90 = arith.constant 0 : i32
    %dma_wait3A_91 = tpu.memref_slice %arg4[%dma_wait3A_89, %dma_wait3A_90] : memref<10000x64xf32, #tpu.memory_space<hbm>> -> memref<125x64xf32, #tpu.memory_space<hbm>>
    %dma_wait3A_92 = arith.constant 0 : i32
    %dma_wait3A_93 = arith.constant 0 : i32
    %dma_wait3A_94 = tpu.memref_slice %arg4[%dma_wait3A_92, %dma_wait3A_93] : memref<10000x64xf32, #tpu.memory_space<hbm>> -> memref<125x64xf32, #tpu.memory_space<hbm>>
    tpu.wait_dma2 semaphore(%arg32 : memref<!tpu.dma_semaphore, #tpu.memory_space<semaphore_mem>>) src(%dma_wait3A_94 : memref<125x64xf32, #tpu.memory_space<hbm>>) dst(%arg14 : memref<125x64xf32, #tpu.memory_space<vmem>>)
    %dma_wait3A_95 = arith.constant 0 : i32
    %dma_wait3A_96 = arith.constant 0 : i32
    %dma_wait3A_97 = tpu.memref_slice %arg4[%dma_wait3A_95, %dma_wait3A_96] : memref<10000x64xf32, #tpu.memory_space<hbm>> -> memref<125x64xf32, #tpu.memory_space<hbm>>
    %dma_wait3A_98 = arith.constant 0 : i32
    %dma_wait3A_99 = arith.constant 0 : i32
    %dma_wait3A_100 = tpu.memref_slice %arg4[%dma_wait3A_98, %dma_wait3A_99] : memref<10000x64xf32, #tpu.memory_space<hbm>> -> memref<125x64xf32, #tpu.memory_space<hbm>>
    tpu.wait_dma2 semaphore(%arg33 : memref<!tpu.dma_semaphore, #tpu.memory_space<semaphore_mem>>) src(%dma_wait3A_100 : memref<125x64xf32, #tpu.memory_space<hbm>>) dst(%arg15 : memref<125x64xf32, #tpu.memory_space<vmem>>)
    %barrier3A_101 = arith.constant 0 : index
    tpu.barrier barrier_id(%barrier3A_101)
    "tpu.region"() ({
      %run_scoped3A = tpu.sem_alloc : memref<!tpu.dma_semaphore, #tpu.memory_space<semaphore_mem>>
      %dma_start3A_102 = arith.constant 0 : i32
      %dma_start3A_103 = tpu.memref_slice %arg5[%arg0, %mul3A_2, %dma_start3A_102] : memref<2x10240x64xf32, #tpu.memory_space<hbm>> -> memref<1x640x64xf32, #tpu.memory_space<hbm>>
      %dma_start3A_104 = tpu.memref_squeeze %dma_start3A_103 : memref<1x640x64xf32, #tpu.memory_space<hbm>> -> memref<640x64xf32, #tpu.memory_space<hbm>>
      %dma_start3A_105 = arith.constant 0 : i32
      %dma_start3A_106 = tpu.memref_slice %arg17[%mul3A_2, %dma_start3A_105] : memref<10240x64xf32, #tpu.memory_space<vmem_shared>> -> memref<640x64xf32, #tpu.memory_space<vmem_shared>>
      tpu.enqueue_dma source(%dma_start3A_106 : memref<640x64xf32, #tpu.memory_space<vmem_shared>>) target(%dma_start3A_104 : memref<640x64xf32, #tpu.memory_space<hbm>>) target_semaphore(%run_scoped3A : memref<!tpu.dma_semaphore, #tpu.memory_space<semaphore_mem>>)
      %dma_wait3A_107 = arith.constant 0 : i32
      %dma_wait3A_108 = tpu.memref_slice %arg5[%arg0, %mul3A_2, %dma_wait3A_107] : memref<2x10240x64xf32, #tpu.memory_space<hbm>> -> memref<1x640x64xf32, #tpu.memory_space<hbm>>
      %dma_wait3A_109 = tpu.memref_squeeze %dma_wait3A_108 : memref<1x640x64xf32, #tpu.memory_space<hbm>> -> memref<640x64xf32, #tpu.memory_space<hbm>>
      %dma_wait3A_110 = arith.constant 0 : i32
      %dma_wait3A_111 = tpu.memref_slice %arg17[%mul3A_2, %dma_wait3A_110] : memref<10240x64xf32, #tpu.memory_space<vmem_shared>> -> memref<640x64xf32, #tpu.memory_space<vmem_shared>>
      tpu.wait_dma2 semaphore(%run_scoped3A : memref<!tpu.dma_semaphore, #tpu.memory_space<semaphore_mem>>) src(%dma_wait3A_111 : memref<640x64xf32, #tpu.memory_space<vmem_shared>>) dst(%dma_wait3A_109 : memref<640x64xf32, #tpu.memory_space<hbm>>)
      tpu.yield
    }) : () -> ()
    return
  }
}

#map = affine_map<(d0, d1) -> (0, 0)>
#map1 = affine_map<(d0, d1) -> (0, 0, 0)>
module attributes {stable_mosaic.version = 14 : i64} {
  func.func @body(%arg0: i32, %arg1: i32, %arg2: memref<2560x125xi32, #tpu.memory_space<hbm>>, %arg3: memref<2560x125xi32, #tpu.memory_space<hbm>>, %arg4: memref<10000x64xf32, #tpu.memory_space<hbm>>, %arg5: memref<10000x64xf32, #tpu.memory_space<hbm>>, %arg6: memref<2x10240x64xf32, #tpu.memory_space<hbm>>, %arg7: memref<2x10240x64xf32, #tpu.memory_space<hbm>>, %arg8: memref<80x125xi32, #tpu.memory_space<vmem>>, %arg9: memref<80x125xi32, #tpu.memory_space<vmem>>, %arg10: memref<125x64xf32, #tpu.memory_space<vmem>>, %arg11: memref<125x64xf32, #tpu.memory_space<vmem>>, %arg12: memref<125x64xf32, #tpu.memory_space<vmem>>, %arg13: memref<125x64xf32, #tpu.memory_space<vmem>>, %arg14: memref<125x64xf32, #tpu.memory_space<vmem>>, %arg15: memref<125x64xf32, #tpu.memory_space<vmem>>, %arg16: memref<125x64xf32, #tpu.memory_space<vmem>>, %arg17: memref<125x64xf32, #tpu.memory_space<vmem>>, %arg18: memref<64x64xf32, #tpu.memory_space<vmem>>, %arg19: memref<10240x64xf32, #tpu.memory_space<vmem_shared>>, %arg20: memref<!tpu.dma_semaphore, #tpu.memory_space<semaphore_mem>>, %arg21: memref<!tpu.dma_semaphore, #tpu.memory_space<semaphore_mem>>, %arg22: memref<!tpu.dma_semaphore, #tpu.memory_space<semaphore_mem>>, %arg23: memref<!tpu.dma_semaphore, #tpu.memory_space<semaphore_mem>>, %arg24: memref<!tpu.dma_semaphore, #tpu.memory_space<semaphore_mem>>, %arg25: memref<!tpu.dma_semaphore, #tpu.memory_space<semaphore_mem>>, %arg26: memref<!tpu.dma_semaphore, #tpu.memory_space<semaphore_mem>>, %arg27: memref<!tpu.dma_semaphore, #tpu.memory_space<semaphore_mem>>, %arg28: memref<!tpu.dma_semaphore, #tpu.memory_space<semaphore_mem>>, %arg29: memref<!tpu.dma_semaphore, #tpu.memory_space<semaphore_mem>>, %arg30: memref<!tpu.dma_semaphore, #tpu.memory_space<semaphore_mem>>, %arg31: memref<!tpu.dma_semaphore, #tpu.memory_space<semaphore_mem>>, %arg32: memref<!tpu.dma_semaphore, #tpu.memory_space<semaphore_mem>>, %arg33: memref<!tpu.dma_semaphore, #tpu.memory_space<semaphore_mem>>, %arg34: memref<!tpu.dma_semaphore, #tpu.memory_space<semaphore_mem>>, %arg35: memref<!tpu.dma_semaphore, #tpu.memory_space<semaphore_mem>>) attributes {dimension_semantics = [#tpu.dimension_semantics<core_parallel>, #tpu.dimension_semantics<subcore_parallel>], iteration_bounds = array<i64: 2, 16>, scalar_prefetch = 0 : i64, scratch_operands = 28 : i64, tpu.core_type = #tpu.core_type<sc_vector_subcore>, window_params = [{transform_indices = #map}, {transform_indices = #map}, {transform_indices = #map}, {transform_indices = #map}, {transform_indices = #map1}, {transform_indices = #map1}]} {
    %mul3A = arith.constant 2 : i32
    %mul3A_0 = arith.muli %arg1, %mul3A : i32
    %add3A = arith.addi %mul3A_0, %arg0 : i32
    %mul3A_1 = arith.constant 640 : i32
    %mul3A_2 = arith.muli %arg1, %mul3A_1 : i32
    %scan3A = arith.constant 0 : i32
    %scan3A_3 = arith.constant 0 : i32
    %scan3A_4 = arith.constant 64 : i32
    %scan3A_5 = arith.addi %scan3A_3, %scan3A_4 : i32
    %scan3A_6 = arith.constant 1 : i32
    %scan3A_7 = scf.for %scan3A_194 = %scan3A_3 to %scan3A_5 step %scan3A_6 iter_args(%scan3A_195 = %scan3A) -> (i32)  : i32 {
      %scan3A_196 = arith.constant 0 : i32
      %scan3A_197 = arith.constant 0 : i32
      %scan3A_198 = arith.constant 4 : i32
      %scan3A_199 = arith.addi %scan3A_197, %scan3A_198 : i32
      %scan3A_200 = arith.constant 1 : i32
      %scan3A_201 = scf.for %scan3A_204 = %scan3A_197 to %scan3A_199 step %scan3A_200 iter_args(%scan3A_205 = %scan3A_196) -> (i32)  : i32 {
        %broadcast_in_dim3A = arith.constant 0.000000e+00 : f32
        %broadcast_in_dim3A_206 = vector.broadcast %broadcast_in_dim3A : f32 to vector<16xf32>
        %mul3A_207 = arith.constant 16 : i32
        %mul3A_208 = arith.muli %scan3A_204, %mul3A_207 : i32
        %swap3A = arith.index_cast %scan3A_194 : i32 to index
        %swap3A_209 = arith.index_cast %mul3A_208 : i32 to index
        %swap3A_210 = tpu.vector_load %arg18[%swap3A, %swap3A_209] {strides = array<i32>} : memref<64x64xf32, #tpu.memory_space<vmem>>, vector<1x16xf32>,
        %swap3A_211 = vector.shape_cast %swap3A_210 : vector<1x16xf32> to vector<16xf32>
        %swap3A_212 = vector.shape_cast %broadcast_in_dim3A_206 : vector<16xf32> to vector<1x16xf32>
        tpu.vector_store %arg18[%swap3A, %swap3A_209], %swap3A_212 {strides = array<i32>} : memref<64x64xf32, #tpu.memory_space<vmem>>, vector<1x16xf32>,
        %scan3A_213 = arith.constant 0 : i32
        scf.yield %scan3A_213 : i32
      }
      %scan3A_202 = arith.constant 4 : i32
      %scan3A_203 = arith.constant 0 : i32
      scf.yield %scan3A_203 : i32
    }
    %scan3A_8 = arith.constant 64 : i32
    %mul3A_9 = arith.constant 80 : i32
    %mul3A_10 = arith.muli %add3A, %mul3A_9 : i32
    "tpu.region"() ({
      %run_scoped3A = tpu.sem_alloc : memref<!tpu.dma_semaphore, #tpu.memory_space<semaphore_mem>>
      %dma_start3A_194 = arith.constant 0 : i32
      %dma_start3A_195 = tpu.memref_slice %arg2[%mul3A_10, %dma_start3A_194] : memref<2560x125xi32, #tpu.memory_space<hbm>> -> memref<80x125xi32, #tpu.memory_space<hbm>>
      %dma_start3A_196 = arith.constant 0 : i32
      %dma_start3A_197 = tpu.memref_slice %arg2[%mul3A_10, %dma_start3A_196] : memref<2560x125xi32, #tpu.memory_space<hbm>> -> memref<80x125xi32, #tpu.memory_space<hbm>>
      tpu.enqueue_dma source(%dma_start3A_197 : memref<80x125xi32, #tpu.memory_space<hbm>>) target(%arg8 : memref<80x125xi32, #tpu.memory_space<vmem>>) target_semaphore(%run_scoped3A : memref<!tpu.dma_semaphore, #tpu.memory_space<semaphore_mem>>)
      %dma_wait3A_198 = arith.constant 0 : i32
      %dma_wait3A_199 = tpu.memref_slice %arg2[%mul3A_10, %dma_wait3A_198] : memref<2560x125xi32, #tpu.memory_space<hbm>> -> memref<80x125xi32, #tpu.memory_space<hbm>>
      %dma_wait3A_200 = arith.constant 0 : i32
      %dma_wait3A_201 = tpu.memref_slice %arg2[%mul3A_10, %dma_wait3A_200] : memref<2560x125xi32, #tpu.memory_space<hbm>> -> memref<80x125xi32, #tpu.memory_space<hbm>>
      tpu.wait_dma2 semaphore(%run_scoped3A : memref<!tpu.dma_semaphore, #tpu.memory_space<semaphore_mem>>) src(%dma_wait3A_201 : memref<80x125xi32, #tpu.memory_space<hbm>>) dst(%arg8 : memref<80x125xi32, #tpu.memory_space<vmem>>)
      tpu.yield
    }) : () -> ()
    %mul3A_11 = arith.constant 80 : i32
    %mul3A_12 = arith.muli %add3A, %mul3A_11 : i32
    "tpu.region"() ({
      %run_scoped3A = tpu.sem_alloc : memref<!tpu.dma_semaphore, #tpu.memory_space<semaphore_mem>>
      %dma_start3A_194 = arith.constant 0 : i32
      %dma_start3A_195 = tpu.memref_slice %arg3[%mul3A_12, %dma_start3A_194] : memref<2560x125xi32, #tpu.memory_space<hbm>> -> memref<80x125xi32, #tpu.memory_space<hbm>>
      %dma_start3A_196 = arith.constant 0 : i32
      %dma_start3A_197 = tpu.memref_slice %arg3[%mul3A_12, %dma_start3A_196] : memref<2560x125xi32, #tpu.memory_space<hbm>> -> memref<80x125xi32, #tpu.memory_space<hbm>>
      tpu.enqueue_dma source(%dma_start3A_197 : memref<80x125xi32, #tpu.memory_space<hbm>>) target(%arg9 : memref<80x125xi32, #tpu.memory_space<vmem>>) target_semaphore(%run_scoped3A : memref<!tpu.dma_semaphore, #tpu.memory_space<semaphore_mem>>)
      %dma_wait3A_198 = arith.constant 0 : i32
      %dma_wait3A_199 = tpu.memref_slice %arg3[%mul3A_12, %dma_wait3A_198] : memref<2560x125xi32, #tpu.memory_space<hbm>> -> memref<80x125xi32, #tpu.memory_space<hbm>>
      %dma_wait3A_200 = arith.constant 0 : i32
      %dma_wait3A_201 = tpu.memref_slice %arg3[%mul3A_12, %dma_wait3A_200] : memref<2560x125xi32, #tpu.memory_space<hbm>> -> memref<80x125xi32, #tpu.memory_space<hbm>>
      tpu.wait_dma2 semaphore(%run_scoped3A : memref<!tpu.dma_semaphore, #tpu.memory_space<semaphore_mem>>) src(%dma_wait3A_201 : memref<80x125xi32, #tpu.memory_space<hbm>>) dst(%arg9 : memref<80x125xi32, #tpu.memory_space<vmem>>)
      tpu.yield
    }) : () -> ()
    %dma_start3A = arith.constant 0 : i32
    %dma_start3A_13 = arith.constant 0 : i32
    %dma_start3A_14 = tpu.memref_slice %arg8[%dma_start3A, %dma_start3A_13] : memref<80x125xi32, #tpu.memory_space<vmem>> -> memref<1x125xi32, #tpu.memory_space<vmem>>
    %dma_start3A_15 = tpu.memref_squeeze %dma_start3A_14 : memref<1x125xi32, #tpu.memory_space<vmem>> -> memref<125xi32, #tpu.memory_space<vmem>>
    %dma_start3A_16 = arith.constant 0 : i32
    %dma_start3A_17 = arith.constant 0 : i32
    %dma_start3A_18 = tpu.memref_slice %arg4[%dma_start3A_16, %dma_start3A_17] : memref<10000x64xf32, #tpu.memory_space<hbm>> -> memref<10000x64xf32, #tpu.memory_space<hbm>>
    tpu.enqueue_indirect_dma source(%dma_start3A_18 : memref<10000x64xf32, #tpu.memory_space<hbm>>) target(%arg10 : memref<125x64xf32, #tpu.memory_space<vmem>>) offsets(%dma_start3A_15 : memref<125xi32, #tpu.memory_space<vmem>>) semaphore(%arg20 : memref<!tpu.dma_semaphore, #tpu.memory_space<semaphore_mem>>)
    %dma_start3A_19 = arith.constant 1 : i32
    %dma_start3A_20 = arith.constant 0 : i32
    %dma_start3A_21 = tpu.memref_slice %arg8[%dma_start3A_19, %dma_start3A_20] : memref<80x125xi32, #tpu.memory_space<vmem>> -> memref<1x125xi32, #tpu.memory_space<vmem>>
    %dma_start3A_22 = tpu.memref_squeeze %dma_start3A_21 : memref<1x125xi32, #tpu.memory_space<vmem>> -> memref<125xi32, #tpu.memory_space<vmem>>
    %dma_start3A_23 = arith.constant 0 : i32
    %dma_start3A_24 = arith.constant 0 : i32
    %dma_start3A_25 = tpu.memref_slice %arg4[%dma_start3A_23, %dma_start3A_24] : memref<10000x64xf32, #tpu.memory_space<hbm>> -> memref<10000x64xf32, #tpu.memory_space<hbm>>
    tpu.enqueue_indirect_dma source(%dma_start3A_25 : memref<10000x64xf32, #tpu.memory_space<hbm>>) target(%arg11 : memref<125x64xf32, #tpu.memory_space<vmem>>) offsets(%dma_start3A_22 : memref<125xi32, #tpu.memory_space<vmem>>) semaphore(%arg21 : memref<!tpu.dma_semaphore, #tpu.memory_space<semaphore_mem>>)
    %dma_start3A_26 = arith.constant 2 : i32
    %dma_start3A_27 = arith.constant 0 : i32
    %dma_start3A_28 = tpu.memref_slice %arg8[%dma_start3A_26, %dma_start3A_27] : memref<80x125xi32, #tpu.memory_space<vmem>> -> memref<1x125xi32, #tpu.memory_space<vmem>>
    %dma_start3A_29 = tpu.memref_squeeze %dma_start3A_28 : memref<1x125xi32, #tpu.memory_space<vmem>> -> memref<125xi32, #tpu.memory_space<vmem>>
    %dma_start3A_30 = arith.constant 0 : i32
    %dma_start3A_31 = arith.constant 0 : i32
    %dma_start3A_32 = tpu.memref_slice %arg4[%dma_start3A_30, %dma_start3A_31] : memref<10000x64xf32, #tpu.memory_space<hbm>> -> memref<10000x64xf32, #tpu.memory_space<hbm>>
    tpu.enqueue_indirect_dma source(%dma_start3A_32 : memref<10000x64xf32, #tpu.memory_space<hbm>>) target(%arg12 : memref<125x64xf32, #tpu.memory_space<vmem>>) offsets(%dma_start3A_29 : memref<125xi32, #tpu.memory_space<vmem>>) semaphore(%arg22 : memref<!tpu.dma_semaphore, #tpu.memory_space<semaphore_mem>>)
    %dma_start3A_33 = arith.constant 3 : i32
    %dma_start3A_34 = arith.constant 0 : i32
    %dma_start3A_35 = tpu.memref_slice %arg8[%dma_start3A_33, %dma_start3A_34] : memref<80x125xi32, #tpu.memory_space<vmem>> -> memref<1x125xi32, #tpu.memory_space<vmem>>
    %dma_start3A_36 = tpu.memref_squeeze %dma_start3A_35 : memref<1x125xi32, #tpu.memory_space<vmem>> -> memref<125xi32, #tpu.memory_space<vmem>>
    %dma_start3A_37 = arith.constant 0 : i32
    %dma_start3A_38 = arith.constant 0 : i32
    %dma_start3A_39 = tpu.memref_slice %arg4[%dma_start3A_37, %dma_start3A_38] : memref<10000x64xf32, #tpu.memory_space<hbm>> -> memref<10000x64xf32, #tpu.memory_space<hbm>>
    tpu.enqueue_indirect_dma source(%dma_start3A_39 : memref<10000x64xf32, #tpu.memory_space<hbm>>) target(%arg13 : memref<125x64xf32, #tpu.memory_space<vmem>>) offsets(%dma_start3A_36 : memref<125xi32, #tpu.memory_space<vmem>>) semaphore(%arg23 : memref<!tpu.dma_semaphore, #tpu.memory_space<semaphore_mem>>)
    %scan3A_40 = arith.constant 0 : i32
    %scan3A_41 = arith.constant 0 : i32
    %scan3A_42 = arith.constant 10 : i32
    %scan3A_43 = arith.addi %scan3A_41, %scan3A_42 : i32
    %scan3A_44 = arith.constant 1 : i32
    %scan3A_45 = scf.for %scan3A_194 = %scan3A_41 to %scan3A_43 step %scan3A_44 iter_args(%scan3A_195 = %scan3A_40) -> (i32)  : i32 {
      %mul3A_196 = arith.constant 64 : i32
      %mul3A_197 = arith.muli %scan3A_194, %mul3A_196 : i32
      %add3A_198 = arith.addi %mul3A_2, %mul3A_197 : i32
      "tpu.region"() ({
        %run_scoped3A = tpu.sem_alloc : memref<!tpu.dma_semaphore, #tpu.memory_space<semaphore_mem>>
        %dma_start3A_200 = arith.constant 0 : i32
        %dma_start3A_201 = tpu.memref_slice %arg19[%add3A_198, %dma_start3A_200] : memref<10240x64xf32, #tpu.memory_space<vmem_shared>> -> memref<64x64xf32, #tpu.memory_space<vmem_shared>>
        %dma_start3A_202 = arith.constant 0 : i32
        %dma_start3A_203 = tpu.memref_slice %arg19[%add3A_198, %dma_start3A_202] : memref<10240x64xf32, #tpu.memory_space<vmem_shared>> -> memref<64x64xf32, #tpu.memory_space<vmem_shared>>
        tpu.enqueue_dma source(%arg18 : memref<64x64xf32, #tpu.memory_space<vmem>>) target(%dma_start3A_203 : memref<64x64xf32, #tpu.memory_space<vmem_shared>>) target_semaphore(%run_scoped3A : memref<!tpu.dma_semaphore, #tpu.memory_space<semaphore_mem>>)
        %dma_wait3A_204 = arith.constant 0 : i32
        %dma_wait3A_205 = tpu.memref_slice %arg19[%add3A_198, %dma_wait3A_204] : memref<10240x64xf32, #tpu.memory_space<vmem_shared>> -> memref<64x64xf32, #tpu.memory_space<vmem_shared>>
        %dma_wait3A_206 = arith.constant 0 : i32
        %dma_wait3A_207 = tpu.memref_slice %arg19[%add3A_198, %dma_wait3A_206] : memref<10240x64xf32, #tpu.memory_space<vmem_shared>> -> memref<64x64xf32, #tpu.memory_space<vmem_shared>>
        tpu.wait_dma2 semaphore(%run_scoped3A : memref<!tpu.dma_semaphore, #tpu.memory_space<semaphore_mem>>) src(%arg18 : memref<64x64xf32, #tpu.memory_space<vmem>>) dst(%dma_wait3A_207 : memref<64x64xf32, #tpu.memory_space<vmem_shared>>)
        tpu.yield
      }) : () -> ()
      %scan3A_199 = arith.constant 0 : i32
      scf.yield %scan3A_199 : i32
    }
    %scan3A_46 = arith.constant 10 : i32
    %barrier3A = arith.constant 0 : index
    tpu.barrier barrier_id(%barrier3A)
    %scan3A_47 = arith.constant 0 : i32
    %scan3A_48 = arith.constant 0 : i32
    %scan3A_49 = arith.constant 10 : i32
    %scan3A_50 = arith.addi %scan3A_48, %scan3A_49 : i32
    %scan3A_51 = arith.constant 1 : i32
    %scan3A_52 = scf.for %scan3A_194 = %scan3A_48 to %scan3A_50 step %scan3A_51 iter_args(%scan3A_195 = %scan3A_47) -> (i32)  : i32 {
      %mul3A_196 = arith.constant 8 : i32
      %mul3A_197 = arith.muli %scan3A_194, %mul3A_196 : i32
      %add3A_198 = arith.constant 0 : i32
      %add3A_199 = arith.addi %mul3A_197, %add3A_198 : i32
      %gt3A = arith.constant 0 : i32
      %gt3A_200 = arith.cmpi sgt, %scan3A_194, %gt3A : i32
      %convert_element_type3A = arith.extui %gt3A_200 : i1 to i32
      %cond3A = arith.constant 0 : i32
      %cond3A_201 = arith.cmpi ne, %convert_element_type3A, %cond3A : i32
      scf.if %cond3A_201 {
        %dma_wait3A_393 = arith.constant 0 : i32
        %dma_wait3A_394 = arith.constant 0 : i32
        %dma_wait3A_395 = tpu.memref_slice %arg4[%dma_wait3A_393, %dma_wait3A_394] : memref<10000x64xf32, #tpu.memory_space<hbm>> -> memref<125x64xf32, #tpu.memory_space<hbm>>
        %dma_wait3A_396 = arith.constant 0 : i32
        %dma_wait3A_397 = arith.constant 0 : i32
        %dma_wait3A_398 = tpu.memref_slice %arg4[%dma_wait3A_396, %dma_wait3A_397] : memref<10000x64xf32, #tpu.memory_space<hbm>> -> memref<125x64xf32, #tpu.memory_space<hbm>>
        tpu.wait_dma2 semaphore(%arg32 : memref<!tpu.dma_semaphore, #tpu.memory_space<semaphore_mem>>) src(%dma_wait3A_398 : memref<125x64xf32, #tpu.memory_space<hbm>>) dst(%arg14 : memref<125x64xf32, #tpu.memory_space<vmem>>)
      } else {
      }
      %add3A_202 = arith.constant 4 : i32
      %add3A_203 = arith.addi %add3A_199, %add3A_202 : i32
      %dma_start3A_204 = arith.constant 0 : i32
      %dma_start3A_205 = tpu.memref_slice %arg8[%add3A_203, %dma_start3A_204] : memref<80x125xi32, #tpu.memory_space<vmem>> -> memref<1x125xi32, #tpu.memory_space<vmem>>
      %dma_start3A_206 = tpu.memref_squeeze %dma_start3A_205 : memref<1x125xi32, #tpu.memory_space<vmem>> -> memref<125xi32, #tpu.memory_space<vmem>>
      %dma_start3A_207 = arith.constant 0 : i32
      %dma_start3A_208 = arith.constant 0 : i32
      %dma_start3A_209 = tpu.memref_slice %arg4[%dma_start3A_207, %dma_start3A_208] : memref<10000x64xf32, #tpu.memory_space<hbm>> -> memref<10000x64xf32, #tpu.memory_space<hbm>>
      tpu.enqueue_indirect_dma source(%dma_start3A_209 : memref<10000x64xf32, #tpu.memory_space<hbm>>) target(%arg14 : memref<125x64xf32, #tpu.memory_space<vmem>>) offsets(%dma_start3A_206 : memref<125xi32, #tpu.memory_space<vmem>>) semaphore(%arg24 : memref<!tpu.dma_semaphore, #tpu.memory_space<semaphore_mem>>)
      %dma_wait3A_210 = arith.constant 0 : i32
      %dma_wait3A_211 = arith.constant 0 : i32
      %dma_wait3A_212 = tpu.memref_slice %arg4[%dma_wait3A_210, %dma_wait3A_211] : memref<10000x64xf32, #tpu.memory_space<hbm>> -> memref<125x64xf32, #tpu.memory_space<hbm>>
      %dma_wait3A_213 = arith.constant 0 : i32
      %dma_wait3A_214 = arith.constant 0 : i32
      %dma_wait3A_215 = tpu.memref_slice %arg4[%dma_wait3A_213, %dma_wait3A_214] : memref<10000x64xf32, #tpu.memory_space<hbm>> -> memref<125x64xf32, #tpu.memory_space<hbm>>
      tpu.wait_dma2 semaphore(%arg20 : memref<!tpu.dma_semaphore, #tpu.memory_space<semaphore_mem>>) src(%dma_wait3A_215 : memref<125x64xf32, #tpu.memory_space<hbm>>) dst(%arg10 : memref<125x64xf32, #tpu.memory_space<vmem>>)
      %dma_start3A_216 = arith.constant 0 : i32
      %dma_start3A_217 = tpu.memref_slice %arg9[%add3A_199, %dma_start3A_216] : memref<80x125xi32, #tpu.memory_space<vmem>> -> memref<1x125xi32, #tpu.memory_space<vmem>>
      %dma_start3A_218 = tpu.memref_squeeze %dma_start3A_217 : memref<1x125xi32, #tpu.memory_space<vmem>> -> memref<125xi32, #tpu.memory_space<vmem>>
      %dma_start3A_219 = arith.constant 0 : i32
      %dma_start3A_220 = arith.constant 0 : i32
      %dma_start3A_221 = tpu.memref_slice %arg19[%dma_start3A_219, %dma_start3A_220] : memref<10240x64xf32, #tpu.memory_space<vmem_shared>> -> memref<10240x64xf32, #tpu.memory_space<vmem_shared>>
      tpu.enqueue_indirect_dma source(%arg10 : memref<125x64xf32, #tpu.memory_space<vmem>>) target(%dma_start3A_221 : memref<10240x64xf32, #tpu.memory_space<vmem_shared>>) offsets(%dma_start3A_218 : memref<125xi32, #tpu.memory_space<vmem>>) semaphore(%arg28 : memref<!tpu.dma_semaphore, #tpu.memory_space<semaphore_mem>>) {add = true}
      %mul3A_222 = arith.constant 8 : i32
      %mul3A_223 = arith.muli %scan3A_194, %mul3A_222 : i32
      %add3A_224 = arith.constant 1 : i32
      %add3A_225 = arith.addi %mul3A_223, %add3A_224 : i32
      %gt3A_226 = arith.constant 0 : i32
      %gt3A_227 = arith.cmpi sgt, %scan3A_194, %gt3A_226 : i32
      %convert_element_type3A_228 = arith.extui %gt3A_227 : i1 to i32
      %cond3A_229 = arith.constant 0 : i32
      %cond3A_230 = arith.cmpi ne, %convert_element_type3A_228, %cond3A_229 : i32
      scf.if %cond3A_230 {
        %dma_wait3A_393 = arith.constant 0 : i32
        %dma_wait3A_394 = arith.constant 0 : i32
        %dma_wait3A_395 = tpu.memref_slice %arg4[%dma_wait3A_393, %dma_wait3A_394] : memref<10000x64xf32, #tpu.memory_space<hbm>> -> memref<125x64xf32, #tpu.memory_space<hbm>>
        %dma_wait3A_396 = arith.constant 0 : i32
        %dma_wait3A_397 = arith.constant 0 : i32
        %dma_wait3A_398 = tpu.memref_slice %arg4[%dma_wait3A_396, %dma_wait3A_397] : memref<10000x64xf32, #tpu.memory_space<hbm>> -> memref<125x64xf32, #tpu.memory_space<hbm>>
        tpu.wait_dma2 semaphore(%arg33 : memref<!tpu.dma_semaphore, #tpu.memory_space<semaphore_mem>>) src(%dma_wait3A_398 : memref<125x64xf32, #tpu.memory_space<hbm>>) dst(%arg15 : memref<125x64xf32, #tpu.memory_space<vmem>>)
      } else {
      }
      %add3A_231 = arith.constant 4 : i32
      %add3A_232 = arith.addi %add3A_225, %add3A_231 : i32
      %dma_start3A_233 = arith.constant 0 : i32
      %dma_start3A_234 = tpu.memref_slice %arg8[%add3A_232, %dma_start3A_233] : memref<80x125xi32, #tpu.memory_space<vmem>> -> memref<1x125xi32, #tpu.memory_space<vmem>>
      %dma_start3A_235 = tpu.memref_squeeze %dma_start3A_234 : memref<1x125xi32, #tpu.memory_space<vmem>> -> memref<125xi32, #tpu.memory_space<vmem>>
      %dma_start3A_236 = arith.constant 0 : i32
      %dma_start3A_237 = arith.constant 0 : i32
      %dma_start3A_238 = tpu.memref_slice %arg4[%dma_start3A_236, %dma_start3A_237] : memref<10000x64xf32, #tpu.memory_space<hbm>> -> memref<10000x64xf32, #tpu.memory_space<hbm>>
      tpu.enqueue_indirect_dma source(%dma_start3A_238 : memref<10000x64xf32, #tpu.memory_space<hbm>>) target(%arg15 : memref<125x64xf32, #tpu.memory_space<vmem>>) offsets(%dma_start3A_235 : memref<125xi32, #tpu.memory_space<vmem>>) semaphore(%arg25 : memref<!tpu.dma_semaphore, #tpu.memory_space<semaphore_mem>>)
      %dma_wait3A_239 = arith.constant 0 : i32
      %dma_wait3A_240 = arith.constant 0 : i32
      %dma_wait3A_241 = tpu.memref_slice %arg4[%dma_wait3A_239, %dma_wait3A_240] : memref<10000x64xf32, #tpu.memory_space<hbm>> -> memref<125x64xf32, #tpu.memory_space<hbm>>
      %dma_wait3A_242 = arith.constant 0 : i32
      %dma_wait3A_243 = arith.constant 0 : i32
      %dma_wait3A_244 = tpu.memref_slice %arg4[%dma_wait3A_242, %dma_wait3A_243] : memref<10000x64xf32, #tpu.memory_space<hbm>> -> memref<125x64xf32, #tpu.memory_space<hbm>>
      tpu.wait_dma2 semaphore(%arg21 : memref<!tpu.dma_semaphore, #tpu.memory_space<semaphore_mem>>) src(%dma_wait3A_244 : memref<125x64xf32, #tpu.memory_space<hbm>>) dst(%arg11 : memref<125x64xf32, #tpu.memory_space<vmem>>)
      %dma_start3A_245 = arith.constant 0 : i32
      %dma_start3A_246 = tpu.memref_slice %arg9[%add3A_225, %dma_start3A_245] : memref<80x125xi32, #tpu.memory_space<vmem>> -> memref<1x125xi32, #tpu.memory_space<vmem>>
      %dma_start3A_247 = tpu.memref_squeeze %dma_start3A_246 : memref<1x125xi32, #tpu.memory_space<vmem>> -> memref<125xi32, #tpu.memory_space<vmem>>
      %dma_start3A_248 = arith.constant 0 : i32
      %dma_start3A_249 = arith.constant 0 : i32
      %dma_start3A_250 = tpu.memref_slice %arg19[%dma_start3A_248, %dma_start3A_249] : memref<10240x64xf32, #tpu.memory_space<vmem_shared>> -> memref<10240x64xf32, #tpu.memory_space<vmem_shared>>
      tpu.enqueue_indirect_dma source(%arg11 : memref<125x64xf32, #tpu.memory_space<vmem>>) target(%dma_start3A_250 : memref<10240x64xf32, #tpu.memory_space<vmem_shared>>) offsets(%dma_start3A_247 : memref<125xi32, #tpu.memory_space<vmem>>) semaphore(%arg29 : memref<!tpu.dma_semaphore, #tpu.memory_space<semaphore_mem>>) {add = true}
      %mul3A_251 = arith.constant 8 : i32
      %mul3A_252 = arith.muli %scan3A_194, %mul3A_251 : i32
      %add3A_253 = arith.constant 2 : i32
      %add3A_254 = arith.addi %mul3A_252, %add3A_253 : i32
      %gt3A_255 = arith.constant 0 : i32
      %gt3A_256 = arith.cmpi sgt, %scan3A_194, %gt3A_255 : i32
      %convert_element_type3A_257 = arith.extui %gt3A_256 : i1 to i32
      %cond3A_258 = arith.constant 0 : i32
      %cond3A_259 = arith.cmpi ne, %convert_element_type3A_257, %cond3A_258 : i32
      scf.if %cond3A_259 {
        %dma_wait3A_393 = arith.constant 0 : i32
        %dma_wait3A_394 = arith.constant 0 : i32
        %dma_wait3A_395 = tpu.memref_slice %arg4[%dma_wait3A_393, %dma_wait3A_394] : memref<10000x64xf32, #tpu.memory_space<hbm>> -> memref<125x64xf32, #tpu.memory_space<hbm>>
        %dma_wait3A_396 = arith.constant 0 : i32
        %dma_wait3A_397 = arith.constant 0 : i32
        %dma_wait3A_398 = tpu.memref_slice %arg4[%dma_wait3A_396, %dma_wait3A_397] : memref<10000x64xf32, #tpu.memory_space<hbm>> -> memref<125x64xf32, #tpu.memory_space<hbm>>
        tpu.wait_dma2 semaphore(%arg34 : memref<!tpu.dma_semaphore, #tpu.memory_space<semaphore_mem>>) src(%dma_wait3A_398 : memref<125x64xf32, #tpu.memory_space<hbm>>) dst(%arg16 : memref<125x64xf32, #tpu.memory_space<vmem>>)
      } else {
      }
      %add3A_260 = arith.constant 4 : i32
      %add3A_261 = arith.addi %add3A_254, %add3A_260 : i32
      %dma_start3A_262 = arith.constant 0 : i32
      %dma_start3A_263 = tpu.memref_slice %arg8[%add3A_261, %dma_start3A_262] : memref<80x125xi32, #tpu.memory_space<vmem>> -> memref<1x125xi32, #tpu.memory_space<vmem>>
      %dma_start3A_264 = tpu.memref_squeeze %dma_start3A_263 : memref<1x125xi32, #tpu.memory_space<vmem>> -> memref<125xi32, #tpu.memory_space<vmem>>
      %dma_start3A_265 = arith.constant 0 : i32
      %dma_start3A_266 = arith.constant 0 : i32
      %dma_start3A_267 = tpu.memref_slice %arg4[%dma_start3A_265, %dma_start3A_266] : memref<10000x64xf32, #tpu.memory_space<hbm>> -> memref<10000x64xf32, #tpu.memory_space<hbm>>
      tpu.enqueue_indirect_dma source(%dma_start3A_267 : memref<10000x64xf32, #tpu.memory_space<hbm>>) target(%arg16 : memref<125x64xf32, #tpu.memory_space<vmem>>) offsets(%dma_start3A_264 : memref<125xi32, #tpu.memory_space<vmem>>) semaphore(%arg26 : memref<!tpu.dma_semaphore, #tpu.memory_space<semaphore_mem>>)
      %dma_wait3A_268 = arith.constant 0 : i32
      %dma_wait3A_269 = arith.constant 0 : i32
      %dma_wait3A_270 = tpu.memref_slice %arg4[%dma_wait3A_268, %dma_wait3A_269] : memref<10000x64xf32, #tpu.memory_space<hbm>> -> memref<125x64xf32, #tpu.memory_space<hbm>>
      %dma_wait3A_271 = arith.constant 0 : i32
      %dma_wait3A_272 = arith.constant 0 : i32
      %dma_wait3A_273 = tpu.memref_slice %arg4[%dma_wait3A_271, %dma_wait3A_272] : memref<10000x64xf32, #tpu.memory_space<hbm>> -> memref<125x64xf32, #tpu.memory_space<hbm>>
      tpu.wait_dma2 semaphore(%arg22 : memref<!tpu.dma_semaphore, #tpu.memory_space<semaphore_mem>>) src(%dma_wait3A_273 : memref<125x64xf32, #tpu.memory_space<hbm>>) dst(%arg12 : memref<125x64xf32, #tpu.memory_space<vmem>>)
      %dma_start3A_274 = arith.constant 0 : i32
      %dma_start3A_275 = tpu.memref_slice %arg9[%add3A_254, %dma_start3A_274] : memref<80x125xi32, #tpu.memory_space<vmem>> -> memref<1x125xi32, #tpu.memory_space<vmem>>
      %dma_start3A_276 = tpu.memref_squeeze %dma_start3A_275 : memref<1x125xi32, #tpu.memory_space<vmem>> -> memref<125xi32, #tpu.memory_space<vmem>>
      %dma_start3A_277 = arith.constant 0 : i32
      %dma_start3A_278 = arith.constant 0 : i32
      %dma_start3A_279 = tpu.memref_slice %arg19[%dma_start3A_277, %dma_start3A_278] : memref<10240x64xf32, #tpu.memory_space<vmem_shared>> -> memref<10240x64xf32, #tpu.memory_space<vmem_shared>>
      tpu.enqueue_indirect_dma source(%arg12 : memref<125x64xf32, #tpu.memory_space<vmem>>) target(%dma_start3A_279 : memref<10240x64xf32, #tpu.memory_space<vmem_shared>>) offsets(%dma_start3A_276 : memref<125xi32, #tpu.memory_space<vmem>>) semaphore(%arg30 : memref<!tpu.dma_semaphore, #tpu.memory_space<semaphore_mem>>) {add = true}
      %mul3A_280 = arith.constant 8 : i32
      %mul3A_281 = arith.muli %scan3A_194, %mul3A_280 : i32
      %add3A_282 = arith.constant 3 : i32
      %add3A_283 = arith.addi %mul3A_281, %add3A_282 : i32
      %gt3A_284 = arith.constant 0 : i32
      %gt3A_285 = arith.cmpi sgt, %scan3A_194, %gt3A_284 : i32
      %convert_element_type3A_286 = arith.extui %gt3A_285 : i1 to i32
      %cond3A_287 = arith.constant 0 : i32
      %cond3A_288 = arith.cmpi ne, %convert_element_type3A_286, %cond3A_287 : i32
      scf.if %cond3A_288 {
        %dma_wait3A_393 = arith.constant 0 : i32
        %dma_wait3A_394 = arith.constant 0 : i32
        %dma_wait3A_395 = tpu.memref_slice %arg4[%dma_wait3A_393, %dma_wait3A_394] : memref<10000x64xf32, #tpu.memory_space<hbm>> -> memref<125x64xf32, #tpu.memory_space<hbm>>
        %dma_wait3A_396 = arith.constant 0 : i32
        %dma_wait3A_397 = arith.constant 0 : i32
        %dma_wait3A_398 = tpu.memref_slice %arg4[%dma_wait3A_396, %dma_wait3A_397] : memref<10000x64xf32, #tpu.memory_space<hbm>> -> memref<125x64xf32, #tpu.memory_space<hbm>>
        tpu.wait_dma2 semaphore(%arg35 : memref<!tpu.dma_semaphore, #tpu.memory_space<semaphore_mem>>) src(%dma_wait3A_398 : memref<125x64xf32, #tpu.memory_space<hbm>>) dst(%arg17 : memref<125x64xf32, #tpu.memory_space<vmem>>)
      } else {
      }
      %add3A_289 = arith.constant 4 : i32
      %add3A_290 = arith.addi %add3A_283, %add3A_289 : i32
      %dma_start3A_291 = arith.constant 0 : i32
      %dma_start3A_292 = tpu.memref_slice %arg8[%add3A_290, %dma_start3A_291] : memref<80x125xi32, #tpu.memory_space<vmem>> -> memref<1x125xi32, #tpu.memory_space<vmem>>
      %dma_start3A_293 = tpu.memref_squeeze %dma_start3A_292 : memref<1x125xi32, #tpu.memory_space<vmem>> -> memref<125xi32, #tpu.memory_space<vmem>>
      %dma_start3A_294 = arith.constant 0 : i32
      %dma_start3A_295 = arith.constant 0 : i32
      %dma_start3A_296 = tpu.memref_slice %arg4[%dma_start3A_294, %dma_start3A_295] : memref<10000x64xf32, #tpu.memory_space<hbm>> -> memref<10000x64xf32, #tpu.memory_space<hbm>>
      tpu.enqueue_indirect_dma source(%dma_start3A_296 : memref<10000x64xf32, #tpu.memory_space<hbm>>) target(%arg17 : memref<125x64xf32, #tpu.memory_space<vmem>>) offsets(%dma_start3A_293 : memref<125xi32, #tpu.memory_space<vmem>>) semaphore(%arg27 : memref<!tpu.dma_semaphore, #tpu.memory_space<semaphore_mem>>)
      %dma_wait3A_297 = arith.constant 0 : i32
      %dma_wait3A_298 = arith.constant 0 : i32
      %dma_wait3A_299 = tpu.memref_slice %arg4[%dma_wait3A_297, %dma_wait3A_298] : memref<10000x64xf32, #tpu.memory_space<hbm>> -> memref<125x64xf32, #tpu.memory_space<hbm>>
      %dma_wait3A_300 = arith.constant 0 : i32
      %dma_wait3A_301 = arith.constant 0 : i32
      %dma_wait3A_302 = tpu.memref_slice %arg4[%dma_wait3A_300, %dma_wait3A_301] : memref<10000x64xf32, #tpu.memory_space<hbm>> -> memref<125x64xf32, #tpu.memory_space<hbm>>
      tpu.wait_dma2 semaphore(%arg23 : memref<!tpu.dma_semaphore, #tpu.memory_space<semaphore_mem>>) src(%dma_wait3A_302 : memref<125x64xf32, #tpu.memory_space<hbm>>) dst(%arg13 : memref<125x64xf32, #tpu.memory_space<vmem>>)
      %dma_start3A_303 = arith.constant 0 : i32
      %dma_start3A_304 = tpu.memref_slice %arg9[%add3A_283, %dma_start3A_303] : memref<80x125xi32, #tpu.memory_space<vmem>> -> memref<1x125xi32, #tpu.memory_space<vmem>>
      %dma_start3A_305 = tpu.memref_squeeze %dma_start3A_304 : memref<1x125xi32, #tpu.memory_space<vmem>> -> memref<125xi32, #tpu.memory_space<vmem>>
      %dma_start3A_306 = arith.constant 0 : i32
      %dma_start3A_307 = arith.constant 0 : i32
      %dma_start3A_308 = tpu.memref_slice %arg19[%dma_start3A_306, %dma_start3A_307] : memref<10240x64xf32, #tpu.memory_space<vmem_shared>> -> memref<10240x64xf32, #tpu.memory_space<vmem_shared>>
      tpu.enqueue_indirect_dma source(%arg13 : memref<125x64xf32, #tpu.memory_space<vmem>>) target(%dma_start3A_308 : memref<10240x64xf32, #tpu.memory_space<vmem_shared>>) offsets(%dma_start3A_305 : memref<125xi32, #tpu.memory_space<vmem>>) semaphore(%arg31 : memref<!tpu.dma_semaphore, #tpu.memory_space<semaphore_mem>>) {add = true}
      %mul3A_309 = arith.constant 8 : i32
      %mul3A_310 = arith.muli %scan3A_194, %mul3A_309 : i32
      %add3A_311 = arith.constant 4 : i32
      %add3A_312 = arith.addi %mul3A_310, %add3A_311 : i32
      %lt3A = arith.constant 9 : i32
      %lt3A_313 = arith.cmpi slt, %scan3A_194, %lt3A : i32
      %convert_element_type3A_314 = arith.extui %lt3A_313 : i1 to i32
      %cond3A_315 = arith.constant 0 : i32
      %cond3A_316 = arith.cmpi ne, %convert_element_type3A_314, %cond3A_315 : i32
      scf.if %cond3A_316 {
        %dma_wait3A_393 = arith.constant 0 : i32
        %dma_wait3A_394 = arith.constant 0 : i32
        %dma_wait3A_395 = tpu.memref_slice %arg4[%dma_wait3A_393, %dma_wait3A_394] : memref<10000x64xf32, #tpu.memory_space<hbm>> -> memref<125x64xf32, #tpu.memory_space<hbm>>
        %dma_wait3A_396 = arith.constant 0 : i32
        %dma_wait3A_397 = arith.constant 0 : i32
        %dma_wait3A_398 = tpu.memref_slice %arg4[%dma_wait3A_396, %dma_wait3A_397] : memref<10000x64xf32, #tpu.memory_space<hbm>> -> memref<125x64xf32, #tpu.memory_space<hbm>>
        tpu.wait_dma2 semaphore(%arg28 : memref<!tpu.dma_semaphore, #tpu.memory_space<semaphore_mem>>) src(%dma_wait3A_398 : memref<125x64xf32, #tpu.memory_space<hbm>>) dst(%arg10 : memref<125x64xf32, #tpu.memory_space<vmem>>)
        %add3A_399 = arith.constant 4 : i32
        %add3A_400 = arith.addi %add3A_312, %add3A_399 : i32
        %dma_start3A_401 = arith.constant 0 : i32
        %dma_start3A_402 = tpu.memref_slice %arg8[%add3A_400, %dma_start3A_401] : memref<80x125xi32, #tpu.memory_space<vmem>> -> memref<1x125xi32, #tpu.memory_space<vmem>>
        %dma_start3A_403 = tpu.memref_squeeze %dma_start3A_402 : memref<1x125xi32, #tpu.memory_space<vmem>> -> memref<125xi32, #tpu.memory_space<vmem>>
        %dma_start3A_404 = arith.constant 0 : i32
        %dma_start3A_405 = arith.constant 0 : i32
        %dma_start3A_406 = tpu.memref_slice %arg4[%dma_start3A_404, %dma_start3A_405] : memref<10000x64xf32, #tpu.memory_space<hbm>> -> memref<10000x64xf32, #tpu.memory_space<hbm>>
        tpu.enqueue_indirect_dma source(%dma_start3A_406 : memref<10000x64xf32, #tpu.memory_space<hbm>>) target(%arg10 : memref<125x64xf32, #tpu.memory_space<vmem>>) offsets(%dma_start3A_403 : memref<125xi32, #tpu.memory_space<vmem>>) semaphore(%arg20 : memref<!tpu.dma_semaphore, #tpu.memory_space<semaphore_mem>>)
      } else {
      }
      %dma_wait3A_317 = arith.constant 0 : i32
      %dma_wait3A_318 = arith.constant 0 : i32
      %dma_wait3A_319 = tpu.memref_slice %arg4[%dma_wait3A_317, %dma_wait3A_318] : memref<10000x64xf32, #tpu.memory_space<hbm>> -> memref<125x64xf32, #tpu.memory_space<hbm>>
      %dma_wait3A_320 = arith.constant 0 : i32
      %dma_wait3A_321 = arith.constant 0 : i32
      %dma_wait3A_322 = tpu.memref_slice %arg4[%dma_wait3A_320, %dma_wait3A_321] : memref<10000x64xf32, #tpu.memory_space<hbm>> -> memref<125x64xf32, #tpu.memory_space<hbm>>
      tpu.wait_dma2 semaphore(%arg24 : memref<!tpu.dma_semaphore, #tpu.memory_space<semaphore_mem>>) src(%dma_wait3A_322 : memref<125x64xf32, #tpu.memory_space<hbm>>) dst(%arg14 : memref<125x64xf32, #tpu.memory_space<vmem>>)
      %dma_start3A_323 = arith.constant 0 : i32
      %dma_start3A_324 = tpu.memref_slice %arg9[%add3A_312, %dma_start3A_323] : memref<80x125xi32, #tpu.memory_space<vmem>> -> memref<1x125xi32, #tpu.memory_space<vmem>>
      %dma_start3A_325 = tpu.memref_squeeze %dma_start3A_324 : memref<1x125xi32, #tpu.memory_space<vmem>> -> memref<125xi32, #tpu.memory_space<vmem>>
      %dma_start3A_326 = arith.constant 0 : i32
      %dma_start3A_327 = arith.constant 0 : i32
      %dma_start3A_328 = tpu.memref_slice %arg19[%dma_start3A_326, %dma_start3A_327] : memref<10240x64xf32, #tpu.memory_space<vmem_shared>> -> memref<10240x64xf32, #tpu.memory_space<vmem_shared>>
      tpu.enqueue_indirect_dma source(%arg14 : memref<125x64xf32, #tpu.memory_space<vmem>>) target(%dma_start3A_328 : memref<10240x64xf32, #tpu.memory_space<vmem_shared>>) offsets(%dma_start3A_325 : memref<125xi32, #tpu.memory_space<vmem>>) semaphore(%arg32 : memref<!tpu.dma_semaphore, #tpu.memory_space<semaphore_mem>>) {add = true}
      %mul3A_329 = arith.constant 8 : i32
      %mul3A_330 = arith.muli %scan3A_194, %mul3A_329 : i32
      %add3A_331 = arith.constant 5 : i32
      %add3A_332 = arith.addi %mul3A_330, %add3A_331 : i32
      %lt3A_333 = arith.constant 9 : i32
      %lt3A_334 = arith.cmpi slt, %scan3A_194, %lt3A_333 : i32
      %convert_element_type3A_335 = arith.extui %lt3A_334 : i1 to i32
      %cond3A_336 = arith.constant 0 : i32
      %cond3A_337 = arith.cmpi ne, %convert_element_type3A_335, %cond3A_336 : i32
      scf.if %cond3A_337 {
        %dma_wait3A_393 = arith.constant 0 : i32
        %dma_wait3A_394 = arith.constant 0 : i32
        %dma_wait3A_395 = tpu.memref_slice %arg4[%dma_wait3A_393, %dma_wait3A_394] : memref<10000x64xf32, #tpu.memory_space<hbm>> -> memref<125x64xf32, #tpu.memory_space<hbm>>
        %dma_wait3A_396 = arith.constant 0 : i32
        %dma_wait3A_397 = arith.constant 0 : i32
        %dma_wait3A_398 = tpu.memref_slice %arg4[%dma_wait3A_396, %dma_wait3A_397] : memref<10000x64xf32, #tpu.memory_space<hbm>> -> memref<125x64xf32, #tpu.memory_space<hbm>>
        tpu.wait_dma2 semaphore(%arg29 : memref<!tpu.dma_semaphore, #tpu.memory_space<semaphore_mem>>) src(%dma_wait3A_398 : memref<125x64xf32, #tpu.memory_space<hbm>>) dst(%arg11 : memref<125x64xf32, #tpu.memory_space<vmem>>)
        %add3A_399 = arith.constant 4 : i32
        %add3A_400 = arith.addi %add3A_332, %add3A_399 : i32
        %dma_start3A_401 = arith.constant 0 : i32
        %dma_start3A_402 = tpu.memref_slice %arg8[%add3A_400, %dma_start3A_401] : memref<80x125xi32, #tpu.memory_space<vmem>> -> memref<1x125xi32, #tpu.memory_space<vmem>>
        %dma_start3A_403 = tpu.memref_squeeze %dma_start3A_402 : memref<1x125xi32, #tpu.memory_space<vmem>> -> memref<125xi32, #tpu.memory_space<vmem>>
        %dma_start3A_404 = arith.constant 0 : i32
        %dma_start3A_405 = arith.constant 0 : i32
        %dma_start3A_406 = tpu.memref_slice %arg4[%dma_start3A_404, %dma_start3A_405] : memref<10000x64xf32, #tpu.memory_space<hbm>> -> memref<10000x64xf32, #tpu.memory_space<hbm>>
        tpu.enqueue_indirect_dma source(%dma_start3A_406 : memref<10000x64xf32, #tpu.memory_space<hbm>>) target(%arg11 : memref<125x64xf32, #tpu.memory_space<vmem>>) offsets(%dma_start3A_403 : memref<125xi32, #tpu.memory_space<vmem>>) semaphore(%arg21 : memref<!tpu.dma_semaphore, #tpu.memory_space<semaphore_mem>>)
      } else {
      }
      %dma_wait3A_338 = arith.constant 0 : i32
      %dma_wait3A_339 = arith.constant 0 : i32
      %dma_wait3A_340 = tpu.memref_slice %arg4[%dma_wait3A_338, %dma_wait3A_339] : memref<10000x64xf32, #tpu.memory_space<hbm>> -> memref<125x64xf32, #tpu.memory_space<hbm>>
      %dma_wait3A_341 = arith.constant 0 : i32
      %dma_wait3A_342 = arith.constant 0 : i32
      %dma_wait3A_343 = tpu.memref_slice %arg4[%dma_wait3A_341, %dma_wait3A_342] : memref<10000x64xf32, #tpu.memory_space<hbm>> -> memref<125x64xf32, #tpu.memory_space<hbm>>
      tpu.wait_dma2 semaphore(%arg25 : memref<!tpu.dma_semaphore, #tpu.memory_space<semaphore_mem>>) src(%dma_wait3A_343 : memref<125x64xf32, #tpu.memory_space<hbm>>) dst(%arg15 : memref<125x64xf32, #tpu.memory_space<vmem>>)
      %dma_start3A_344 = arith.constant 0 : i32
      %dma_start3A_345 = tpu.memref_slice %arg9[%add3A_332, %dma_start3A_344] : memref<80x125xi32, #tpu.memory_space<vmem>> -> memref<1x125xi32, #tpu.memory_space<vmem>>
      %dma_start3A_346 = tpu.memref_squeeze %dma_start3A_345 : memref<1x125xi32, #tpu.memory_space<vmem>> -> memref<125xi32, #tpu.memory_space<vmem>>
      %dma_start3A_347 = arith.constant 0 : i32
      %dma_start3A_348 = arith.constant 0 : i32
      %dma_start3A_349 = tpu.memref_slice %arg19[%dma_start3A_347, %dma_start3A_348] : memref<10240x64xf32, #tpu.memory_space<vmem_shared>> -> memref<10240x64xf32, #tpu.memory_space<vmem_shared>>
      tpu.enqueue_indirect_dma source(%arg15 : memref<125x64xf32, #tpu.memory_space<vmem>>) target(%dma_start3A_349 : memref<10240x64xf32, #tpu.memory_space<vmem_shared>>) offsets(%dma_start3A_346 : memref<125xi32, #tpu.memory_space<vmem>>) semaphore(%arg33 : memref<!tpu.dma_semaphore, #tpu.memory_space<semaphore_mem>>) {add = true}
      %mul3A_350 = arith.constant 8 : i32
      %mul3A_351 = arith.muli %scan3A_194, %mul3A_350 : i32
      %add3A_352 = arith.constant 6 : i32
      %add3A_353 = arith.addi %mul3A_351, %add3A_352 : i32
      %lt3A_354 = arith.constant 9 : i32
      %lt3A_355 = arith.cmpi slt, %scan3A_194, %lt3A_354 : i32
      %convert_element_type3A_356 = arith.extui %lt3A_355 : i1 to i32
      %cond3A_357 = arith.constant 0 : i32
      %cond3A_358 = arith.cmpi ne, %convert_element_type3A_356, %cond3A_357 : i32
      scf.if %cond3A_358 {
        %dma_wait3A_393 = arith.constant 0 : i32
        %dma_wait3A_394 = arith.constant 0 : i32
        %dma_wait3A_395 = tpu.memref_slice %arg4[%dma_wait3A_393, %dma_wait3A_394] : memref<10000x64xf32, #tpu.memory_space<hbm>> -> memref<125x64xf32, #tpu.memory_space<hbm>>
        %dma_wait3A_396 = arith.constant 0 : i32
        %dma_wait3A_397 = arith.constant 0 : i32
        %dma_wait3A_398 = tpu.memref_slice %arg4[%dma_wait3A_396, %dma_wait3A_397] : memref<10000x64xf32, #tpu.memory_space<hbm>> -> memref<125x64xf32, #tpu.memory_space<hbm>>
        tpu.wait_dma2 semaphore(%arg30 : memref<!tpu.dma_semaphore, #tpu.memory_space<semaphore_mem>>) src(%dma_wait3A_398 : memref<125x64xf32, #tpu.memory_space<hbm>>) dst(%arg12 : memref<125x64xf32, #tpu.memory_space<vmem>>)
        %add3A_399 = arith.constant 4 : i32
        %add3A_400 = arith.addi %add3A_353, %add3A_399 : i32
        %dma_start3A_401 = arith.constant 0 : i32
        %dma_start3A_402 = tpu.memref_slice %arg8[%add3A_400, %dma_start3A_401] : memref<80x125xi32, #tpu.memory_space<vmem>> -> memref<1x125xi32, #tpu.memory_space<vmem>>
        %dma_start3A_403 = tpu.memref_squeeze %dma_start3A_402 : memref<1x125xi32, #tpu.memory_space<vmem>> -> memref<125xi32, #tpu.memory_space<vmem>>
        %dma_start3A_404 = arith.constant 0 : i32
        %dma_start3A_405 = arith.constant 0 : i32
        %dma_start3A_406 = tpu.memref_slice %arg4[%dma_start3A_404, %dma_start3A_405] : memref<10000x64xf32, #tpu.memory_space<hbm>> -> memref<10000x64xf32, #tpu.memory_space<hbm>>
        tpu.enqueue_indirect_dma source(%dma_start3A_406 : memref<10000x64xf32, #tpu.memory_space<hbm>>) target(%arg12 : memref<125x64xf32, #tpu.memory_space<vmem>>) offsets(%dma_start3A_403 : memref<125xi32, #tpu.memory_space<vmem>>) semaphore(%arg22 : memref<!tpu.dma_semaphore, #tpu.memory_space<semaphore_mem>>)
      } else {
      }
      %dma_wait3A_359 = arith.constant 0 : i32
      %dma_wait3A_360 = arith.constant 0 : i32
      %dma_wait3A_361 = tpu.memref_slice %arg4[%dma_wait3A_359, %dma_wait3A_360] : memref<10000x64xf32, #tpu.memory_space<hbm>> -> memref<125x64xf32, #tpu.memory_space<hbm>>
      %dma_wait3A_362 = arith.constant 0 : i32
      %dma_wait3A_363 = arith.constant 0 : i32
      %dma_wait3A_364 = tpu.memref_slice %arg4[%dma_wait3A_362, %dma_wait3A_363] : memref<10000x64xf32, #tpu.memory_space<hbm>> -> memref<125x64xf32, #tpu.memory_space<hbm>>
      tpu.wait_dma2 semaphore(%arg26 : memref<!tpu.dma_semaphore, #tpu.memory_space<semaphore_mem>>) src(%dma_wait3A_364 : memref<125x64xf32, #tpu.memory_space<hbm>>) dst(%arg16 : memref<125x64xf32, #tpu.memory_space<vmem>>)
      %dma_start3A_365 = arith.constant 0 : i32
      %dma_start3A_366 = tpu.memref_slice %arg9[%add3A_353, %dma_start3A_365] : memref<80x125xi32, #tpu.memory_space<vmem>> -> memref<1x125xi32, #tpu.memory_space<vmem>>
      %dma_start3A_367 = tpu.memref_squeeze %dma_start3A_366 : memref<1x125xi32, #tpu.memory_space<vmem>> -> memref<125xi32, #tpu.memory_space<vmem>>
      %dma_start3A_368 = arith.constant 0 : i32
      %dma_start3A_369 = arith.constant 0 : i32
      %dma_start3A_370 = tpu.memref_slice %arg19[%dma_start3A_368, %dma_start3A_369] : memref<10240x64xf32, #tpu.memory_space<vmem_shared>> -> memref<10240x64xf32, #tpu.memory_space<vmem_shared>>
      tpu.enqueue_indirect_dma source(%arg16 : memref<125x64xf32, #tpu.memory_space<vmem>>) target(%dma_start3A_370 : memref<10240x64xf32, #tpu.memory_space<vmem_shared>>) offsets(%dma_start3A_367 : memref<125xi32, #tpu.memory_space<vmem>>) semaphore(%arg34 : memref<!tpu.dma_semaphore, #tpu.memory_space<semaphore_mem>>) {add = true}
      %mul3A_371 = arith.constant 8 : i32
      %mul3A_372 = arith.muli %scan3A_194, %mul3A_371 : i32
      %add3A_373 = arith.constant 7 : i32
      %add3A_374 = arith.addi %mul3A_372, %add3A_373 : i32
      %lt3A_375 = arith.constant 9 : i32
      %lt3A_376 = arith.cmpi slt, %scan3A_194, %lt3A_375 : i32
      %convert_element_type3A_377 = arith.extui %lt3A_376 : i1 to i32
      %cond3A_378 = arith.constant 0 : i32
      %cond3A_379 = arith.cmpi ne, %convert_element_type3A_377, %cond3A_378 : i32
      scf.if %cond3A_379 {
        %dma_wait3A_393 = arith.constant 0 : i32
        %dma_wait3A_394 = arith.constant 0 : i32
        %dma_wait3A_395 = tpu.memref_slice %arg4[%dma_wait3A_393, %dma_wait3A_394] : memref<10000x64xf32, #tpu.memory_space<hbm>> -> memref<125x64xf32, #tpu.memory_space<hbm>>
        %dma_wait3A_396 = arith.constant 0 : i32
        %dma_wait3A_397 = arith.constant 0 : i32
        %dma_wait3A_398 = tpu.memref_slice %arg4[%dma_wait3A_396, %dma_wait3A_397] : memref<10000x64xf32, #tpu.memory_space<hbm>> -> memref<125x64xf32, #tpu.memory_space<hbm>>
        tpu.wait_dma2 semaphore(%arg31 : memref<!tpu.dma_semaphore, #tpu.memory_space<semaphore_mem>>) src(%dma_wait3A_398 : memref<125x64xf32, #tpu.memory_space<hbm>>) dst(%arg13 : memref<125x64xf32, #tpu.memory_space<vmem>>)
        %add3A_399 = arith.constant 4 : i32
        %add3A_400 = arith.addi %add3A_374, %add3A_399 : i32
        %dma_start3A_401 = arith.constant 0 : i32
        %dma_start3A_402 = tpu.memref_slice %arg8[%add3A_400, %dma_start3A_401] : memref<80x125xi32, #tpu.memory_space<vmem>> -> memref<1x125xi32, #tpu.memory_space<vmem>>
        %dma_start3A_403 = tpu.memref_squeeze %dma_start3A_402 : memref<1x125xi32, #tpu.memory_space<vmem>> -> memref<125xi32, #tpu.memory_space<vmem>>
        %dma_start3A_404 = arith.constant 0 : i32
        %dma_start3A_405 = arith.constant 0 : i32
        %dma_start3A_406 = tpu.memref_slice %arg4[%dma_start3A_404, %dma_start3A_405] : memref<10000x64xf32, #tpu.memory_space<hbm>> -> memref<10000x64xf32, #tpu.memory_space<hbm>>
        tpu.enqueue_indirect_dma source(%dma_start3A_406 : memref<10000x64xf32, #tpu.memory_space<hbm>>) target(%arg13 : memref<125x64xf32, #tpu.memory_space<vmem>>) offsets(%dma_start3A_403 : memref<125xi32, #tpu.memory_space<vmem>>) semaphore(%arg23 : memref<!tpu.dma_semaphore, #tpu.memory_space<semaphore_mem>>)
      } else {
      }
      %dma_wait3A_380 = arith.constant 0 : i32
      %dma_wait3A_381 = arith.constant 0 : i32
      %dma_wait3A_382 = tpu.memref_slice %arg4[%dma_wait3A_380, %dma_wait3A_381] : memref<10000x64xf32, #tpu.memory_space<hbm>> -> memref<125x64xf32, #tpu.memory_space<hbm>>
      %dma_wait3A_383 = arith.constant 0 : i32
      %dma_wait3A_384 = arith.constant 0 : i32
      %dma_wait3A_385 = tpu.memref_slice %arg4[%dma_wait3A_383, %dma_wait3A_384] : memref<10000x64xf32, #tpu.memory_space<hbm>> -> memref<125x64xf32, #tpu.memory_space<hbm>>
      tpu.wait_dma2 semaphore(%arg27 : memref<!tpu.dma_semaphore, #tpu.memory_space<semaphore_mem>>) src(%dma_wait3A_385 : memref<125x64xf32, #tpu.memory_space<hbm>>) dst(%arg17 : memref<125x64xf32, #tpu.memory_space<vmem>>)
      %dma_start3A_386 = arith.constant 0 : i32
      %dma_start3A_387 = tpu.memref_slice %arg9[%add3A_374, %dma_start3A_386] : memref<80x125xi32, #tpu.memory_space<vmem>> -> memref<1x125xi32, #tpu.memory_space<vmem>>
      %dma_start3A_388 = tpu.memref_squeeze %dma_start3A_387 : memref<1x125xi32, #tpu.memory_space<vmem>> -> memref<125xi32, #tpu.memory_space<vmem>>
      %dma_start3A_389 = arith.constant 0 : i32
      %dma_start3A_390 = arith.constant 0 : i32
      %dma_start3A_391 = tpu.memref_slice %arg19[%dma_start3A_389, %dma_start3A_390] : memref<10240x64xf32, #tpu.memory_space<vmem_shared>> -> memref<10240x64xf32, #tpu.memory_space<vmem_shared>>
      tpu.enqueue_indirect_dma source(%arg17 : memref<125x64xf32, #tpu.memory_space<vmem>>) target(%dma_start3A_391 : memref<10240x64xf32, #tpu.memory_space<vmem_shared>>) offsets(%dma_start3A_388 : memref<125xi32, #tpu.memory_space<vmem>>) semaphore(%arg35 : memref<!tpu.dma_semaphore, #tpu.memory_space<semaphore_mem>>) {add = true}
      %scan3A_392 = arith.constant 0 : i32
      scf.yield %scan3A_392 : i32
    }
    %scan3A_53 = arith.constant 10 : i32
    %dma_wait3A = arith.constant 0 : i32
    %dma_wait3A_54 = arith.constant 0 : i32
    %dma_wait3A_55 = tpu.memref_slice %arg4[%dma_wait3A, %dma_wait3A_54] : memref<10000x64xf32, #tpu.memory_space<hbm>> -> memref<125x64xf32, #tpu.memory_space<hbm>>
    %dma_wait3A_56 = arith.constant 0 : i32
    %dma_wait3A_57 = arith.constant 0 : i32
    %dma_wait3A_58 = tpu.memref_slice %arg4[%dma_wait3A_56, %dma_wait3A_57] : memref<10000x64xf32, #tpu.memory_space<hbm>> -> memref<125x64xf32, #tpu.memory_space<hbm>>
    tpu.wait_dma2 semaphore(%arg28 : memref<!tpu.dma_semaphore, #tpu.memory_space<semaphore_mem>>) src(%dma_wait3A_58 : memref<125x64xf32, #tpu.memory_space<hbm>>) dst(%arg10 : memref<125x64xf32, #tpu.memory_space<vmem>>)
    %dma_wait3A_59 = arith.constant 0 : i32
    %dma_wait3A_60 = arith.constant 0 : i32
    %dma_wait3A_61 = tpu.memref_slice %arg4[%dma_wait3A_59, %dma_wait3A_60] : memref<10000x64xf32, #tpu.memory_space<hbm>> -> memref<125x64xf32, #tpu.memory_space<hbm>>
    %dma_wait3A_62 = arith.constant 0 : i32
    %dma_wait3A_63 = arith.constant 0 : i32
    %dma_wait3A_64 = tpu.memref_slice %arg4[%dma_wait3A_62, %dma_wait3A_63] : memref<10000x64xf32, #tpu.memory_space<hbm>> -> memref<125x64xf32, #tpu.memory_space<hbm>>
    tpu.wait_dma2 semaphore(%arg29 : memref<!tpu.dma_semaphore, #tpu.memory_space<semaphore_mem>>) src(%dma_wait3A_64 : memref<125x64xf32, #tpu.memory_space<hbm>>) dst(%arg11 : memref<125x64xf32, #tpu.memory_space<vmem>>)
    %dma_wait3A_65 = arith.constant 0 : i32
    %dma_wait3A_66 = arith.constant 0 : i32
    %dma_wait3A_67 = tpu.memref_slice %arg4[%dma_wait3A_65, %dma_wait3A_66] : memref<10000x64xf32, #tpu.memory_space<hbm>> -> memref<125x64xf32, #tpu.memory_space<hbm>>
    %dma_wait3A_68 = arith.constant 0 : i32
    %dma_wait3A_69 = arith.constant 0 : i32
    %dma_wait3A_70 = tpu.memref_slice %arg4[%dma_wait3A_68, %dma_wait3A_69] : memref<10000x64xf32, #tpu.memory_space<hbm>> -> memref<125x64xf32, #tpu.memory_space<hbm>>
    tpu.wait_dma2 semaphore(%arg30 : memref<!tpu.dma_semaphore, #tpu.memory_space<semaphore_mem>>) src(%dma_wait3A_70 : memref<125x64xf32, #tpu.memory_space<hbm>>) dst(%arg12 : memref<125x64xf32, #tpu.memory_space<vmem>>)
    %dma_wait3A_71 = arith.constant 0 : i32
    %dma_wait3A_72 = arith.constant 0 : i32
    %dma_wait3A_73 = tpu.memref_slice %arg4[%dma_wait3A_71, %dma_wait3A_72] : memref<10000x64xf32, #tpu.memory_space<hbm>> -> memref<125x64xf32, #tpu.memory_space<hbm>>
    %dma_wait3A_74 = arith.constant 0 : i32
    %dma_wait3A_75 = arith.constant 0 : i32
    %dma_wait3A_76 = tpu.memref_slice %arg4[%dma_wait3A_74, %dma_wait3A_75] : memref<10000x64xf32, #tpu.memory_space<hbm>> -> memref<125x64xf32, #tpu.memory_space<hbm>>
    tpu.wait_dma2 semaphore(%arg31 : memref<!tpu.dma_semaphore, #tpu.memory_space<semaphore_mem>>) src(%dma_wait3A_76 : memref<125x64xf32, #tpu.memory_space<hbm>>) dst(%arg13 : memref<125x64xf32, #tpu.memory_space<vmem>>)
    %dma_wait3A_77 = arith.constant 0 : i32
    %dma_wait3A_78 = arith.constant 0 : i32
    %dma_wait3A_79 = tpu.memref_slice %arg4[%dma_wait3A_77, %dma_wait3A_78] : memref<10000x64xf32, #tpu.memory_space<hbm>> -> memref<125x64xf32, #tpu.memory_space<hbm>>
    %dma_wait3A_80 = arith.constant 0 : i32
    %dma_wait3A_81 = arith.constant 0 : i32
    %dma_wait3A_82 = tpu.memref_slice %arg4[%dma_wait3A_80, %dma_wait3A_81] : memref<10000x64xf32, #tpu.memory_space<hbm>> -> memref<125x64xf32, #tpu.memory_space<hbm>>
    tpu.wait_dma2 semaphore(%arg32 : memref<!tpu.dma_semaphore, #tpu.memory_space<semaphore_mem>>) src(%dma_wait3A_82 : memref<125x64xf32, #tpu.memory_space<hbm>>) dst(%arg14 : memref<125x64xf32, #tpu.memory_space<vmem>>)
    %dma_wait3A_83 = arith.constant 0 : i32
    %dma_wait3A_84 = arith.constant 0 : i32
    %dma_wait3A_85 = tpu.memref_slice %arg4[%dma_wait3A_83, %dma_wait3A_84] : memref<10000x64xf32, #tpu.memory_space<hbm>> -> memref<125x64xf32, #tpu.memory_space<hbm>>
    %dma_wait3A_86 = arith.constant 0 : i32
    %dma_wait3A_87 = arith.constant 0 : i32
    %dma_wait3A_88 = tpu.memref_slice %arg4[%dma_wait3A_86, %dma_wait3A_87] : memref<10000x64xf32, #tpu.memory_space<hbm>> -> memref<125x64xf32, #tpu.memory_space<hbm>>
    tpu.wait_dma2 semaphore(%arg33 : memref<!tpu.dma_semaphore, #tpu.memory_space<semaphore_mem>>) src(%dma_wait3A_88 : memref<125x64xf32, #tpu.memory_space<hbm>>) dst(%arg15 : memref<125x64xf32, #tpu.memory_space<vmem>>)
    %dma_wait3A_89 = arith.constant 0 : i32
    %dma_wait3A_90 = arith.constant 0 : i32
    %dma_wait3A_91 = tpu.memref_slice %arg4[%dma_wait3A_89, %dma_wait3A_90] : memref<10000x64xf32, #tpu.memory_space<hbm>> -> memref<125x64xf32, #tpu.memory_space<hbm>>
    %dma_wait3A_92 = arith.constant 0 : i32
    %dma_wait3A_93 = arith.constant 0 : i32
    %dma_wait3A_94 = tpu.memref_slice %arg4[%dma_wait3A_92, %dma_wait3A_93] : memref<10000x64xf32, #tpu.memory_space<hbm>> -> memref<125x64xf32, #tpu.memory_space<hbm>>
    tpu.wait_dma2 semaphore(%arg34 : memref<!tpu.dma_semaphore, #tpu.memory_space<semaphore_mem>>) src(%dma_wait3A_94 : memref<125x64xf32, #tpu.memory_space<hbm>>) dst(%arg16 : memref<125x64xf32, #tpu.memory_space<vmem>>)
    %dma_wait3A_95 = arith.constant 0 : i32
    %dma_wait3A_96 = arith.constant 0 : i32
    %dma_wait3A_97 = tpu.memref_slice %arg4[%dma_wait3A_95, %dma_wait3A_96] : memref<10000x64xf32, #tpu.memory_space<hbm>> -> memref<125x64xf32, #tpu.memory_space<hbm>>
    %dma_wait3A_98 = arith.constant 0 : i32
    %dma_wait3A_99 = arith.constant 0 : i32
    %dma_wait3A_100 = tpu.memref_slice %arg4[%dma_wait3A_98, %dma_wait3A_99] : memref<10000x64xf32, #tpu.memory_space<hbm>> -> memref<125x64xf32, #tpu.memory_space<hbm>>
    tpu.wait_dma2 semaphore(%arg35 : memref<!tpu.dma_semaphore, #tpu.memory_space<semaphore_mem>>) src(%dma_wait3A_100 : memref<125x64xf32, #tpu.memory_space<hbm>>) dst(%arg17 : memref<125x64xf32, #tpu.memory_space<vmem>>)
    %barrier3A_101 = arith.constant 0 : index
    tpu.barrier barrier_id(%barrier3A_101)
    "tpu.region"() ({
      %run_scoped3A = tpu.sem_alloc : memref<!tpu.dma_semaphore, #tpu.memory_space<semaphore_mem>>
      %dma_start3A_194 = arith.constant 0 : i32
      %dma_start3A_195 = tpu.memref_slice %arg6[%arg0, %mul3A_2, %dma_start3A_194] : memref<2x10240x64xf32, #tpu.memory_space<hbm>> -> memref<1x640x64xf32, #tpu.memory_space<hbm>>
      %dma_start3A_196 = tpu.memref_squeeze %dma_start3A_195 : memref<1x640x64xf32, #tpu.memory_space<hbm>> -> memref<640x64xf32, #tpu.memory_space<hbm>>
      %dma_start3A_197 = arith.constant 0 : i32
      %dma_start3A_198 = tpu.memref_slice %arg19[%mul3A_2, %dma_start3A_197] : memref<10240x64xf32, #tpu.memory_space<vmem_shared>> -> memref<640x64xf32, #tpu.memory_space<vmem_shared>>
      tpu.enqueue_dma source(%dma_start3A_198 : memref<640x64xf32, #tpu.memory_space<vmem_shared>>) target(%dma_start3A_196 : memref<640x64xf32, #tpu.memory_space<hbm>>) target_semaphore(%run_scoped3A : memref<!tpu.dma_semaphore, #tpu.memory_space<semaphore_mem>>)
      %dma_wait3A_199 = arith.constant 0 : i32
      %dma_wait3A_200 = tpu.memref_slice %arg6[%arg0, %mul3A_2, %dma_wait3A_199] : memref<2x10240x64xf32, #tpu.memory_space<hbm>> -> memref<1x640x64xf32, #tpu.memory_space<hbm>>
      %dma_wait3A_201 = tpu.memref_squeeze %dma_wait3A_200 : memref<1x640x64xf32, #tpu.memory_space<hbm>> -> memref<640x64xf32, #tpu.memory_space<hbm>>
      %dma_wait3A_202 = arith.constant 0 : i32
      %dma_wait3A_203 = tpu.memref_slice %arg19[%mul3A_2, %dma_wait3A_202] : memref<10240x64xf32, #tpu.memory_space<vmem_shared>> -> memref<640x64xf32, #tpu.memory_space<vmem_shared>>
      tpu.wait_dma2 semaphore(%run_scoped3A : memref<!tpu.dma_semaphore, #tpu.memory_space<semaphore_mem>>) src(%dma_wait3A_203 : memref<640x64xf32, #tpu.memory_space<vmem_shared>>) dst(%dma_wait3A_201 : memref<640x64xf32, #tpu.memory_space<hbm>>)
      tpu.yield
    }) : () -> ()
    %dma_start3A_102 = arith.constant 0 : i32
    %dma_start3A_103 = arith.constant 0 : i32
    %dma_start3A_104 = tpu.memref_slice %arg8[%dma_start3A_102, %dma_start3A_103] : memref<80x125xi32, #tpu.memory_space<vmem>> -> memref<1x125xi32, #tpu.memory_space<vmem>>
    %dma_start3A_105 = tpu.memref_squeeze %dma_start3A_104 : memref<1x125xi32, #tpu.memory_space<vmem>> -> memref<125xi32, #tpu.memory_space<vmem>>
    %dma_start3A_106 = arith.constant 0 : i32
    %dma_start3A_107 = arith.constant 0 : i32
    %dma_start3A_108 = tpu.memref_slice %arg5[%dma_start3A_106, %dma_start3A_107] : memref<10000x64xf32, #tpu.memory_space<hbm>> -> memref<10000x64xf32, #tpu.memory_space<hbm>>
    tpu.enqueue_indirect_dma source(%dma_start3A_108 : memref<10000x64xf32, #tpu.memory_space<hbm>>) target(%arg10 : memref<125x64xf32, #tpu.memory_space<vmem>>) offsets(%dma_start3A_105 : memref<125xi32, #tpu.memory_space<vmem>>) semaphore(%arg20 : memref<!tpu.dma_semaphore, #tpu.memory_space<semaphore_mem>>)
    %dma_start3A_109 = arith.constant 1 : i32
    %dma_start3A_110 = arith.constant 0 : i32
    %dma_start3A_111 = tpu.memref_slice %arg8[%dma_start3A_109, %dma_start3A_110] : memref<80x125xi32, #tpu.memory_space<vmem>> -> memref<1x125xi32, #tpu.memory_space<vmem>>
    %dma_start3A_112 = tpu.memref_squeeze %dma_start3A_111 : memref<1x125xi32, #tpu.memory_space<vmem>> -> memref<125xi32, #tpu.memory_space<vmem>>
    %dma_start3A_113 = arith.constant 0 : i32
    %dma_start3A_114 = arith.constant 0 : i32
    %dma_start3A_115 = tpu.memref_slice %arg5[%dma_start3A_113, %dma_start3A_114] : memref<10000x64xf32, #tpu.memory_space<hbm>> -> memref<10000x64xf32, #tpu.memory_space<hbm>>
    tpu.enqueue_indirect_dma source(%dma_start3A_115 : memref<10000x64xf32, #tpu.memory_space<hbm>>) target(%arg11 : memref<125x64xf32, #tpu.memory_space<vmem>>) offsets(%dma_start3A_112 : memref<125xi32, #tpu.memory_space<vmem>>) semaphore(%arg21 : memref<!tpu.dma_semaphore, #tpu.memory_space<semaphore_mem>>)
    %dma_start3A_116 = arith.constant 2 : i32
    %dma_start3A_117 = arith.constant 0 : i32
    %dma_start3A_118 = tpu.memref_slice %arg8[%dma_start3A_116, %dma_start3A_117] : memref<80x125xi32, #tpu.memory_space<vmem>> -> memref<1x125xi32, #tpu.memory_space<vmem>>
    %dma_start3A_119 = tpu.memref_squeeze %dma_start3A_118 : memref<1x125xi32, #tpu.memory_space<vmem>> -> memref<125xi32, #tpu.memory_space<vmem>>
    %dma_start3A_120 = arith.constant 0 : i32
    %dma_start3A_121 = arith.constant 0 : i32
    %dma_start3A_122 = tpu.memref_slice %arg5[%dma_start3A_120, %dma_start3A_121] : memref<10000x64xf32, #tpu.memory_space<hbm>> -> memref<10000x64xf32, #tpu.memory_space<hbm>>
    tpu.enqueue_indirect_dma source(%dma_start3A_122 : memref<10000x64xf32, #tpu.memory_space<hbm>>) target(%arg12 : memref<125x64xf32, #tpu.memory_space<vmem>>) offsets(%dma_start3A_119 : memref<125xi32, #tpu.memory_space<vmem>>) semaphore(%arg22 : memref<!tpu.dma_semaphore, #tpu.memory_space<semaphore_mem>>)
    %dma_start3A_123 = arith.constant 3 : i32
    %dma_start3A_124 = arith.constant 0 : i32
    %dma_start3A_125 = tpu.memref_slice %arg8[%dma_start3A_123, %dma_start3A_124] : memref<80x125xi32, #tpu.memory_space<vmem>> -> memref<1x125xi32, #tpu.memory_space<vmem>>
    %dma_start3A_126 = tpu.memref_squeeze %dma_start3A_125 : memref<1x125xi32, #tpu.memory_space<vmem>> -> memref<125xi32, #tpu.memory_space<vmem>>
    %dma_start3A_127 = arith.constant 0 : i32
    %dma_start3A_128 = arith.constant 0 : i32
    %dma_start3A_129 = tpu.memref_slice %arg5[%dma_start3A_127, %dma_start3A_128] : memref<10000x64xf32, #tpu.memory_space<hbm>> -> memref<10000x64xf32, #tpu.memory_space<hbm>>
    tpu.enqueue_indirect_dma source(%dma_start3A_129 : memref<10000x64xf32, #tpu.memory_space<hbm>>) target(%arg13 : memref<125x64xf32, #tpu.memory_space<vmem>>) offsets(%dma_start3A_126 : memref<125xi32, #tpu.memory_space<vmem>>) semaphore(%arg23 : memref<!tpu.dma_semaphore, #tpu.memory_space<semaphore_mem>>)
    %scan3A_130 = arith.constant 0 : i32
    %scan3A_131 = arith.constant 0 : i32
    %scan3A_132 = arith.constant 10 : i32
    %scan3A_133 = arith.addi %scan3A_131, %scan3A_132 : i32
    %scan3A_134 = arith.constant 1 : i32
    %scan3A_135 = scf.for %scan3A_194 = %scan3A_131 to %scan3A_133 step %scan3A_134 iter_args(%scan3A_195 = %scan3A_130) -> (i32)  : i32 {
      %mul3A_196 = arith.constant 64 : i32
      %mul3A_197 = arith.muli %scan3A_194, %mul3A_196 : i32
      %add3A_198 = arith.addi %mul3A_2, %mul3A_197 : i32
      "tpu.region"() ({
        %run_scoped3A = tpu.sem_alloc : memref<!tpu.dma_semaphore, #tpu.memory_space<semaphore_mem>>
        %dma_start3A_200 = arith.constant 0 : i32
        %dma_start3A_201 = tpu.memref_slice %arg19[%add3A_198, %dma_start3A_200] : memref<10240x64xf32, #tpu.memory_space<vmem_shared>> -> memref<64x64xf32, #tpu.memory_space<vmem_shared>>
        %dma_start3A_202 = arith.constant 0 : i32
        %dma_start3A_203 = tpu.memref_slice %arg19[%add3A_198, %dma_start3A_202] : memref<10240x64xf32, #tpu.memory_space<vmem_shared>> -> memref<64x64xf32, #tpu.memory_space<vmem_shared>>
        tpu.enqueue_dma source(%arg18 : memref<64x64xf32, #tpu.memory_space<vmem>>) target(%dma_start3A_203 : memref<64x64xf32, #tpu.memory_space<vmem_shared>>) target_semaphore(%run_scoped3A : memref<!tpu.dma_semaphore, #tpu.memory_space<semaphore_mem>>)
        %dma_wait3A_204 = arith.constant 0 : i32
        %dma_wait3A_205 = tpu.memref_slice %arg19[%add3A_198, %dma_wait3A_204] : memref<10240x64xf32, #tpu.memory_space<vmem_shared>> -> memref<64x64xf32, #tpu.memory_space<vmem_shared>>
        %dma_wait3A_206 = arith.constant 0 : i32
        %dma_wait3A_207 = tpu.memref_slice %arg19[%add3A_198, %dma_wait3A_206] : memref<10240x64xf32, #tpu.memory_space<vmem_shared>> -> memref<64x64xf32, #tpu.memory_space<vmem_shared>>
        tpu.wait_dma2 semaphore(%run_scoped3A : memref<!tpu.dma_semaphore, #tpu.memory_space<semaphore_mem>>) src(%arg18 : memref<64x64xf32, #tpu.memory_space<vmem>>) dst(%dma_wait3A_207 : memref<64x64xf32, #tpu.memory_space<vmem_shared>>)
        tpu.yield
      }) : () -> ()
      %scan3A_199 = arith.constant 0 : i32
      scf.yield %scan3A_199 : i32
    }
    %scan3A_136 = arith.constant 10 : i32
    %barrier3A_137 = arith.constant 0 : index
    tpu.barrier barrier_id(%barrier3A_137)
    %scan3A_138 = arith.constant 0 : i32
    %scan3A_139 = arith.constant 0 : i32
    %scan3A_140 = arith.constant 10 : i32
    %scan3A_141 = arith.addi %scan3A_139, %scan3A_140 : i32
    %scan3A_142 = arith.constant 1 : i32
    %scan3A_143 = scf.for %scan3A_194 = %scan3A_139 to %scan3A_141 step %scan3A_142 iter_args(%scan3A_195 = %scan3A_138) -> (i32)  : i32 {
      %mul3A_196 = arith.constant 8 : i32
      %mul3A_197 = arith.muli %scan3A_194, %mul3A_196 : i32
      %add3A_198 = arith.constant 0 : i32
      %add3A_199 = arith.addi %mul3A_197, %add3A_198 : i32
      %gt3A = arith.constant 0 : i32
      %gt3A_200 = arith.cmpi sgt, %scan3A_194, %gt3A : i32
      %convert_element_type3A = arith.extui %gt3A_200 : i1 to i32
      %cond3A = arith.constant 0 : i32
      %cond3A_201 = arith.cmpi ne, %convert_element_type3A, %cond3A : i32
      scf.if %cond3A_201 {
        %dma_wait3A_393 = arith.constant 0 : i32
        %dma_wait3A_394 = arith.constant 0 : i32
        %dma_wait3A_395 = tpu.memref_slice %arg4[%dma_wait3A_393, %dma_wait3A_394] : memref<10000x64xf32, #tpu.memory_space<hbm>> -> memref<125x64xf32, #tpu.memory_space<hbm>>
        %dma_wait3A_396 = arith.constant 0 : i32
        %dma_wait3A_397 = arith.constant 0 : i32
        %dma_wait3A_398 = tpu.memref_slice %arg4[%dma_wait3A_396, %dma_wait3A_397] : memref<10000x64xf32, #tpu.memory_space<hbm>> -> memref<125x64xf32, #tpu.memory_space<hbm>>
        tpu.wait_dma2 semaphore(%arg32 : memref<!tpu.dma_semaphore, #tpu.memory_space<semaphore_mem>>) src(%dma_wait3A_398 : memref<125x64xf32, #tpu.memory_space<hbm>>) dst(%arg14 : memref<125x64xf32, #tpu.memory_space<vmem>>)
      } else {
      }
      %add3A_202 = arith.constant 4 : i32
      %add3A_203 = arith.addi %add3A_199, %add3A_202 : i32
      %dma_start3A_204 = arith.constant 0 : i32
      %dma_start3A_205 = tpu.memref_slice %arg8[%add3A_203, %dma_start3A_204] : memref<80x125xi32, #tpu.memory_space<vmem>> -> memref<1x125xi32, #tpu.memory_space<vmem>>
      %dma_start3A_206 = tpu.memref_squeeze %dma_start3A_205 : memref<1x125xi32, #tpu.memory_space<vmem>> -> memref<125xi32, #tpu.memory_space<vmem>>
      %dma_start3A_207 = arith.constant 0 : i32
      %dma_start3A_208 = arith.constant 0 : i32
      %dma_start3A_209 = tpu.memref_slice %arg5[%dma_start3A_207, %dma_start3A_208] : memref<10000x64xf32, #tpu.memory_space<hbm>> -> memref<10000x64xf32, #tpu.memory_space<hbm>>
      tpu.enqueue_indirect_dma source(%dma_start3A_209 : memref<10000x64xf32, #tpu.memory_space<hbm>>) target(%arg14 : memref<125x64xf32, #tpu.memory_space<vmem>>) offsets(%dma_start3A_206 : memref<125xi32, #tpu.memory_space<vmem>>) semaphore(%arg24 : memref<!tpu.dma_semaphore, #tpu.memory_space<semaphore_mem>>)
      %dma_wait3A_210 = arith.constant 0 : i32
      %dma_wait3A_211 = arith.constant 0 : i32
      %dma_wait3A_212 = tpu.memref_slice %arg4[%dma_wait3A_210, %dma_wait3A_211] : memref<10000x64xf32, #tpu.memory_space<hbm>> -> memref<125x64xf32, #tpu.memory_space<hbm>>
      %dma_wait3A_213 = arith.constant 0 : i32
      %dma_wait3A_214 = arith.constant 0 : i32
      %dma_wait3A_215 = tpu.memref_slice %arg4[%dma_wait3A_213, %dma_wait3A_214] : memref<10000x64xf32, #tpu.memory_space<hbm>> -> memref<125x64xf32, #tpu.memory_space<hbm>>
      tpu.wait_dma2 semaphore(%arg20 : memref<!tpu.dma_semaphore, #tpu.memory_space<semaphore_mem>>) src(%dma_wait3A_215 : memref<125x64xf32, #tpu.memory_space<hbm>>) dst(%arg10 : memref<125x64xf32, #tpu.memory_space<vmem>>)
      %dma_start3A_216 = arith.constant 0 : i32
      %dma_start3A_217 = tpu.memref_slice %arg9[%add3A_199, %dma_start3A_216] : memref<80x125xi32, #tpu.memory_space<vmem>> -> memref<1x125xi32, #tpu.memory_space<vmem>>
      %dma_start3A_218 = tpu.memref_squeeze %dma_start3A_217 : memref<1x125xi32, #tpu.memory_space<vmem>> -> memref<125xi32, #tpu.memory_space<vmem>>
      %dma_start3A_219 = arith.constant 0 : i32
      %dma_start3A_220 = arith.constant 0 : i32
      %dma_start3A_221 = tpu.memref_slice %arg19[%dma_start3A_219, %dma_start3A_220] : memref<10240x64xf32, #tpu.memory_space<vmem_shared>> -> memref<10240x64xf32, #tpu.memory_space<vmem_shared>>
      tpu.enqueue_indirect_dma source(%arg10 : memref<125x64xf32, #tpu.memory_space<vmem>>) target(%dma_start3A_221 : memref<10240x64xf32, #tpu.memory_space<vmem_shared>>) offsets(%dma_start3A_218 : memref<125xi32, #tpu.memory_space<vmem>>) semaphore(%arg28 : memref<!tpu.dma_semaphore, #tpu.memory_space<semaphore_mem>>) {add = true}
      %mul3A_222 = arith.constant 8 : i32
      %mul3A_223 = arith.muli %scan3A_194, %mul3A_222 : i32
      %add3A_224 = arith.constant 1 : i32
      %add3A_225 = arith.addi %mul3A_223, %add3A_224 : i32
      %gt3A_226 = arith.constant 0 : i32
      %gt3A_227 = arith.cmpi sgt, %scan3A_194, %gt3A_226 : i32
      %convert_element_type3A_228 = arith.extui %gt3A_227 : i1 to i32
      %cond3A_229 = arith.constant 0 : i32
      %cond3A_230 = arith.cmpi ne, %convert_element_type3A_228, %cond3A_229 : i32
      scf.if %cond3A_230 {
        %dma_wait3A_393 = arith.constant 0 : i32
        %dma_wait3A_394 = arith.constant 0 : i32
        %dma_wait3A_395 = tpu.memref_slice %arg4[%dma_wait3A_393, %dma_wait3A_394] : memref<10000x64xf32, #tpu.memory_space<hbm>> -> memref<125x64xf32, #tpu.memory_space<hbm>>
        %dma_wait3A_396 = arith.constant 0 : i32
        %dma_wait3A_397 = arith.constant 0 : i32
        %dma_wait3A_398 = tpu.memref_slice %arg4[%dma_wait3A_396, %dma_wait3A_397] : memref<10000x64xf32, #tpu.memory_space<hbm>> -> memref<125x64xf32, #tpu.memory_space<hbm>>
        tpu.wait_dma2 semaphore(%arg33 : memref<!tpu.dma_semaphore, #tpu.memory_space<semaphore_mem>>) src(%dma_wait3A_398 : memref<125x64xf32, #tpu.memory_space<hbm>>) dst(%arg15 : memref<125x64xf32, #tpu.memory_space<vmem>>)
      } else {
      }
      %add3A_231 = arith.constant 4 : i32
      %add3A_232 = arith.addi %add3A_225, %add3A_231 : i32
      %dma_start3A_233 = arith.constant 0 : i32
      %dma_start3A_234 = tpu.memref_slice %arg8[%add3A_232, %dma_start3A_233] : memref<80x125xi32, #tpu.memory_space<vmem>> -> memref<1x125xi32, #tpu.memory_space<vmem>>
      %dma_start3A_235 = tpu.memref_squeeze %dma_start3A_234 : memref<1x125xi32, #tpu.memory_space<vmem>> -> memref<125xi32, #tpu.memory_space<vmem>>
      %dma_start3A_236 = arith.constant 0 : i32
      %dma_start3A_237 = arith.constant 0 : i32
      %dma_start3A_238 = tpu.memref_slice %arg5[%dma_start3A_236, %dma_start3A_237] : memref<10000x64xf32, #tpu.memory_space<hbm>> -> memref<10000x64xf32, #tpu.memory_space<hbm>>
      tpu.enqueue_indirect_dma source(%dma_start3A_238 : memref<10000x64xf32, #tpu.memory_space<hbm>>) target(%arg15 : memref<125x64xf32, #tpu.memory_space<vmem>>) offsets(%dma_start3A_235 : memref<125xi32, #tpu.memory_space<vmem>>) semaphore(%arg25 : memref<!tpu.dma_semaphore, #tpu.memory_space<semaphore_mem>>)
      %dma_wait3A_239 = arith.constant 0 : i32
      %dma_wait3A_240 = arith.constant 0 : i32
      %dma_wait3A_241 = tpu.memref_slice %arg4[%dma_wait3A_239, %dma_wait3A_240] : memref<10000x64xf32, #tpu.memory_space<hbm>> -> memref<125x64xf32, #tpu.memory_space<hbm>>
      %dma_wait3A_242 = arith.constant 0 : i32
      %dma_wait3A_243 = arith.constant 0 : i32
      %dma_wait3A_244 = tpu.memref_slice %arg4[%dma_wait3A_242, %dma_wait3A_243] : memref<10000x64xf32, #tpu.memory_space<hbm>> -> memref<125x64xf32, #tpu.memory_space<hbm>>
      tpu.wait_dma2 semaphore(%arg21 : memref<!tpu.dma_semaphore, #tpu.memory_space<semaphore_mem>>) src(%dma_wait3A_244 : memref<125x64xf32, #tpu.memory_space<hbm>>) dst(%arg11 : memref<125x64xf32, #tpu.memory_space<vmem>>)
      %dma_start3A_245 = arith.constant 0 : i32
      %dma_start3A_246 = tpu.memref_slice %arg9[%add3A_225, %dma_start3A_245] : memref<80x125xi32, #tpu.memory_space<vmem>> -> memref<1x125xi32, #tpu.memory_space<vmem>>
      %dma_start3A_247 = tpu.memref_squeeze %dma_start3A_246 : memref<1x125xi32, #tpu.memory_space<vmem>> -> memref<125xi32, #tpu.memory_space<vmem>>
      %dma_start3A_248 = arith.constant 0 : i32
      %dma_start3A_249 = arith.constant 0 : i32
      %dma_start3A_250 = tpu.memref_slice %arg19[%dma_start3A_248, %dma_start3A_249] : memref<10240x64xf32, #tpu.memory_space<vmem_shared>> -> memref<10240x64xf32, #tpu.memory_space<vmem_shared>>
      tpu.enqueue_indirect_dma source(%arg11 : memref<125x64xf32, #tpu.memory_space<vmem>>) target(%dma_start3A_250 : memref<10240x64xf32, #tpu.memory_space<vmem_shared>>) offsets(%dma_start3A_247 : memref<125xi32, #tpu.memory_space<vmem>>) semaphore(%arg29 : memref<!tpu.dma_semaphore, #tpu.memory_space<semaphore_mem>>) {add = true}
      %mul3A_251 = arith.constant 8 : i32
      %mul3A_252 = arith.muli %scan3A_194, %mul3A_251 : i32
      %add3A_253 = arith.constant 2 : i32
      %add3A_254 = arith.addi %mul3A_252, %add3A_253 : i32
      %gt3A_255 = arith.constant 0 : i32
      %gt3A_256 = arith.cmpi sgt, %scan3A_194, %gt3A_255 : i32
      %convert_element_type3A_257 = arith.extui %gt3A_256 : i1 to i32
      %cond3A_258 = arith.constant 0 : i32
      %cond3A_259 = arith.cmpi ne, %convert_element_type3A_257, %cond3A_258 : i32
      scf.if %cond3A_259 {
        %dma_wait3A_393 = arith.constant 0 : i32
        %dma_wait3A_394 = arith.constant 0 : i32
        %dma_wait3A_395 = tpu.memref_slice %arg4[%dma_wait3A_393, %dma_wait3A_394] : memref<10000x64xf32, #tpu.memory_space<hbm>> -> memref<125x64xf32, #tpu.memory_space<hbm>>
        %dma_wait3A_396 = arith.constant 0 : i32
        %dma_wait3A_397 = arith.constant 0 : i32
        %dma_wait3A_398 = tpu.memref_slice %arg4[%dma_wait3A_396, %dma_wait3A_397] : memref<10000x64xf32, #tpu.memory_space<hbm>> -> memref<125x64xf32, #tpu.memory_space<hbm>>
        tpu.wait_dma2 semaphore(%arg34 : memref<!tpu.dma_semaphore, #tpu.memory_space<semaphore_mem>>) src(%dma_wait3A_398 : memref<125x64xf32, #tpu.memory_space<hbm>>) dst(%arg16 : memref<125x64xf32, #tpu.memory_space<vmem>>)
      } else {
      }
      %add3A_260 = arith.constant 4 : i32
      %add3A_261 = arith.addi %add3A_254, %add3A_260 : i32
      %dma_start3A_262 = arith.constant 0 : i32
      %dma_start3A_263 = tpu.memref_slice %arg8[%add3A_261, %dma_start3A_262] : memref<80x125xi32, #tpu.memory_space<vmem>> -> memref<1x125xi32, #tpu.memory_space<vmem>>
      %dma_start3A_264 = tpu.memref_squeeze %dma_start3A_263 : memref<1x125xi32, #tpu.memory_space<vmem>> -> memref<125xi32, #tpu.memory_space<vmem>>
      %dma_start3A_265 = arith.constant 0 : i32
      %dma_start3A_266 = arith.constant 0 : i32
      %dma_start3A_267 = tpu.memref_slice %arg5[%dma_start3A_265, %dma_start3A_266] : memref<10000x64xf32, #tpu.memory_space<hbm>> -> memref<10000x64xf32, #tpu.memory_space<hbm>>
      tpu.enqueue_indirect_dma source(%dma_start3A_267 : memref<10000x64xf32, #tpu.memory_space<hbm>>) target(%arg16 : memref<125x64xf32, #tpu.memory_space<vmem>>) offsets(%dma_start3A_264 : memref<125xi32, #tpu.memory_space<vmem>>) semaphore(%arg26 : memref<!tpu.dma_semaphore, #tpu.memory_space<semaphore_mem>>)
      %dma_wait3A_268 = arith.constant 0 : i32
      %dma_wait3A_269 = arith.constant 0 : i32
      %dma_wait3A_270 = tpu.memref_slice %arg4[%dma_wait3A_268, %dma_wait3A_269] : memref<10000x64xf32, #tpu.memory_space<hbm>> -> memref<125x64xf32, #tpu.memory_space<hbm>>
      %dma_wait3A_271 = arith.constant 0 : i32
      %dma_wait3A_272 = arith.constant 0 : i32
      %dma_wait3A_273 = tpu.memref_slice %arg4[%dma_wait3A_271, %dma_wait3A_272] : memref<10000x64xf32, #tpu.memory_space<hbm>> -> memref<125x64xf32, #tpu.memory_space<hbm>>
      tpu.wait_dma2 semaphore(%arg22 : memref<!tpu.dma_semaphore, #tpu.memory_space<semaphore_mem>>) src(%dma_wait3A_273 : memref<125x64xf32, #tpu.memory_space<hbm>>) dst(%arg12 : memref<125x64xf32, #tpu.memory_space<vmem>>)
      %dma_start3A_274 = arith.constant 0 : i32
      %dma_start3A_275 = tpu.memref_slice %arg9[%add3A_254, %dma_start3A_274] : memref<80x125xi32, #tpu.memory_space<vmem>> -> memref<1x125xi32, #tpu.memory_space<vmem>>
      %dma_start3A_276 = tpu.memref_squeeze %dma_start3A_275 : memref<1x125xi32, #tpu.memory_space<vmem>> -> memref<125xi32, #tpu.memory_space<vmem>>
      %dma_start3A_277 = arith.constant 0 : i32
      %dma_start3A_278 = arith.constant 0 : i32
      %dma_start3A_279 = tpu.memref_slice %arg19[%dma_start3A_277, %dma_start3A_278] : memref<10240x64xf32, #tpu.memory_space<vmem_shared>> -> memref<10240x64xf32, #tpu.memory_space<vmem_shared>>
      tpu.enqueue_indirect_dma source(%arg12 : memref<125x64xf32, #tpu.memory_space<vmem>>) target(%dma_start3A_279 : memref<10240x64xf32, #tpu.memory_space<vmem_shared>>) offsets(%dma_start3A_276 : memref<125xi32, #tpu.memory_space<vmem>>) semaphore(%arg30 : memref<!tpu.dma_semaphore, #tpu.memory_space<semaphore_mem>>) {add = true}
      %mul3A_280 = arith.constant 8 : i32
      %mul3A_281 = arith.muli %scan3A_194, %mul3A_280 : i32
      %add3A_282 = arith.constant 3 : i32
      %add3A_283 = arith.addi %mul3A_281, %add3A_282 : i32
      %gt3A_284 = arith.constant 0 : i32
      %gt3A_285 = arith.cmpi sgt, %scan3A_194, %gt3A_284 : i32
      %convert_element_type3A_286 = arith.extui %gt3A_285 : i1 to i32
      %cond3A_287 = arith.constant 0 : i32
      %cond3A_288 = arith.cmpi ne, %convert_element_type3A_286, %cond3A_287 : i32
      scf.if %cond3A_288 {
        %dma_wait3A_393 = arith.constant 0 : i32
        %dma_wait3A_394 = arith.constant 0 : i32
        %dma_wait3A_395 = tpu.memref_slice %arg4[%dma_wait3A_393, %dma_wait3A_394] : memref<10000x64xf32, #tpu.memory_space<hbm>> -> memref<125x64xf32, #tpu.memory_space<hbm>>
        %dma_wait3A_396 = arith.constant 0 : i32
        %dma_wait3A_397 = arith.constant 0 : i32
        %dma_wait3A_398 = tpu.memref_slice %arg4[%dma_wait3A_396, %dma_wait3A_397] : memref<10000x64xf32, #tpu.memory_space<hbm>> -> memref<125x64xf32, #tpu.memory_space<hbm>>
        tpu.wait_dma2 semaphore(%arg35 : memref<!tpu.dma_semaphore, #tpu.memory_space<semaphore_mem>>) src(%dma_wait3A_398 : memref<125x64xf32, #tpu.memory_space<hbm>>) dst(%arg17 : memref<125x64xf32, #tpu.memory_space<vmem>>)
      } else {
      }
      %add3A_289 = arith.constant 4 : i32
      %add3A_290 = arith.addi %add3A_283, %add3A_289 : i32
      %dma_start3A_291 = arith.constant 0 : i32
      %dma_start3A_292 = tpu.memref_slice %arg8[%add3A_290, %dma_start3A_291] : memref<80x125xi32, #tpu.memory_space<vmem>> -> memref<1x125xi32, #tpu.memory_space<vmem>>
      %dma_start3A_293 = tpu.memref_squeeze %dma_start3A_292 : memref<1x125xi32, #tpu.memory_space<vmem>> -> memref<125xi32, #tpu.memory_space<vmem>>
      %dma_start3A_294 = arith.constant 0 : i32
      %dma_start3A_295 = arith.constant 0 : i32
      %dma_start3A_296 = tpu.memref_slice %arg5[%dma_start3A_294, %dma_start3A_295] : memref<10000x64xf32, #tpu.memory_space<hbm>> -> memref<10000x64xf32, #tpu.memory_space<hbm>>
      tpu.enqueue_indirect_dma source(%dma_start3A_296 : memref<10000x64xf32, #tpu.memory_space<hbm>>) target(%arg17 : memref<125x64xf32, #tpu.memory_space<vmem>>) offsets(%dma_start3A_293 : memref<125xi32, #tpu.memory_space<vmem>>) semaphore(%arg27 : memref<!tpu.dma_semaphore, #tpu.memory_space<semaphore_mem>>)
      %dma_wait3A_297 = arith.constant 0 : i32
      %dma_wait3A_298 = arith.constant 0 : i32
      %dma_wait3A_299 = tpu.memref_slice %arg4[%dma_wait3A_297, %dma_wait3A_298] : memref<10000x64xf32, #tpu.memory_space<hbm>> -> memref<125x64xf32, #tpu.memory_space<hbm>>
      %dma_wait3A_300 = arith.constant 0 : i32
      %dma_wait3A_301 = arith.constant 0 : i32
      %dma_wait3A_302 = tpu.memref_slice %arg4[%dma_wait3A_300, %dma_wait3A_301] : memref<10000x64xf32, #tpu.memory_space<hbm>> -> memref<125x64xf32, #tpu.memory_space<hbm>>
      tpu.wait_dma2 semaphore(%arg23 : memref<!tpu.dma_semaphore, #tpu.memory_space<semaphore_mem>>) src(%dma_wait3A_302 : memref<125x64xf32, #tpu.memory_space<hbm>>) dst(%arg13 : memref<125x64xf32, #tpu.memory_space<vmem>>)
      %dma_start3A_303 = arith.constant 0 : i32
      %dma_start3A_304 = tpu.memref_slice %arg9[%add3A_283, %dma_start3A_303] : memref<80x125xi32, #tpu.memory_space<vmem>> -> memref<1x125xi32, #tpu.memory_space<vmem>>
      %dma_start3A_305 = tpu.memref_squeeze %dma_start3A_304 : memref<1x125xi32, #tpu.memory_space<vmem>> -> memref<125xi32, #tpu.memory_space<vmem>>
      %dma_start3A_306 = arith.constant 0 : i32
      %dma_start3A_307 = arith.constant 0 : i32
      %dma_start3A_308 = tpu.memref_slice %arg19[%dma_start3A_306, %dma_start3A_307] : memref<10240x64xf32, #tpu.memory_space<vmem_shared>> -> memref<10240x64xf32, #tpu.memory_space<vmem_shared>>
      tpu.enqueue_indirect_dma source(%arg13 : memref<125x64xf32, #tpu.memory_space<vmem>>) target(%dma_start3A_308 : memref<10240x64xf32, #tpu.memory_space<vmem_shared>>) offsets(%dma_start3A_305 : memref<125xi32, #tpu.memory_space<vmem>>) semaphore(%arg31 : memref<!tpu.dma_semaphore, #tpu.memory_space<semaphore_mem>>) {add = true}
      %mul3A_309 = arith.constant 8 : i32
      %mul3A_310 = arith.muli %scan3A_194, %mul3A_309 : i32
      %add3A_311 = arith.constant 4 : i32
      %add3A_312 = arith.addi %mul3A_310, %add3A_311 : i32
      %lt3A = arith.constant 9 : i32
      %lt3A_313 = arith.cmpi slt, %scan3A_194, %lt3A : i32
      %convert_element_type3A_314 = arith.extui %lt3A_313 : i1 to i32
      %cond3A_315 = arith.constant 0 : i32
      %cond3A_316 = arith.cmpi ne, %convert_element_type3A_314, %cond3A_315 : i32
      scf.if %cond3A_316 {
        %dma_wait3A_393 = arith.constant 0 : i32
        %dma_wait3A_394 = arith.constant 0 : i32
        %dma_wait3A_395 = tpu.memref_slice %arg4[%dma_wait3A_393, %dma_wait3A_394] : memref<10000x64xf32, #tpu.memory_space<hbm>> -> memref<125x64xf32, #tpu.memory_space<hbm>>
        %dma_wait3A_396 = arith.constant 0 : i32
        %dma_wait3A_397 = arith.constant 0 : i32
        %dma_wait3A_398 = tpu.memref_slice %arg4[%dma_wait3A_396, %dma_wait3A_397] : memref<10000x64xf32, #tpu.memory_space<hbm>> -> memref<125x64xf32, #tpu.memory_space<hbm>>
        tpu.wait_dma2 semaphore(%arg28 : memref<!tpu.dma_semaphore, #tpu.memory_space<semaphore_mem>>) src(%dma_wait3A_398 : memref<125x64xf32, #tpu.memory_space<hbm>>) dst(%arg10 : memref<125x64xf32, #tpu.memory_space<vmem>>)
        %add3A_399 = arith.constant 4 : i32
        %add3A_400 = arith.addi %add3A_312, %add3A_399 : i32
        %dma_start3A_401 = arith.constant 0 : i32
        %dma_start3A_402 = tpu.memref_slice %arg8[%add3A_400, %dma_start3A_401] : memref<80x125xi32, #tpu.memory_space<vmem>> -> memref<1x125xi32, #tpu.memory_space<vmem>>
        %dma_start3A_403 = tpu.memref_squeeze %dma_start3A_402 : memref<1x125xi32, #tpu.memory_space<vmem>> -> memref<125xi32, #tpu.memory_space<vmem>>
        %dma_start3A_404 = arith.constant 0 : i32
        %dma_start3A_405 = arith.constant 0 : i32
        %dma_start3A_406 = tpu.memref_slice %arg5[%dma_start3A_404, %dma_start3A_405] : memref<10000x64xf32, #tpu.memory_space<hbm>> -> memref<10000x64xf32, #tpu.memory_space<hbm>>
        tpu.enqueue_indirect_dma source(%dma_start3A_406 : memref<10000x64xf32, #tpu.memory_space<hbm>>) target(%arg10 : memref<125x64xf32, #tpu.memory_space<vmem>>) offsets(%dma_start3A_403 : memref<125xi32, #tpu.memory_space<vmem>>) semaphore(%arg20 : memref<!tpu.dma_semaphore, #tpu.memory_space<semaphore_mem>>)
      } else {
      }
      %dma_wait3A_317 = arith.constant 0 : i32
      %dma_wait3A_318 = arith.constant 0 : i32
      %dma_wait3A_319 = tpu.memref_slice %arg4[%dma_wait3A_317, %dma_wait3A_318] : memref<10000x64xf32, #tpu.memory_space<hbm>> -> memref<125x64xf32, #tpu.memory_space<hbm>>
      %dma_wait3A_320 = arith.constant 0 : i32
      %dma_wait3A_321 = arith.constant 0 : i32
      %dma_wait3A_322 = tpu.memref_slice %arg4[%dma_wait3A_320, %dma_wait3A_321] : memref<10000x64xf32, #tpu.memory_space<hbm>> -> memref<125x64xf32, #tpu.memory_space<hbm>>
      tpu.wait_dma2 semaphore(%arg24 : memref<!tpu.dma_semaphore, #tpu.memory_space<semaphore_mem>>) src(%dma_wait3A_322 : memref<125x64xf32, #tpu.memory_space<hbm>>) dst(%arg14 : memref<125x64xf32, #tpu.memory_space<vmem>>)
      %dma_start3A_323 = arith.constant 0 : i32
      %dma_start3A_324 = tpu.memref_slice %arg9[%add3A_312, %dma_start3A_323] : memref<80x125xi32, #tpu.memory_space<vmem>> -> memref<1x125xi32, #tpu.memory_space<vmem>>
      %dma_start3A_325 = tpu.memref_squeeze %dma_start3A_324 : memref<1x125xi32, #tpu.memory_space<vmem>> -> memref<125xi32, #tpu.memory_space<vmem>>
      %dma_start3A_326 = arith.constant 0 : i32
      %dma_start3A_327 = arith.constant 0 : i32
      %dma_start3A_328 = tpu.memref_slice %arg19[%dma_start3A_326, %dma_start3A_327] : memref<10240x64xf32, #tpu.memory_space<vmem_shared>> -> memref<10240x64xf32, #tpu.memory_space<vmem_shared>>
      tpu.enqueue_indirect_dma source(%arg14 : memref<125x64xf32, #tpu.memory_space<vmem>>) target(%dma_start3A_328 : memref<10240x64xf32, #tpu.memory_space<vmem_shared>>) offsets(%dma_start3A_325 : memref<125xi32, #tpu.memory_space<vmem>>) semaphore(%arg32 : memref<!tpu.dma_semaphore, #tpu.memory_space<semaphore_mem>>) {add = true}
      %mul3A_329 = arith.constant 8 : i32
      %mul3A_330 = arith.muli %scan3A_194, %mul3A_329 : i32
      %add3A_331 = arith.constant 5 : i32
      %add3A_332 = arith.addi %mul3A_330, %add3A_331 : i32
      %lt3A_333 = arith.constant 9 : i32
      %lt3A_334 = arith.cmpi slt, %scan3A_194, %lt3A_333 : i32
      %convert_element_type3A_335 = arith.extui %lt3A_334 : i1 to i32
      %cond3A_336 = arith.constant 0 : i32
      %cond3A_337 = arith.cmpi ne, %convert_element_type3A_335, %cond3A_336 : i32
      scf.if %cond3A_337 {
        %dma_wait3A_393 = arith.constant 0 : i32
        %dma_wait3A_394 = arith.constant 0 : i32
        %dma_wait3A_395 = tpu.memref_slice %arg4[%dma_wait3A_393, %dma_wait3A_394] : memref<10000x64xf32, #tpu.memory_space<hbm>> -> memref<125x64xf32, #tpu.memory_space<hbm>>
        %dma_wait3A_396 = arith.constant 0 : i32
        %dma_wait3A_397 = arith.constant 0 : i32
        %dma_wait3A_398 = tpu.memref_slice %arg4[%dma_wait3A_396, %dma_wait3A_397] : memref<10000x64xf32, #tpu.memory_space<hbm>> -> memref<125x64xf32, #tpu.memory_space<hbm>>
        tpu.wait_dma2 semaphore(%arg29 : memref<!tpu.dma_semaphore, #tpu.memory_space<semaphore_mem>>) src(%dma_wait3A_398 : memref<125x64xf32, #tpu.memory_space<hbm>>) dst(%arg11 : memref<125x64xf32, #tpu.memory_space<vmem>>)
        %add3A_399 = arith.constant 4 : i32
        %add3A_400 = arith.addi %add3A_332, %add3A_399 : i32
        %dma_start3A_401 = arith.constant 0 : i32
        %dma_start3A_402 = tpu.memref_slice %arg8[%add3A_400, %dma_start3A_401] : memref<80x125xi32, #tpu.memory_space<vmem>> -> memref<1x125xi32, #tpu.memory_space<vmem>>
        %dma_start3A_403 = tpu.memref_squeeze %dma_start3A_402 : memref<1x125xi32, #tpu.memory_space<vmem>> -> memref<125xi32, #tpu.memory_space<vmem>>
        %dma_start3A_404 = arith.constant 0 : i32
        %dma_start3A_405 = arith.constant 0 : i32
        %dma_start3A_406 = tpu.memref_slice %arg5[%dma_start3A_404, %dma_start3A_405] : memref<10000x64xf32, #tpu.memory_space<hbm>> -> memref<10000x64xf32, #tpu.memory_space<hbm>>
        tpu.enqueue_indirect_dma source(%dma_start3A_406 : memref<10000x64xf32, #tpu.memory_space<hbm>>) target(%arg11 : memref<125x64xf32, #tpu.memory_space<vmem>>) offsets(%dma_start3A_403 : memref<125xi32, #tpu.memory_space<vmem>>) semaphore(%arg21 : memref<!tpu.dma_semaphore, #tpu.memory_space<semaphore_mem>>)
      } else {
      }
      %dma_wait3A_338 = arith.constant 0 : i32
      %dma_wait3A_339 = arith.constant 0 : i32
      %dma_wait3A_340 = tpu.memref_slice %arg4[%dma_wait3A_338, %dma_wait3A_339] : memref<10000x64xf32, #tpu.memory_space<hbm>> -> memref<125x64xf32, #tpu.memory_space<hbm>>
      %dma_wait3A_341 = arith.constant 0 : i32
      %dma_wait3A_342 = arith.constant 0 : i32
      %dma_wait3A_343 = tpu.memref_slice %arg4[%dma_wait3A_341, %dma_wait3A_342] : memref<10000x64xf32, #tpu.memory_space<hbm>> -> memref<125x64xf32, #tpu.memory_space<hbm>>
      tpu.wait_dma2 semaphore(%arg25 : memref<!tpu.dma_semaphore, #tpu.memory_space<semaphore_mem>>) src(%dma_wait3A_343 : memref<125x64xf32, #tpu.memory_space<hbm>>) dst(%arg15 : memref<125x64xf32, #tpu.memory_space<vmem>>)
      %dma_start3A_344 = arith.constant 0 : i32
      %dma_start3A_345 = tpu.memref_slice %arg9[%add3A_332, %dma_start3A_344] : memref<80x125xi32, #tpu.memory_space<vmem>> -> memref<1x125xi32, #tpu.memory_space<vmem>>
      %dma_start3A_346 = tpu.memref_squeeze %dma_start3A_345 : memref<1x125xi32, #tpu.memory_space<vmem>> -> memref<125xi32, #tpu.memory_space<vmem>>
      %dma_start3A_347 = arith.constant 0 : i32
      %dma_start3A_348 = arith.constant 0 : i32
      %dma_start3A_349 = tpu.memref_slice %arg19[%dma_start3A_347, %dma_start3A_348] : memref<10240x64xf32, #tpu.memory_space<vmem_shared>> -> memref<10240x64xf32, #tpu.memory_space<vmem_shared>>
      tpu.enqueue_indirect_dma source(%arg15 : memref<125x64xf32, #tpu.memory_space<vmem>>) target(%dma_start3A_349 : memref<10240x64xf32, #tpu.memory_space<vmem_shared>>) offsets(%dma_start3A_346 : memref<125xi32, #tpu.memory_space<vmem>>) semaphore(%arg33 : memref<!tpu.dma_semaphore, #tpu.memory_space<semaphore_mem>>) {add = true}
      %mul3A_350 = arith.constant 8 : i32
      %mul3A_351 = arith.muli %scan3A_194, %mul3A_350 : i32
      %add3A_352 = arith.constant 6 : i32
      %add3A_353 = arith.addi %mul3A_351, %add3A_352 : i32
      %lt3A_354 = arith.constant 9 : i32
      %lt3A_355 = arith.cmpi slt, %scan3A_194, %lt3A_354 : i32
      %convert_element_type3A_356 = arith.extui %lt3A_355 : i1 to i32
      %cond3A_357 = arith.constant 0 : i32
      %cond3A_358 = arith.cmpi ne, %convert_element_type3A_356, %cond3A_357 : i32
      scf.if %cond3A_358 {
        %dma_wait3A_393 = arith.constant 0 : i32
        %dma_wait3A_394 = arith.constant 0 : i32
        %dma_wait3A_395 = tpu.memref_slice %arg4[%dma_wait3A_393, %dma_wait3A_394] : memref<10000x64xf32, #tpu.memory_space<hbm>> -> memref<125x64xf32, #tpu.memory_space<hbm>>
        %dma_wait3A_396 = arith.constant 0 : i32
        %dma_wait3A_397 = arith.constant 0 : i32
        %dma_wait3A_398 = tpu.memref_slice %arg4[%dma_wait3A_396, %dma_wait3A_397] : memref<10000x64xf32, #tpu.memory_space<hbm>> -> memref<125x64xf32, #tpu.memory_space<hbm>>
        tpu.wait_dma2 semaphore(%arg30 : memref<!tpu.dma_semaphore, #tpu.memory_space<semaphore_mem>>) src(%dma_wait3A_398 : memref<125x64xf32, #tpu.memory_space<hbm>>) dst(%arg12 : memref<125x64xf32, #tpu.memory_space<vmem>>)
        %add3A_399 = arith.constant 4 : i32
        %add3A_400 = arith.addi %add3A_353, %add3A_399 : i32
        %dma_start3A_401 = arith.constant 0 : i32
        %dma_start3A_402 = tpu.memref_slice %arg8[%add3A_400, %dma_start3A_401] : memref<80x125xi32, #tpu.memory_space<vmem>> -> memref<1x125xi32, #tpu.memory_space<vmem>>
        %dma_start3A_403 = tpu.memref_squeeze %dma_start3A_402 : memref<1x125xi32, #tpu.memory_space<vmem>> -> memref<125xi32, #tpu.memory_space<vmem>>
        %dma_start3A_404 = arith.constant 0 : i32
        %dma_start3A_405 = arith.constant 0 : i32
        %dma_start3A_406 = tpu.memref_slice %arg5[%dma_start3A_404, %dma_start3A_405] : memref<10000x64xf32, #tpu.memory_space<hbm>> -> memref<10000x64xf32, #tpu.memory_space<hbm>>
        tpu.enqueue_indirect_dma source(%dma_start3A_406 : memref<10000x64xf32, #tpu.memory_space<hbm>>) target(%arg12 : memref<125x64xf32, #tpu.memory_space<vmem>>) offsets(%dma_start3A_403 : memref<125xi32, #tpu.memory_space<vmem>>) semaphore(%arg22 : memref<!tpu.dma_semaphore, #tpu.memory_space<semaphore_mem>>)
      } else {
      }
      %dma_wait3A_359 = arith.constant 0 : i32
      %dma_wait3A_360 = arith.constant 0 : i32
      %dma_wait3A_361 = tpu.memref_slice %arg4[%dma_wait3A_359, %dma_wait3A_360] : memref<10000x64xf32, #tpu.memory_space<hbm>> -> memref<125x64xf32, #tpu.memory_space<hbm>>
      %dma_wait3A_362 = arith.constant 0 : i32
      %dma_wait3A_363 = arith.constant 0 : i32
      %dma_wait3A_364 = tpu.memref_slice %arg4[%dma_wait3A_362, %dma_wait3A_363] : memref<10000x64xf32, #tpu.memory_space<hbm>> -> memref<125x64xf32, #tpu.memory_space<hbm>>
      tpu.wait_dma2 semaphore(%arg26 : memref<!tpu.dma_semaphore, #tpu.memory_space<semaphore_mem>>) src(%dma_wait3A_364 : memref<125x64xf32, #tpu.memory_space<hbm>>) dst(%arg16 : memref<125x64xf32, #tpu.memory_space<vmem>>)
      %dma_start3A_365 = arith.constant 0 : i32
      %dma_start3A_366 = tpu.memref_slice %arg9[%add3A_353, %dma_start3A_365] : memref<80x125xi32, #tpu.memory_space<vmem>> -> memref<1x125xi32, #tpu.memory_space<vmem>>
      %dma_start3A_367 = tpu.memref_squeeze %dma_start3A_366 : memref<1x125xi32, #tpu.memory_space<vmem>> -> memref<125xi32, #tpu.memory_space<vmem>>
      %dma_start3A_368 = arith.constant 0 : i32
      %dma_start3A_369 = arith.constant 0 : i32
      %dma_start3A_370 = tpu.memref_slice %arg19[%dma_start3A_368, %dma_start3A_369] : memref<10240x64xf32, #tpu.memory_space<vmem_shared>> -> memref<10240x64xf32, #tpu.memory_space<vmem_shared>>
      tpu.enqueue_indirect_dma source(%arg16 : memref<125x64xf32, #tpu.memory_space<vmem>>) target(%dma_start3A_370 : memref<10240x64xf32, #tpu.memory_space<vmem_shared>>) offsets(%dma_start3A_367 : memref<125xi32, #tpu.memory_space<vmem>>) semaphore(%arg34 : memref<!tpu.dma_semaphore, #tpu.memory_space<semaphore_mem>>) {add = true}
      %mul3A_371 = arith.constant 8 : i32
      %mul3A_372 = arith.muli %scan3A_194, %mul3A_371 : i32
      %add3A_373 = arith.constant 7 : i32
      %add3A_374 = arith.addi %mul3A_372, %add3A_373 : i32
      %lt3A_375 = arith.constant 9 : i32
      %lt3A_376 = arith.cmpi slt, %scan3A_194, %lt3A_375 : i32
      %convert_element_type3A_377 = arith.extui %lt3A_376 : i1 to i32
      %cond3A_378 = arith.constant 0 : i32
      %cond3A_379 = arith.cmpi ne, %convert_element_type3A_377, %cond3A_378 : i32
      scf.if %cond3A_379 {
        %dma_wait3A_393 = arith.constant 0 : i32
        %dma_wait3A_394 = arith.constant 0 : i32
        %dma_wait3A_395 = tpu.memref_slice %arg4[%dma_wait3A_393, %dma_wait3A_394] : memref<10000x64xf32, #tpu.memory_space<hbm>> -> memref<125x64xf32, #tpu.memory_space<hbm>>
        %dma_wait3A_396 = arith.constant 0 : i32
        %dma_wait3A_397 = arith.constant 0 : i32
        %dma_wait3A_398 = tpu.memref_slice %arg4[%dma_wait3A_396, %dma_wait3A_397] : memref<10000x64xf32, #tpu.memory_space<hbm>> -> memref<125x64xf32, #tpu.memory_space<hbm>>
        tpu.wait_dma2 semaphore(%arg31 : memref<!tpu.dma_semaphore, #tpu.memory_space<semaphore_mem>>) src(%dma_wait3A_398 : memref<125x64xf32, #tpu.memory_space<hbm>>) dst(%arg13 : memref<125x64xf32, #tpu.memory_space<vmem>>)
        %add3A_399 = arith.constant 4 : i32
        %add3A_400 = arith.addi %add3A_374, %add3A_399 : i32
        %dma_start3A_401 = arith.constant 0 : i32
        %dma_start3A_402 = tpu.memref_slice %arg8[%add3A_400, %dma_start3A_401] : memref<80x125xi32, #tpu.memory_space<vmem>> -> memref<1x125xi32, #tpu.memory_space<vmem>>
        %dma_start3A_403 = tpu.memref_squeeze %dma_start3A_402 : memref<1x125xi32, #tpu.memory_space<vmem>> -> memref<125xi32, #tpu.memory_space<vmem>>
        %dma_start3A_404 = arith.constant 0 : i32
        %dma_start3A_405 = arith.constant 0 : i32
        %dma_start3A_406 = tpu.memref_slice %arg5[%dma_start3A_404, %dma_start3A_405] : memref<10000x64xf32, #tpu.memory_space<hbm>> -> memref<10000x64xf32, #tpu.memory_space<hbm>>
        tpu.enqueue_indirect_dma source(%dma_start3A_406 : memref<10000x64xf32, #tpu.memory_space<hbm>>) target(%arg13 : memref<125x64xf32, #tpu.memory_space<vmem>>) offsets(%dma_start3A_403 : memref<125xi32, #tpu.memory_space<vmem>>) semaphore(%arg23 : memref<!tpu.dma_semaphore, #tpu.memory_space<semaphore_mem>>)
      } else {
      }
      %dma_wait3A_380 = arith.constant 0 : i32
      %dma_wait3A_381 = arith.constant 0 : i32
      %dma_wait3A_382 = tpu.memref_slice %arg4[%dma_wait3A_380, %dma_wait3A_381] : memref<10000x64xf32, #tpu.memory_space<hbm>> -> memref<125x64xf32, #tpu.memory_space<hbm>>
      %dma_wait3A_383 = arith.constant 0 : i32
      %dma_wait3A_384 = arith.constant 0 : i32
      %dma_wait3A_385 = tpu.memref_slice %arg4[%dma_wait3A_383, %dma_wait3A_384] : memref<10000x64xf32, #tpu.memory_space<hbm>> -> memref<125x64xf32, #tpu.memory_space<hbm>>
      tpu.wait_dma2 semaphore(%arg27 : memref<!tpu.dma_semaphore, #tpu.memory_space<semaphore_mem>>) src(%dma_wait3A_385 : memref<125x64xf32, #tpu.memory_space<hbm>>) dst(%arg17 : memref<125x64xf32, #tpu.memory_space<vmem>>)
      %dma_start3A_386 = arith.constant 0 : i32
      %dma_start3A_387 = tpu.memref_slice %arg9[%add3A_374, %dma_start3A_386] : memref<80x125xi32, #tpu.memory_space<vmem>> -> memref<1x125xi32, #tpu.memory_space<vmem>>
      %dma_start3A_388 = tpu.memref_squeeze %dma_start3A_387 : memref<1x125xi32, #tpu.memory_space<vmem>> -> memref<125xi32, #tpu.memory_space<vmem>>
      %dma_start3A_389 = arith.constant 0 : i32
      %dma_start3A_390 = arith.constant 0 : i32
      %dma_start3A_391 = tpu.memref_slice %arg19[%dma_start3A_389, %dma_start3A_390] : memref<10240x64xf32, #tpu.memory_space<vmem_shared>> -> memref<10240x64xf32, #tpu.memory_space<vmem_shared>>
      tpu.enqueue_indirect_dma source(%arg17 : memref<125x64xf32, #tpu.memory_space<vmem>>) target(%dma_start3A_391 : memref<10240x64xf32, #tpu.memory_space<vmem_shared>>) offsets(%dma_start3A_388 : memref<125xi32, #tpu.memory_space<vmem>>) semaphore(%arg35 : memref<!tpu.dma_semaphore, #tpu.memory_space<semaphore_mem>>) {add = true}
      %scan3A_392 = arith.constant 0 : i32
      scf.yield %scan3A_392 : i32
    }
    %scan3A_144 = arith.constant 10 : i32
    %dma_wait3A_145 = arith.constant 0 : i32
    %dma_wait3A_146 = arith.constant 0 : i32
    %dma_wait3A_147 = tpu.memref_slice %arg4[%dma_wait3A_145, %dma_wait3A_146] : memref<10000x64xf32, #tpu.memory_space<hbm>> -> memref<125x64xf32, #tpu.memory_space<hbm>>
    %dma_wait3A_148 = arith.constant 0 : i32
    %dma_wait3A_149 = arith.constant 0 : i32
    %dma_wait3A_150 = tpu.memref_slice %arg4[%dma_wait3A_148, %dma_wait3A_149] : memref<10000x64xf32, #tpu.memory_space<hbm>> -> memref<125x64xf32, #tpu.memory_space<hbm>>
    tpu.wait_dma2 semaphore(%arg28 : memref<!tpu.dma_semaphore, #tpu.memory_space<semaphore_mem>>) src(%dma_wait3A_150 : memref<125x64xf32, #tpu.memory_space<hbm>>) dst(%arg10 : memref<125x64xf32, #tpu.memory_space<vmem>>)
    %dma_wait3A_151 = arith.constant 0 : i32
    %dma_wait3A_152 = arith.constant 0 : i32
    %dma_wait3A_153 = tpu.memref_slice %arg4[%dma_wait3A_151, %dma_wait3A_152] : memref<10000x64xf32, #tpu.memory_space<hbm>> -> memref<125x64xf32, #tpu.memory_space<hbm>>
    %dma_wait3A_154 = arith.constant 0 : i32
    %dma_wait3A_155 = arith.constant 0 : i32
    %dma_wait3A_156 = tpu.memref_slice %arg4[%dma_wait3A_154, %dma_wait3A_155] : memref<10000x64xf32, #tpu.memory_space<hbm>> -> memref<125x64xf32, #tpu.memory_space<hbm>>
    tpu.wait_dma2 semaphore(%arg29 : memref<!tpu.dma_semaphore, #tpu.memory_space<semaphore_mem>>) src(%dma_wait3A_156 : memref<125x64xf32, #tpu.memory_space<hbm>>) dst(%arg11 : memref<125x64xf32, #tpu.memory_space<vmem>>)
    %dma_wait3A_157 = arith.constant 0 : i32
    %dma_wait3A_158 = arith.constant 0 : i32
    %dma_wait3A_159 = tpu.memref_slice %arg4[%dma_wait3A_157, %dma_wait3A_158] : memref<10000x64xf32, #tpu.memory_space<hbm>> -> memref<125x64xf32, #tpu.memory_space<hbm>>
    %dma_wait3A_160 = arith.constant 0 : i32
    %dma_wait3A_161 = arith.constant 0 : i32
    %dma_wait3A_162 = tpu.memref_slice %arg4[%dma_wait3A_160, %dma_wait3A_161] : memref<10000x64xf32, #tpu.memory_space<hbm>> -> memref<125x64xf32, #tpu.memory_space<hbm>>
    tpu.wait_dma2 semaphore(%arg30 : memref<!tpu.dma_semaphore, #tpu.memory_space<semaphore_mem>>) src(%dma_wait3A_162 : memref<125x64xf32, #tpu.memory_space<hbm>>) dst(%arg12 : memref<125x64xf32, #tpu.memory_space<vmem>>)
    %dma_wait3A_163 = arith.constant 0 : i32
    %dma_wait3A_164 = arith.constant 0 : i32
    %dma_wait3A_165 = tpu.memref_slice %arg4[%dma_wait3A_163, %dma_wait3A_164] : memref<10000x64xf32, #tpu.memory_space<hbm>> -> memref<125x64xf32, #tpu.memory_space<hbm>>
    %dma_wait3A_166 = arith.constant 0 : i32
    %dma_wait3A_167 = arith.constant 0 : i32
    %dma_wait3A_168 = tpu.memref_slice %arg4[%dma_wait3A_166, %dma_wait3A_167] : memref<10000x64xf32, #tpu.memory_space<hbm>> -> memref<125x64xf32, #tpu.memory_space<hbm>>
    tpu.wait_dma2 semaphore(%arg31 : memref<!tpu.dma_semaphore, #tpu.memory_space<semaphore_mem>>) src(%dma_wait3A_168 : memref<125x64xf32, #tpu.memory_space<hbm>>) dst(%arg13 : memref<125x64xf32, #tpu.memory_space<vmem>>)
    %dma_wait3A_169 = arith.constant 0 : i32
    %dma_wait3A_170 = arith.constant 0 : i32
    %dma_wait3A_171 = tpu.memref_slice %arg4[%dma_wait3A_169, %dma_wait3A_170] : memref<10000x64xf32, #tpu.memory_space<hbm>> -> memref<125x64xf32, #tpu.memory_space<hbm>>
    %dma_wait3A_172 = arith.constant 0 : i32
    %dma_wait3A_173 = arith.constant 0 : i32
    %dma_wait3A_174 = tpu.memref_slice %arg4[%dma_wait3A_172, %dma_wait3A_173] : memref<10000x64xf32, #tpu.memory_space<hbm>> -> memref<125x64xf32, #tpu.memory_space<hbm>>
    tpu.wait_dma2 semaphore(%arg32 : memref<!tpu.dma_semaphore, #tpu.memory_space<semaphore_mem>>) src(%dma_wait3A_174 : memref<125x64xf32, #tpu.memory_space<hbm>>) dst(%arg14 : memref<125x64xf32, #tpu.memory_space<vmem>>)
    %dma_wait3A_175 = arith.constant 0 : i32
    %dma_wait3A_176 = arith.constant 0 : i32
    %dma_wait3A_177 = tpu.memref_slice %arg4[%dma_wait3A_175, %dma_wait3A_176] : memref<10000x64xf32, #tpu.memory_space<hbm>> -> memref<125x64xf32, #tpu.memory_space<hbm>>
    %dma_wait3A_178 = arith.constant 0 : i32
    %dma_wait3A_179 = arith.constant 0 : i32
    %dma_wait3A_180 = tpu.memref_slice %arg4[%dma_wait3A_178, %dma_wait3A_179] : memref<10000x64xf32, #tpu.memory_space<hbm>> -> memref<125x64xf32, #tpu.memory_space<hbm>>
    tpu.wait_dma2 semaphore(%arg33 : memref<!tpu.dma_semaphore, #tpu.memory_space<semaphore_mem>>) src(%dma_wait3A_180 : memref<125x64xf32, #tpu.memory_space<hbm>>) dst(%arg15 : memref<125x64xf32, #tpu.memory_space<vmem>>)
    %dma_wait3A_181 = arith.constant 0 : i32
    %dma_wait3A_182 = arith.constant 0 : i32
    %dma_wait3A_183 = tpu.memref_slice %arg4[%dma_wait3A_181, %dma_wait3A_182] : memref<10000x64xf32, #tpu.memory_space<hbm>> -> memref<125x64xf32, #tpu.memory_space<hbm>>
    %dma_wait3A_184 = arith.constant 0 : i32
    %dma_wait3A_185 = arith.constant 0 : i32
    %dma_wait3A_186 = tpu.memref_slice %arg4[%dma_wait3A_184, %dma_wait3A_185] : memref<10000x64xf32, #tpu.memory_space<hbm>> -> memref<125x64xf32, #tpu.memory_space<hbm>>
    tpu.wait_dma2 semaphore(%arg34 : memref<!tpu.dma_semaphore, #tpu.memory_space<semaphore_mem>>) src(%dma_wait3A_186 : memref<125x64xf32, #tpu.memory_space<hbm>>) dst(%arg16 : memref<125x64xf32, #tpu.memory_space<vmem>>)
    %dma_wait3A_187 = arith.constant 0 : i32
    %dma_wait3A_188 = arith.constant 0 : i32
    %dma_wait3A_189 = tpu.memref_slice %arg4[%dma_wait3A_187, %dma_wait3A_188] : memref<10000x64xf32, #tpu.memory_space<hbm>> -> memref<125x64xf32, #tpu.memory_space<hbm>>
    %dma_wait3A_190 = arith.constant 0 : i32
    %dma_wait3A_191 = arith.constant 0 : i32
    %dma_wait3A_192 = tpu.memref_slice %arg4[%dma_wait3A_190, %dma_wait3A_191] : memref<10000x64xf32, #tpu.memory_space<hbm>> -> memref<125x64xf32, #tpu.memory_space<hbm>>
    tpu.wait_dma2 semaphore(%arg35 : memref<!tpu.dma_semaphore, #tpu.memory_space<semaphore_mem>>) src(%dma_wait3A_192 : memref<125x64xf32, #tpu.memory_space<hbm>>) dst(%arg17 : memref<125x64xf32, #tpu.memory_space<vmem>>)
    %barrier3A_193 = arith.constant 0 : index
    tpu.barrier barrier_id(%barrier3A_193)
    "tpu.region"() ({
      %run_scoped3A = tpu.sem_alloc : memref<!tpu.dma_semaphore, #tpu.memory_space<semaphore_mem>>
      %dma_start3A_194 = arith.constant 0 : i32
      %dma_start3A_195 = tpu.memref_slice %arg7[%arg0, %mul3A_2, %dma_start3A_194] : memref<2x10240x64xf32, #tpu.memory_space<hbm>> -> memref<1x640x64xf32, #tpu.memory_space<hbm>>
      %dma_start3A_196 = tpu.memref_squeeze %dma_start3A_195 : memref<1x640x64xf32, #tpu.memory_space<hbm>> -> memref<640x64xf32, #tpu.memory_space<hbm>>
      %dma_start3A_197 = arith.constant 0 : i32
      %dma_start3A_198 = tpu.memref_slice %arg19[%mul3A_2, %dma_start3A_197] : memref<10240x64xf32, #tpu.memory_space<vmem_shared>> -> memref<640x64xf32, #tpu.memory_space<vmem_shared>>
      tpu.enqueue_dma source(%dma_start3A_198 : memref<640x64xf32, #tpu.memory_space<vmem_shared>>) target(%dma_start3A_196 : memref<640x64xf32, #tpu.memory_space<hbm>>) target_semaphore(%run_scoped3A : memref<!tpu.dma_semaphore, #tpu.memory_space<semaphore_mem>>)
      %dma_wait3A_199 = arith.constant 0 : i32
      %dma_wait3A_200 = tpu.memref_slice %arg7[%arg0, %mul3A_2, %dma_wait3A_199] : memref<2x10240x64xf32, #tpu.memory_space<hbm>> -> memref<1x640x64xf32, #tpu.memory_space<hbm>>
      %dma_wait3A_201 = tpu.memref_squeeze %dma_wait3A_200 : memref<1x640x64xf32, #tpu.memory_space<hbm>> -> memref<640x64xf32, #tpu.memory_space<hbm>>
      %dma_wait3A_202 = arith.constant 0 : i32
      %dma_wait3A_203 = tpu.memref_slice %arg19[%mul3A_2, %dma_wait3A_202] : memref<10240x64xf32, #tpu.memory_space<vmem_shared>> -> memref<640x64xf32, #tpu.memory_space<vmem_shared>>
      tpu.wait_dma2 semaphore(%run_scoped3A : memref<!tpu.dma_semaphore, #tpu.memory_space<semaphore_mem>>) src(%dma_wait3A_203 : memref<640x64xf32, #tpu.memory_space<vmem_shared>>) dst(%dma_wait3A_201 : memref<640x64xf32, #tpu.memory_space<hbm>>)
      tpu.yield
    }) : () -> ()
    return
  }
}

module attributes {stable_mosaic.version = 14 : i64} {
  func.func @_tc1a_body(%arg0: i32, %arg1: memref<1000x256xf32, #tpu.memory_space<vmem>>, %arg2: memref<256x512xf32, #tpu.memory_space<vmem>>, %arg3: memref<1x512xf32, #tpu.memory_space<vmem>>, %arg4: memref<1000x512xf32, #tpu.memory_space<vmem>>) attributes {dimension_semantics = [#tpu.dimension_semantics<arbitrary>], iteration_bounds = array<i64: 5>, scalar_prefetch = 0 : i64, scratch_operands = 0 : i64, tpu.core_type = #tpu.core_type<tc>, window_params = [{transform_indices = @transform_0, window_bounds = array<i64: 1000, 256>}, {pipeline_mode = #tpu.pipeline_mode<synchronous>, transform_indices = @transform_1, window_bounds = array<i64: 256, 512>}, {pipeline_mode = #tpu.pipeline_mode<synchronous>, transform_indices = @transform_2, window_bounds = array<i64: 1, 512>}, {transform_indices = @transform_3, window_bounds = array<i64: 1000, 512>}]} {
    %get3A = arith.constant 0 : index
    %get3A_0 = arith.constant 0 : index
    %get3A_1 = vector.load %arg1[%get3A, %get3A_0] : memref<1000x256xf32, #tpu.memory_space<vmem>>, vector<1000x256xf32>
    %get3A_2 = arith.constant 0 : index
    %get3A_3 = arith.constant 0 : index
    %get3A_4 = vector.load %arg2[%get3A_2, %get3A_3] : memref<256x512xf32, #tpu.memory_space<vmem>>, vector<256x512xf32>
    %dot_general3A = arith.constant dense<0.000000e+00> : vector<1000x512xf32>
    %dot_general3A_5 = tpu.matmul %get3A_1, %get3A_4, %dot_general3A {dimension_numbers = #tpu.dot_dimension_numbers<[1], [0], [0], [1], [0, 0, 1, 1], [], []>, transpose_lhs_hint = false} : vector<1000x256xf32>, vector<256x512xf32>, vector<1000x512xf32> -> vector<1000x512xf32>
    %get3A_6 = arith.constant 0 : index
    %get3A_7 = arith.constant 0 : index
    %get3A_8 = vector.load %arg3[%get3A_6, %get3A_7] : memref<1x512xf32, #tpu.memory_space<vmem>>, vector<1x512xf32>
    %add3A = vector.broadcast %get3A_8 : vector<1x512xf32> to vector<1000x512xf32>
    %add3A_9 = arith.addf %dot_general3A_5, %add3A : vector<1000x512xf32>
    %swap3A = arith.constant 0 : index
    %swap3A_10 = arith.constant 0 : index
    %swap3A_11 = vector.load %arg4[%swap3A, %swap3A_10] : memref<1000x512xf32, #tpu.memory_space<vmem>>, vector<1000x512xf32>
    tpu.vector_store %arg4[%swap3A, %swap3A_10], %add3A_9 {strides = array<i32>} : memref<1000x512xf32, #tpu.memory_space<vmem>>, vector<1000x512xf32>,
    return
  }
  func.func @transform_0(%arg0: i32) -> (i32, i32) {
    %c0_i32 = arith.constant 0 : i32
    %c0_i32_0 = arith.constant 0 : i32
    return %arg0, %c0_i32 : i32, i32
  }
  func.func @transform_1(%arg0: i32) -> (i32, i32) {
    %c0_i32 = arith.constant 0 : i32
    %c0_i32_0 = arith.constant 0 : i32
    %c0_i32_1 = arith.constant 0 : i32
    return %c0_i32, %c0_i32_0 : i32, i32
  }
  func.func @transform_2(%arg0: i32) -> (i32, i32) {
    %c0_i32 = arith.constant 0 : i32
    %c0_i32_0 = arith.constant 0 : i32
    %c0_i32_1 = arith.constant 0 : i32
    return %c0_i32, %c0_i32_0 : i32, i32
  }
  func.func @transform_3(%arg0: i32) -> (i32, i32) {
    %c0_i32 = arith.constant 0 : i32
    %c0_i32_0 = arith.constant 0 : i32
    return %arg0, %c0_i32 : i32, i32
  }
}

module attributes {stable_mosaic.version = 14 : i64} {
  func.func @body(%arg0: i32, %arg1: memref<1000x512xf32, #tpu.memory_space<vmem>>, %arg2: memref<2x1000x128xf32, #tpu.memory_space<vmem>>, %arg3: memref<2x1000x128xf32, #tpu.memory_space<vmem>>, %arg4: memref<1000x256xf32, #tpu.memory_space<vmem>>, %arg5: memref<256x512xf32, #tpu.memory_space<vmem>>, %arg6: memref<512x128xf32, #tpu.memory_space<vmem>>, %arg7: memref<512x128xf32, #tpu.memory_space<vmem>>, %arg8: memref<1x128xf32, #tpu.memory_space<vmem>>, %arg9: memref<1000x128xf32, #tpu.memory_space<vmem>>, %arg10: memref<1000x128xf32, #tpu.memory_space<vmem>>) attributes {dimension_semantics = [#tpu.dimension_semantics<arbitrary>], iteration_bounds = array<i64: 5>, scalar_prefetch = 0 : i64, scratch_operands = 0 : i64, tpu.core_type = #tpu.core_type<tc>, window_params = [{transform_indices = @transform_0, window_bounds = array<i64: 1000, 512>}, {transform_indices = @transform_1, window_bounds = array<i64: 2, 1000, 128>}, {transform_indices = @transform_2, window_bounds = array<i64: 2, 1000, 128>}, {transform_indices = @transform_3, window_bounds = array<i64: 1000, 256>}, {pipeline_mode = #tpu.pipeline_mode<synchronous>, transform_indices = @transform_4, window_bounds = array<i64: 256, 512>}, {pipeline_mode = #tpu.pipeline_mode<synchronous>, transform_indices = @transform_5, window_bounds = array<i64: 512, 128>}, {pipeline_mode = #tpu.pipeline_mode<synchronous>, transform_indices = @transform_6, window_bounds = array<i64: 512, 128>}, {pipeline_mode = #tpu.pipeline_mode<synchronous>, transform_indices = @transform_7, window_bounds = array<i64: 1, 128>}, {transform_indices = @transform_8, window_bounds = array<i64: 1000, 128>}, {transform_indices = @transform_9, window_bounds = array<i64: 1000, 128>}]} {
    %get3A = arith.constant 0 : index
    %get3A_0 = arith.constant 0 : index
    %get3A_1 = arith.constant 0 : index
    %get3A_2 = vector.load %arg2[%get3A, %get3A_0, %get3A_1] : memref<2x1000x128xf32, #tpu.memory_space<vmem>>, vector<1x1000x128xf32>
    %get3A_3 = vector.shape_cast %get3A_2 : vector<1x1000x128xf32> to vector<1000x128xf32>
    %get3A_4 = arith.constant 1 : index
    %get3A_5 = arith.constant 0 : index
    %get3A_6 = arith.constant 0 : index
    %get3A_7 = vector.load %arg2[%get3A_4, %get3A_5, %get3A_6] : memref<2x1000x128xf32, #tpu.memory_space<vmem>>, vector<1x1000x128xf32>
    %get3A_8 = vector.shape_cast %get3A_7 : vector<1x1000x128xf32> to vector<1000x128xf32>
    %add3A = arith.addf %get3A_3, %get3A_8 : vector<1000x128xf32>
    %get3A_9 = arith.constant 0 : index
    %get3A_10 = arith.constant 0 : index
    %get3A_11 = arith.constant 0 : index
    %get3A_12 = vector.load %arg3[%get3A_9, %get3A_10, %get3A_11] : memref<2x1000x128xf32, #tpu.memory_space<vmem>>, vector<1x1000x128xf32>
    %get3A_13 = vector.shape_cast %get3A_12 : vector<1x1000x128xf32> to vector<1000x128xf32>
    %get3A_14 = arith.constant 1 : index
    %get3A_15 = arith.constant 0 : index
    %get3A_16 = arith.constant 0 : index
    %get3A_17 = vector.load %arg3[%get3A_14, %get3A_15, %get3A_16] : memref<2x1000x128xf32, #tpu.memory_space<vmem>>, vector<1x1000x128xf32>
    %get3A_18 = vector.shape_cast %get3A_17 : vector<1x1000x128xf32> to vector<1000x128xf32>
    %add3A_19 = arith.addf %get3A_13, %get3A_18 : vector<1000x128xf32>
    %concatenate3A = tpu.concatenate %add3A, %add3A_19 in 1 : vector<1000x128xf32>, vector<1000x128xf32> -> vector<1000x256xf32>
    %get3A_20 = arith.constant 0 : index
    %get3A_21 = arith.constant 0 : index
    %get3A_22 = vector.load %arg4[%get3A_20, %get3A_21] : memref<1000x256xf32, #tpu.memory_space<vmem>>, vector<1000x256xf32>
    %mul3A = arith.mulf %concatenate3A, %get3A_22 : vector<1000x256xf32>
    %get3A_23 = arith.constant 0 : index
    %get3A_24 = arith.constant 0 : index
    %get3A_25 = vector.load %arg1[%get3A_23, %get3A_24] : memref<1000x512xf32, #tpu.memory_space<vmem>>, vector<1000x512xf32>
    %get3A_26 = arith.constant 0 : index
    %get3A_27 = arith.constant 0 : index
    %get3A_28 = vector.load %arg5[%get3A_26, %get3A_27] : memref<256x512xf32, #tpu.memory_space<vmem>>, vector<256x512xf32>
    %dot_general3A = arith.constant dense<0.000000e+00> : vector<1000x512xf32>
    %dot_general3A_29 = tpu.matmul %mul3A, %get3A_28, %dot_general3A {dimension_numbers = #tpu.dot_dimension_numbers<[1], [0], [0], [1], [0, 0, 1, 1], [], []>, transpose_lhs_hint = false} : vector<1000x256xf32>, vector<256x512xf32>, vector<1000x512xf32> -> vector<1000x512xf32>
    %add3A_30 = arith.addf %get3A_25, %dot_general3A_29 : vector<1000x512xf32>
    %max3A = arith.constant 0.000000e+00 : f32
    %max3A_31 = vector.broadcast %max3A : f32 to vector<1000x512xf32>
    %max3A_32 = arith.maximumf %add3A_30, %max3A_31 : vector<1000x512xf32>
    %get3A_33 = arith.constant 0 : index
    %get3A_34 = arith.constant 0 : index
    %get3A_35 = vector.load %arg7[%get3A_33, %get3A_34] : memref<512x128xf32, #tpu.memory_space<vmem>>, vector<512x128xf32>
    %dot_general3A_36 = arith.constant dense<0.000000e+00> : vector<1000x128xf32>
    %dot_general3A_37 = tpu.matmul %max3A_32, %get3A_35, %dot_general3A_36 {dimension_numbers = #tpu.dot_dimension_numbers<[1], [0], [0], [1], [0, 0, 1, 1], [], []>, transpose_lhs_hint = false} : vector<1000x512xf32>, vector<512x128xf32>, vector<1000x128xf32> -> vector<1000x128xf32>
    %swap3A = arith.constant 0 : index
    %swap3A_38 = arith.constant 0 : index
    %swap3A_39 = vector.load %arg9[%swap3A, %swap3A_38] : memref<1000x128xf32, #tpu.memory_space<vmem>>, vector<1000x128xf32>
    tpu.vector_store %arg9[%swap3A, %swap3A_38], %dot_general3A_37 {strides = array<i32>} : memref<1000x128xf32, #tpu.memory_space<vmem>>, vector<1000x128xf32>,
    %get3A_40 = arith.constant 0 : index
    %get3A_41 = arith.constant 0 : index
    %get3A_42 = vector.load %arg6[%get3A_40, %get3A_41] : memref<512x128xf32, #tpu.memory_space<vmem>>, vector<512x128xf32>
    %dot_general3A_43 = arith.constant dense<0.000000e+00> : vector<1000x128xf32>
    %dot_general3A_44 = tpu.matmul %max3A_32, %get3A_42, %dot_general3A_43 {dimension_numbers = #tpu.dot_dimension_numbers<[1], [0], [0], [1], [0, 0, 1, 1], [], []>, transpose_lhs_hint = false} : vector<1000x512xf32>, vector<512x128xf32>, vector<1000x128xf32> -> vector<1000x128xf32>
    %get3A_45 = arith.constant 0 : index
    %get3A_46 = arith.constant 0 : index
    %get3A_47 = vector.load %arg8[%get3A_45, %get3A_46] : memref<1x128xf32, #tpu.memory_space<vmem>>, vector<1x128xf32>
    %add3A_48 = vector.broadcast %get3A_47 : vector<1x128xf32> to vector<1000x128xf32>
    %add3A_49 = arith.addf %dot_general3A_44, %add3A_48 : vector<1000x128xf32>
    %swap3A_50 = arith.constant 0 : index
    %swap3A_51 = arith.constant 0 : index
    %swap3A_52 = vector.load %arg10[%swap3A_50, %swap3A_51] : memref<1000x128xf32, #tpu.memory_space<vmem>>, vector<1000x128xf32>
    tpu.vector_store %arg10[%swap3A_50, %swap3A_51], %add3A_49 {strides = array<i32>} : memref<1000x128xf32, #tpu.memory_space<vmem>>, vector<1000x128xf32>,
    return
  }
  func.func @transform_0(%arg0: i32) -> (i32, i32) {
    %c0_i32 = arith.constant 0 : i32
    %c0_i32_0 = arith.constant 0 : i32
    return %arg0, %c0_i32 : i32, i32
  }
  func.func @transform_1(%arg0: i32) -> (i32, i32, i32) {
    %c0_i32 = arith.constant 0 : i32
    %c0_i32_0 = arith.constant 0 : i32
    %c0_i32_1 = arith.constant 0 : i32
    return %c0_i32, %arg0, %c0_i32_0 : i32, i32, i32
  }
  func.func @transform_2(%arg0: i32) -> (i32, i32, i32) {
    %c0_i32 = arith.constant 0 : i32
    %c0_i32_0 = arith.constant 0 : i32
    %c0_i32_1 = arith.constant 0 : i32
    return %c0_i32, %arg0, %c0_i32_0 : i32, i32, i32
  }
  func.func @transform_3(%arg0: i32) -> (i32, i32) {
    %c0_i32 = arith.constant 0 : i32
    %c0_i32_0 = arith.constant 0 : i32
    return %arg0, %c0_i32 : i32, i32
  }
  func.func @transform_4(%arg0: i32) -> (i32, i32) {
    %c0_i32 = arith.constant 0 : i32
    %c0_i32_0 = arith.constant 0 : i32
    %c0_i32_1 = arith.constant 0 : i32
    return %c0_i32, %c0_i32_0 : i32, i32
  }
  func.func @transform_5(%arg0: i32) -> (i32, i32) {
    %c0_i32 = arith.constant 0 : i32
    %c0_i32_0 = arith.constant 0 : i32
    %c0_i32_1 = arith.constant 0 : i32
    return %c0_i32, %c0_i32_0 : i32, i32
  }
  func.func @transform_6(%arg0: i32) -> (i32, i32) {
    %c0_i32 = arith.constant 0 : i32
    %c0_i32_0 = arith.constant 0 : i32
    %c0_i32_1 = arith.constant 0 : i32
    return %c0_i32, %c0_i32_0 : i32, i32
  }
  func.func @transform_7(%arg0: i32) -> (i32, i32) {
    %c0_i32 = arith.constant 0 : i32
    %c0_i32_0 = arith.constant 0 : i32
    %c0_i32_1 = arith.constant 0 : i32
    return %c0_i32, %c0_i32_0 : i32, i32
  }
  func.func @transform_8(%arg0: i32) -> (i32, i32) {
    %c0_i32 = arith.constant 0 : i32
    %c0_i32_0 = arith.constant 0 : i32
    return %arg0, %c0_i32 : i32, i32
  }
  func.func @transform_9(%arg0: i32) -> (i32, i32) {
    %c0_i32 = arith.constant 0 : i32
    %c0_i32_0 = arith.constant 0 : i32
    return %arg0, %c0_i32 : i32, i32
  }
}

module attributes {stable_mosaic.version = 14 : i64} {
  func.func @_tc2_body(%arg0: i32, %arg1: memref<1000x128xf32, #tpu.memory_space<vmem>>, %arg2: memref<2x1000x128xf32, #tpu.memory_space<vmem>>, %arg3: memref<1000x128xf32, #tpu.memory_space<vmem>>, %arg4: memref<1000x128xf32, #tpu.memory_space<vmem>>) attributes {dimension_semantics = [#tpu.dimension_semantics<arbitrary>], iteration_bounds = array<i64: 5>, scalar_prefetch = 0 : i64, scratch_operands = 0 : i64, tpu.core_type = #tpu.core_type<tc>, window_params = [{transform_indices = @transform_0, window_bounds = array<i64: 1000, 128>}, {transform_indices = @transform_1, window_bounds = array<i64: 2, 1000, 128>}, {transform_indices = @transform_2, window_bounds = array<i64: 1000, 128>}, {transform_indices = @transform_3, window_bounds = array<i64: 1000, 128>}]} {
    %get3A = arith.constant 0 : index
    %get3A_0 = arith.constant 0 : index
    %get3A_1 = vector.load %arg1[%get3A, %get3A_0] : memref<1000x128xf32, #tpu.memory_space<vmem>>, vector<1000x128xf32>
    %get3A_2 = arith.constant 0 : index
    %get3A_3 = arith.constant 0 : index
    %get3A_4 = arith.constant 0 : index
    %get3A_5 = vector.load %arg2[%get3A_2, %get3A_3, %get3A_4] : memref<2x1000x128xf32, #tpu.memory_space<vmem>>, vector<1x1000x128xf32>
    %get3A_6 = vector.shape_cast %get3A_5 : vector<1x1000x128xf32> to vector<1000x128xf32>
    %get3A_7 = arith.constant 1 : index
    %get3A_8 = arith.constant 0 : index
    %get3A_9 = arith.constant 0 : index
    %get3A_10 = vector.load %arg2[%get3A_7, %get3A_8, %get3A_9] : memref<2x1000x128xf32, #tpu.memory_space<vmem>>, vector<1x1000x128xf32>
    %get3A_11 = vector.shape_cast %get3A_10 : vector<1x1000x128xf32> to vector<1000x128xf32>
    %add3A = arith.addf %get3A_6, %get3A_11 : vector<1000x128xf32>
    %get3A_12 = arith.constant 0 : index
    %get3A_13 = arith.constant 0 : index
    %get3A_14 = vector.load %arg3[%get3A_12, %get3A_13] : memref<1000x128xf32, #tpu.memory_space<vmem>>, vector<1000x128xf32>
    %mul3A = arith.mulf %add3A, %get3A_14 : vector<1000x128xf32>
    %add3A_15 = arith.addf %get3A_1, %mul3A : vector<1000x128xf32>
    %swap3A = arith.constant 0 : index
    %swap3A_16 = arith.constant 0 : index
    %swap3A_17 = vector.load %arg4[%swap3A, %swap3A_16] : memref<1000x128xf32, #tpu.memory_space<vmem>>, vector<1000x128xf32>
    tpu.vector_store %arg4[%swap3A, %swap3A_16], %add3A_15 {strides = array<i32>} : memref<1000x128xf32, #tpu.memory_space<vmem>>, vector<1000x128xf32>,
    return
  }
  func.func @transform_0(%arg0: i32) -> (i32, i32) {
    %c0_i32 = arith.constant 0 : i32
    %c0_i32_0 = arith.constant 0 : i32
    return %arg0, %c0_i32 : i32, i32
  }
  func.func @transform_1(%arg0: i32) -> (i32, i32, i32) {
    %c0_i32 = arith.constant 0 : i32
    %c0_i32_0 = arith.constant 0 : i32
    %c0_i32_1 = arith.constant 0 : i32
    return %c0_i32, %arg0, %c0_i32_0 : i32, i32, i32
  }
  func.func @transform_2(%arg0: i32) -> (i32, i32) {
    %c0_i32 = arith.constant 0 : i32
    %c0_i32_0 = arith.constant 0 : i32
    return %arg0, %c0_i32 : i32, i32
  }
  func.func @transform_3(%arg0: i32) -> (i32, i32) {
    %c0_i32 = arith.constant 0 : i32
    %c0_i32_0 = arith.constant 0 : i32
    return %arg0, %c0_i32 : i32, i32
  }
}

</mosaic_0001>

<sc_bundles>
// kernel: kernel.10.cloned.1.call-start
scs
__scs_entry_jumppad:
0x0: {  	(pc) =	sbr.rel $0x88, $3  }
0x1: {  	(tag) =	ssettag $0x0;
	lr =	simm.s32 $0x1  }
0x2: {  	[smem:$0x3F98] =	sst lr;
	_ =	strace $0xD0000000  }
0x3: {  	_ = 	snop  }
0x4: {  	_ = 	snop  }
0x5: {  	_ = 	snop  }
0x6: {  	_ = 	snop  }
0x7: {  	_ = 	snop  }
__scs_overlays_trampoline_lowered:
0x8: {  	[smem:$0x3FA7] =	sst s0  }
0x9: {  	[smem:$0x3FA8] =	sst s1  }
0xa: {  	[smem:$0x3FA9] =	sst s2  }
0xb: {  	[smem:$0x3FAA] =	sst s3  }
0xc: {  	[smem:$0x3FAB] =	sst s4  }
0xd: {  	[smem:$0x3FAC] =	sst s5  }
0xe: {  	[smem:$0x3FAD] =	sst s6  }
0xf: {  	[smem:$0x3FAE] =	sst s7  }
0x10: {  	[smem:$0x3FAF] =	sst s8  }
0x11: {  	[smem:$0x3FB0] =	sst s9;
	s0 =	simm.s32 @!p0 $0x0  }
0x12: {  	s1 =	sld [smem:$0x3F96];
	s0 =	simm.s32 @p0 $0x1  }
0x13: {  	[smem:$0x3FB1] =	sst s0;
	s0 =	simm.s32 @!p1 $0x0  }
0x14: {  	s2 =	sld [smem:$0x3F95];
	s0 =	simm.s32 @p1 $0x1  }
0x15: {  	[smem:$0x3FB2] =	sst s0;
	s0 =	simm.s32 @!p2 $0x0  }
0x16: {  	s3 =	sld [smem:$0x3FDB];
	s0 =	simm.s32 @p2 $0x1  }
0x17: {  	s4 =	simm.s32 $0x1BF5;
	[smem:$0x3FB4] =	sst s0  }
0x18: {  	s0 =	sld [smem:$0x3F97];
	_ =	swait.ge [sflag:s4], $0x0  }
0x19: {  	s7 =	sld [smem:$0x3F98]  }
0x1a: {  	s8 =	sadd.s32 $0xFFFFE003, lr  }
0x1b: {  	s9 =	sadd.s32 $0xFFFFFEF7, lr;
	s5 =	simm.s32 $0xFFFFFFFF;
	p2 =	slt.u32 s8, $0xFFFFF086  }
0x1c: {  	p1 =	slt.u32 s9, $0xF7A;
	s5 =	simm.s32 @!p2 $0x0  }
0x1d: {  	s5 =	simm.s32 @p1 $0x1;
	p0 =	seq.s32 s7, s2  }
0x1e: {  	s7 =	smul.u32 @!p0 $0xF7A, s2;
	p2 =	seq.s32 @!p0 s5, $0x0  }
0x1f: {  	s9 =	smul.u32 $0xF7A, s1;
	s8 =	simm.s32 @!p0 $0x1BF5;
	p2 =	por !p2, p0  }
0x20: {  	[sflag:s8] =	ssyncset.s32 @!p0 $0xFFFFF086;
	s6 =	sadd.s32 @!p0 s3, s7;
	s7 =	simm.s32 @!p0 $0x108  }
0x21: {  	s3 =	sadd.s32 s3, s9;
	s6 =	sadd.s32 @!p0 $0x88, s6;
	s7 =	simm.s32 @p2 $0x1082  }
0x22: {  	[simem:s7], [sflag:s8] =	dma.local @!p0 [hbm:s6], $0xF7A  }
0x23: {  	s9 =	sor.u32 $0xD0000000, s2;
	s6 =	simm.s32 $0x108;
	_ =	swait.ge @!p0 [sflag:s8], $0x0  }
0x24: {  	s3 =	sadd.s32 $0x88, s3;
	s6 =	simm.s32 @!p1 $0x1082;
	[sflag:s4] =	ssyncset.s32 $0xFFFFF086  }
0x25: {  	[simem:s6], [sflag:s4] =	dma.local [hbm:s3], $0xF7A  }
0x26: {  	[smem:$0x3F98] =	sst s1;
	(tag) =	ssettag s2;
	_ =	strace s9  }
0x27: {  	s1 =	sld [smem:$0x3FA8]  }
0x28: {  	s2 =	sld [smem:$0x3FA9]  }
0x29: {  	s4 =	sld [smem:$0x3FAB]  }
0x2a: {  	p0 =	seq.s32 s5, $0x0;
	s5 =	sld [smem:$0x3FAC]  }
0x2b: {  	s6 =	sld [smem:$0x3FAD]  }
0x2c: {  	s7 =	sld [smem:$0x3FAE]  }
0x2d: {  	s3 =	simm.s32 $0x108;
	s8 =	sld [smem:$0x3FAF]  }
0x2e: {  	s3 =	simm.s32 @!p0 $0x1082;
	s9 =	sld [smem:$0x3FB0]  }
0x2f: {  	lr =	sadd.s32 s0, s3;
	s0 =	sld [smem:$0x3FA7]  }
0x30: {  	s3 =	sld [smem:$0x3FAA]  }
0x31: {  	[smem:$0x3FB3] =	sst s10  }
0x32: {  	s10 =	sld [smem:$0x3FB1];
	_ =	sdelay $0x3  }
0x33: {  	p0 =	seq.s32 s10, $0x1;
	s10 =	sld [smem:$0x3FB3];
	_ =	sdelay $0x3  }
0x34: {  	[smem:$0x3FB3] =	sst s10  }
0x35: {  	s10 =	sld [smem:$0x3FB2];
	_ =	sdelay $0x3  }
0x36: {  	p1 =	seq.s32 s10, $0x1;
	s10 =	sld [smem:$0x3FB3];
	_ =	sdelay $0x3  }
0x37: {  	[smem:$0x3FB3] =	sst s10  }
0x38: {  	s10 =	sld [smem:$0x3FB4]  }
0x39: {  	_ = 	snop;
	(pc) =	sbr.ind lr, $3  }
0x3a: {  	_ = 	snop  }
0x3b: {  	_ = 	snop  }
0x3c: {  	p2 =	seq.s32 s10, $0x1;
	s10 =	sld [smem:$0x3FB3]  }
0x3d: {  	_ =	shalt  }
0x3e: {  	_ =	shalt  }
0x3f: {  	_ =	shalt  }
0x40: {  	_ =	shalt  }
0x41: {  	_ =	shalt  }
0x42: {  	_ =	shalt  }
0x43: {  	_ =	shalt  }
0x44: {  	_ =	shalt  }
0x45: {  	_ =	shalt  }
0x46: {  	_ =	shalt  }
0x47: {  	_ =	shalt  }
0x48: {  	_ =	shalt  }
0x49: {  	_ =	shalt  }
0x4a: {  	_ =	shalt  }
0x4b: {  	_ =	shalt  }
0x4c: {  	_ =	shalt  }
0x4d: {  	_ =	shalt  }
0x4e: {  	_ =	shalt  }
0x4f: {  	_ =	shalt  }
0x50: {  	_ =	shalt  }
0x51: {  	_ =	shalt  }
0x52: {  	_ =	shalt  }
0x53: {  	_ =	shalt  }
0x54: {  	_ =	shalt  }
0x55: {  	_ =	shalt  }
0x56: {  	_ =	shalt  }
0x57: {  	_ =	shalt  }
0x58: {  	_ =	shalt  }
0x59: {  	_ =	shalt  }
0x5a: {  	_ =	shalt  }
0x5b: {  	_ =	shalt  }
0x5c: {  	_ =	shalt  }
0x5d: {  	_ =	shalt  }
0x5e: {  	_ =	shalt  }
0x5f: {  	_ =	shalt  }
0x60: {  	_ =	shalt  }
0x61: {  	_ =	shalt  }
0x62: {  	_ =	shalt  }
0x63: {  	_ =	shalt  }
0x64: {  	_ =	shalt  }
0x65: {  	_ =	shalt  }
0x66: {  	_ =	shalt  }
0x67: {  	_ =	shalt  }
0x68: {  	_ =	shalt  }
0x69: {  	_ =	shalt  }
0x6a: {  	_ =	shalt  }
0x6b: {  	_ =	shalt  }
0x6c: {  	_ =	shalt  }
0x6d: {  	_ =	shalt  }
0x6e: {  	_ =	shalt  }
0x6f: {  	_ =	shalt  }
0x70: {  	_ =	shalt  }
0x71: {  	_ =	shalt  }
0x72: {  	_ =	shalt  }
0x73: {  	_ =	shalt  }
0x74: {  	_ =	shalt  }
0x75: {  	_ =	shalt  }
0x76: {  	_ =	shalt  }
0x77: {  	_ =	shalt  }
0x78: {  	_ =	shalt  }
0x79: {  	_ =	shalt  }
0x7a: {  	_ =	shalt  }
0x7b: {  	_ =	shalt  }
0x7c: {  	_ =	shalt  }
0x7d: {  	_ =	shalt  }
0x7e: {  	_ =	shalt  }
0x7f: {  	_ =	shalt  }
0x80: {  	_ =	shalt  }
0x81: {  	_ =	shalt  }
0x82: {  	_ =	shalt  }
0x83: {  	_ =	shalt  }
0x84: {  	_ =	shalt  }
0x85: {  	_ =	shalt  }
0x86: {  	_ =	shalt  }
0x87: {  	_ =	shalt  }
.Lfunc_end0:
.L_simem_size_0:
called_computation.1_lowered:
.L_overlay_start_0:
0x88: {  	s2 =	sld [smem:$0x3FD9]  }
0x89: {  	s3 =	sld [smem:$0x3FFE];
	_ =	sdelay $0x1  }
0x8a: {  	s1 =	srdreg.scid  }
0x8b: {  	s0 =	sand.u32 $0x1, s1  }
0x8c: {  	s17 =	sshll.u32 s0, $0xA;
	s2 =	sadd.s32 s3, s2  }
0x8d: {  	s2 =	sadd.s32 s2, s17  }
0x8e: {  	[smem:$0x3FBF] =	sst s2  }
0x8f: {  	_ = 	snop  }
0x90: {  	s2 =	sld [smem:$0x3FD0];
	(tm) =	ssettm $0x1  }
0x91: {  	s18 =	sld [smem:$0x3FFB];
	_ =	sdelay $0x3  }
0x92: {  	_ =	strace s18  }
0x93: {  	s3 =	sld [smem:$0x3FFC];
	_ =	sdelay $0x3  }
0x94: {  	_ =	strace s3  }
0x95: {  	s3 =	sld [smem:$0x3FFD];
	_ =	sdelay $0x3  }
0x96: {  	_ =	strace s3  }
0x97: {  	_ =	strace $0x8FFFFFFF  }
0x98: {  	s19 =	sld [smem:$0x3FDB];
	_ =	sdelay $0x1  }
0x99: {  	s4 =	simm.s32 $_scs_section_size  }
0x9a: {  	s5 =	simm.s32 $_size__tile_overlayer_lowered;
	s6 =	simm.s32 $_tile_overlayer_lowered  }
0x9b: {  	s22 =	simm.s32 $0x1BFF;
	s21 =	sshll.u32 s6, $0x1;
	s3 =	sadd.s32 s4, s19  }
0x9c: {  	s7 =	simm.s32 $0x0;
	s20 =	sshll.u32 s5, $0x1;
	s5 =	sadd.s32 s21, s3  }
0x9d: {  	[timem:s7], [sflag:s22] =	dma.local [hbm:s5], s20  }
0x9e: {  	_ =	swait.ge [sflag:s22], s20  }
0x9f: {  	s4 =	ssub.s32 $0x0, s20;
	[sflag:s22] =	ssyncset.done $0x0  }
0xa0: {  	[sflag:s22] =	ssyncadd.s32 s4;
	_ =	sdelay $0x1  }
0xa1: {  	s23 =	simm.s32 $0x1B8B  }
0xa2: {  	_ =	swait.ge [sflag:s23], $0x1  }
0xa3: {  	[sflag:s23] =	ssyncset.done $0x0  }
0xa4: {  	s25 =	simm.s32 $0x1B8E;
	s24 =	sld [smem:$0x3FFE];
	[sflag:s23] =	ssyncadd.s32 $0xFFFFFFFF  }
0xa5: {  	s26 =	simm.s32 $execute0_lowered;
	[smem:$0x3FD2] =	sst s25  }
0xa6: {  	s5 =	sshll.u32 s26, $0x1;
	_ =	strace $0x80000049;
	[dreg:$0x1] =	wrdreg $0xFFFFFFFF  }
0xa7: {  	s28 =	simm.s32 $_size_execute0_lowered;
	s3 =	sadd.s32 s3, s5;
	[dreg:$0x0] =	wrdreg $0x0  }
0xa8: {  	s5 =	sshll.u32 s28, $0x1;
	[dreg:$0x2] =	wrdreg s3  }
0xa9: {  	[dreg:$0x3] =	wrdreg s5  }
0xaa: {  	[dreg:$0x4] =	wrdreg $0xC0  }
0xab: {  	_ =	task [dreg:s7], $0x5FFFF  }
0xac: {  	[dreg:$0x1] =	wrdreg $0xFFFFFFFF  }
0xad: {  	[dreg:$0x0] =	wrdreg $0x60  }
0xae: {  	[dreg:$0x2] =	wrdreg s24  }
0xaf: {  	[dreg:$0x3] =	wrdreg s2  }
0xb0: {  	[dreg:$0x4] =	wrdreg $0x15A000  }
0xb1: {  	[dreg:$0x5] =	wrdreg $0x9  }
0xb2: {  	_ =	task.clear_ibuf [dreg:s7], $0x6FFFF;
	_ =	strace $0x90000049  }
0xb3: {  	s29 =	simm.s32 $0x9;
	_ =	strace $0x8000004B  }
0xb4: {  	_ =	swait.ge [sflag:s29], $0x1  }
0xb5: {  	[sflag:s29] =	ssyncadd.s32 $0xFFFFFFFF  }
0xb6: {  	_ =	strace $0x9000004B  }
0xb7: {  	_ =	sfence  }
0xb8: {  	s30 =	sld [smem:$0x0];
	_ =	sdelay $0x2  }
0xb9: {  	s31 =	sshll.u32 s1, $0xD;
	s1 =	sshrl.u32 s1, $0x2  }
0xba: {  	s3 =	sand.u32 $0x4000, s31;
	s1 =	sadd.s32 s1, s30  }
0xbb: {  	s0 =	sor.u32 s3, s0;
	s1 =	sshll.u32 s1, $0x11  }
0xbc: {  	s0 =	sor.u32 s1, s0  }
0xbd: {  	s0 =	sadd.s32 $0x8F2B, s0  }
0xbe: {  	[sflag:s0] =	ssyncadd.remote.s32 $0x1  }
0xbf: {  	_ =	sfence.sel $0xFFFF  }
0xc0: {  	[dreg:$0x0] =	wrdreg $0xFFFFFFFF;
	(pc) =	sbr.abs _section_cstart, $3  }
0xc1: {  	[dreg:$0x1] =	wrdreg $0xFFFFFFFF  }
0xc2: {  	_ =	task.clear_ibuf [dreg:s7], $0x2FFFF;
	_ =	strace $0x9FFFFFFF  }
0xc3: {  	(tm) =	ssettm $0x7FFFFFFF  }
tec
execute0_lowered:
.L_overlay_start_1:
0x0: {  	(tag) =	ssettag $0x1  }
0x1: {  	s0 =	rddreg [dreg:$0x0]  }
0x2: {  	s1 =	rddreg [dreg:$0x1]  }
0x3: {  	s2 =	rddreg [dreg:$0x2]  }
0x4: {  	s3 =	srdreg.scid;
	s10 =	simm.s32 $0x0;
	s4 =	stileid.u32  }
0x5: {  	s26 =	simm.s32 $0xCD00;
	s31 =	simm.s32 $0x10B80;
	s28 =	simm.s32 $0x8E80  }
0x6: {  	s30 =	simm.s32 $0xADC0;
	s3 =	sand.u32 $0x1, s3;
	s9 =	smul.u32 $0x28000, s4  }
0x7: {  	[smem:$0x7FF] =	sst s10;
	s6 =	sshll.u32 s4, $0x1;
	s5 =	smul.u32 $0xA0000, s3  }
0x8: {  	_ =	strace $0x8000004A;
	s6 =	sor.u32 s3, s6;
	s3 =	ssub.s32 $0x2, s3  }
0x9: {  	[dreg:$0x4] =	wrdreg s26;
	s8 =	sshrl.u32 s3, $0x1;
	s14 =	sshrl.u32 s9, $0x2  }
0xa: {  	[dreg:$0x5] =	wrdreg s31;
	s3 =	ssub.s32 s3, s8;
	s15 =	sadd.s32 s14, s2  }
0xb: {  	s29 =	simm.s32 $0x12AC0;
	s3 =	smax.u32 s3, $0x1;
	[dreg:$0x9] =	wrdreg s15  }
0xc: {  	s7 =	smul.u32 $0xA000, s4;
	s17 =	sadd.s32 $0x1000, s15;
	[dreg:$0xb] =	wrdreg s3  }
0xd: {  	s26 =	simm.s32 $0x3;
	s18 =	sadd.s32 $0x2000, s15;
	[dreg:$0xc] =	wrdreg s17  }
0xe: {  	s6 =	smul.u32 $0x500, s6;
	s19 =	sadd.s32 $0x3000, s15;
	[dreg:$0xd] =	wrdreg s18  }
0xf: {  	s16 =	sadd.s32 s7, s2;
	s20 =	sadd.s32 $0x4000, s15;
	[dreg:$0xe] =	wrdreg s19  }
0x10: {  	s5 =	sadd.s32 s7, s5;
	s21 =	sadd.s32 $0x5000, s15;
	[dreg:$0xf] =	wrdreg s20  }
0x11: {  	s5 =	sshrl.u32 s5, $0x3;
	s22 =	sadd.s32 $0x6000, s15;
	[dreg:$0x10] =	wrdreg s21  }
0x12: {  	s6 =	sadd.s32 s6, s0;
	s23 =	sadd.s32 $0x7000, s15;
	[dreg:$0x11] =	wrdreg s22  }
0x13: {  	s24 =	sadd.s32 $0x8000, s15;
	s25 =	sadd.s32 $0x9000, s15;
	[dreg:$0x12] =	wrdreg s23  }
0x14: {  	s0 =	sadd.s32 s5, s0;
	s12 =	sadd.s32 $0x2C00, s6;
	[dreg:$0x13] =	wrdreg s24  }
0x15: {  	s13 =	sadd.s32 $0xCC00, s6;
	[dreg:$0x14] =	wrdreg s25;
	s19 =	simm.s32 $0x11  }
0x16: {  	s21 =	simm.s32 $0x7D;
	s22 =	simm.s32 $0x5000;
	s24 =	simm.s32 $0x6F40  }
0x17: {  	s20 =	simm.s32 $0xEC40;
	s23 =	simm.s32 $0x2;
	[dreg:$0x7] =	wrdreg s12  }
0x18: {  	s3 =	simm.s32 $0x4;
	[dreg:$0x8] =	wrdreg s13;
	s0 =	sadd.s32 $0x16C00, s0  }
0x19: {  	s5 =	simm.s32 $0x6;
	[dreg:$0xa] =	wrdreg s0;
	s0 =	sshrl.u32 s16, $0x3  }
0x1a: {  	v0 =	vimm.f32 $0.0e+00;
	s6 =	simm.s32 $0x8;
	[dreg:$0x15] =	wrdreg s0;
	s0 =	simm.s32 $0x1  }
.LBB2_1:
0x1b: {  	[dreg:$0x6] =	wrdreg s10;
	s8 =	simm.s32 $0x100;
	s7 =	simm.s32 $0x0  }
.LBB2_2:
0x1c: {  	p0 =	sne.s32 s8, $0x3F00;
	[tilespmem:s7+$0x14A30] =	vst v0;
	s9 =	smov.u32 s8;
	s8 =	sadd.s32 $0x100, s8  }
.Ltmp0:
0x1d: {  	[tilespmem:s7+$0x14A20] =	vst v0;
	(pc) =	sbr.rel @p0 .LBB2_2-.Ltmp0, $3  }
0x1e: {  	[tilespmem:s7+$0x14A00] =	vst v0  }
0x1f: {  	[tilespmem:s7+$0x14A10] =	vst v0;
	_ =	sdelay $0x1  }
0x20: {  	s7 =	sshra.s32 s9, $0x2  }
0x21: {  	[tilespmem:s7+$0x14A30] =	vst v0  }
0x22: {  	[tilespmem:s7+$0x14A20] =	vst v0  }
0x23: {  	[tilespmem:s7+$0x14A00] =	vst v0  }
0x24: {  	[tilespmem:s7+$0x14A10] =	vst v0;
	s25 =	simm.s32 $0x0;
	s4 =	rddreg [dreg:$0x7]  }
0x25: {  	[tilespmem:s25], [sflag:$0x11] =	stream.linear.gather [hbm4b:s4+s25], $0x2800, $0x38;
	[tilespmem:$0x1FA00] =	vst v63  }
0x26: {  	_ =	swait.ge [sflag:s19], $0x2800  }
0x27: {  	[sflag:s19] =	ssyncset.done $0x0  }
0x28: {  	s8 =	simm.s32 $0x2800;
	s31 =	rddreg [dreg:$0x8];
	[sflag:s19] =	ssyncadd.s32 $0xFFFFD800  }
0x29: {  	[tilespmem:s8], [sflag:$0x11] =	stream.linear.gather [hbm4b:s31+s25], $0x2800, $0x38;
	[tilespmem:$0x1FA00] =	vst v63  }
0x2a: {  	_ =	swait.ge [sflag:s19], $0x2800  }
0x2b: {  	[sflag:s19] =	ssyncset.done $0x0  }
0x2c: {  	[sflag:s19] =	ssyncadd.s32 $0xFFFFD800  }
0x2d: {  	[tilespmem:s22], [sflag:$0x1] =	stream.indirect.gather [hbm4b:s1+s21], $0x40, s25, s21, $0xb8;
	[tilespmem:$0x1FA00] =	vst v63  }
0x2e: {  	s9 =	simm.s32 $0x80  }
0x2f: {  	[tilespmem:s24], [sflag:$0x2] =	stream.indirect.gather [hbm4b:s1+s21], $0x40, s9, s21, $0xb8;
	[tilespmem:$0x1FA00] =	vst v63  }
0x30: {  	s10 =	simm.s32 $0x100  }
0x31: {  	[tilespmem:s28], [sflag:$0x3] =	stream.indirect.gather [hbm4b:s1+s21], $0x40, s10, s21, $0xb8;
	[tilespmem:$0x1FA00] =	vst v63  }
0x32: {  	s11 =	simm.s32 $0x180  }
0x33: {  	[tilespmem:s30], [sflag:$0x4] =	stream.indirect.gather [hbm4b:s1+s21], $0x40, s11, s21, $0xb8;
	[tilespmem:$0x1FA00] =	vst v63  }
0x34: {  	s13 =	simm.s32 $0x14A00;
	s12 =	rddreg [dreg:$0x9]  }
0x35: {  	[spmem:s12] =	stream.linear.scatter [tilespmem:s13], [sflag:$0x11], $0x1000, $0x38;
	[tilespmem:$0x1FA00] =	vst v63  }
0x36: {  	_ =	swait.ge [sflag:s19], $0x1000  }
0x37: {  	[sflag:s19] =	ssyncset.done $0x0  }
0x38: {  	s14 =	rddreg [dreg:$0xc];
	[sflag:s19] =	ssyncadd.s32 $0xFFFFF000  }
0x39: {  	[spmem:s14] =	stream.linear.scatter [tilespmem:s13], [sflag:$0x11], $0x1000, $0x38;
	[tilespmem:$0x1FA00] =	vst v63  }
0x3a: {  	_ =	swait.ge [sflag:s19], $0x1000  }
0x3b: {  	[sflag:s19] =	ssyncset.done $0x0  }
0x3c: {  	s15 =	rddreg [dreg:$0xd];
	[sflag:s19] =	ssyncadd.s32 $0xFFFFF000  }
0x3d: {  	[spmem:s15] =	stream.linear.scatter [tilespmem:s13], [sflag:$0x11], $0x1000, $0x38;
	[tilespmem:$0x1FA00] =	vst v63  }
0x3e: {  	_ =	swait.ge [sflag:s19], $0x1000  }
0x3f: {  	[sflag:s19] =	ssyncset.done $0x0  }
0x40: {  	s16 =	rddreg [dreg:$0xe];
	[sflag:s19] =	ssyncadd.s32 $0xFFFFF000  }
0x41: {  	[spmem:s16] =	stream.linear.scatter [tilespmem:s13], [sflag:$0x11], $0x1000, $0x38;
	[tilespmem:$0x1FA00] =	vst v63  }
0x42: {  	_ =	swait.ge [sflag:s19], $0x1000  }
0x43: {  	[sflag:s19] =	ssyncset.done $0x0  }
0x44: {  	s17 =	rddreg [dreg:$0xf];
	[sflag:s19] =	ssyncadd.s32 $0xFFFFF000  }
0x45: {  	[spmem:s17] =	stream.linear.scatter [tilespmem:s13], [sflag:$0x11], $0x1000, $0x38;
	[tilespmem:$0x1FA00] =	vst v63  }
0x46: {  	_ =	swait.ge [sflag:s19], $0x1000  }
0x47: {  	[sflag:s19] =	ssyncset.done $0x0  }
0x48: {  	s18 =	rddreg [dreg:$0x10];
	[sflag:s19] =	ssyncadd.s32 $0xFFFFF000  }
0x49: {  	[spmem:s18] =	stream.linear.scatter [tilespmem:s13], [sflag:$0x11], $0x1000, $0x38;
	[tilespmem:$0x1FA00] =	vst v63  }
0x4a: {  	_ =	swait.ge [sflag:s19], $0x1000  }
0x4b: {  	[sflag:s19] =	ssyncset.done $0x0  }
0x4c: {  	s25 =	rddreg [dreg:$0x11];
	[sflag:s19] =	ssyncadd.s32 $0xFFFFF000  }
0x4d: {  	[spmem:s25] =	stream.linear.scatter [tilespmem:s13], [sflag:$0x11], $0x1000, $0x38;
	[tilespmem:$0x1FA00] =	vst v63  }
0x4e: {  	_ =	swait.ge [sflag:s19], $0x1000  }
0x4f: {  	[sflag:s19] =	ssyncset.done $0x0  }
0x50: {  	s31 =	rddreg [dreg:$0x12];
	[sflag:s19] =	ssyncadd.s32 $0xFFFFF000  }
0x51: {  	[spmem:s31] =	stream.linear.scatter [tilespmem:s13], [sflag:$0x11], $0x1000, $0x38;
	[tilespmem:$0x1FA00] =	vst v63  }
0x52: {  	_ =	swait.ge [sflag:s19], $0x1000  }
0x53: {  	[sflag:s19] =	ssyncset.done $0x0  }
0x54: {  	s8 =	rddreg [dreg:$0x13];
	[sflag:s19] =	ssyncadd.s32 $0xFFFFF000  }
0x55: {  	[spmem:s8] =	stream.linear.scatter [tilespmem:s13], [sflag:$0x11], $0x1000, $0x38;
	[tilespmem:$0x1FA00] =	vst v63  }
0x56: {  	_ =	swait.ge [sflag:s19], $0x1000  }
0x57: {  	[sflag:s19] =	ssyncset.done $0x0  }
0x58: {  	s9 =	rddreg [dreg:$0x14];
	[sflag:s19] =	ssyncadd.s32 $0xFFFFF000  }
0x59: {  	[spmem:s9] =	stream.linear.scatter [tilespmem:s13], [sflag:$0x11], $0x1000, $0x38;
	[tilespmem:$0x1FA00] =	vst v63  }
0x5a: {  	_ =	swait.ge [sflag:s19], $0x1000  }
0x5b: {  	[sflag:s19] =	ssyncset.done $0x0  }
0x5c: {  	p0 =	por $0x1, $0x1;
	[sflag:s19] =	ssyncadd.s32 $0xFFFFF000  }
0x5d: {  	s7 =	simm.s32 @!p0 $0xD;
	[bflag:$0x0] =	sbarrier.arrive $0xFFFF  }
0x5e: {  	_ =	swait.ge @!p0 [sflag:s7], $0x1F40  }
0x5f: {  	[sflag:s7] =	ssyncset.done @!p0 $0x0  }
0x60: {  	s11 =	simm.s32 $0x200;
	s10 =	rddreg [dreg:$0x4];
	[sflag:s7] =	ssyncadd.s32 @!p0 $0xFFFFE0C0  }
0x61: {  	[tilespmem:s10], [sflag:$0x5] =	stream.indirect.gather [hbm4b:s1+s21], $0x40, s11, s21, $0xb8;
	[tilespmem:$0x1FA00] =	vst v63  }
0x62: {  	_ =	swait.ge [sflag:s0], $0x1F40  }
0x63: {  	[sflag:s0] =	ssyncset.done $0x0  }
0x64: {  	s12 =	simm.s32 $0x2800;
	s8 =	simm.s32 @!p0 $0xE;
	[sflag:s0] =	ssyncadd.s32 $0xFFFFE0C0  }
0x65: {  	[spmem:s2] =	stream.indirect.scatter.add.f32 [tilespmem:s22], [sflag:$0x9], $0x40, s12, s21, $0xb8;
	[tilespmem:$0x1FA00] =	vst v63  }
0x66: {  	_ =	swait.ge @!p0 [sflag:s8], $0x1F40  }
0x67: {  	[sflag:s8] =	ssyncset.done @!p0 $0x0  }
0x68: {  	s13 =	simm.s32 $0x280;
	[sflag:s8] =	ssyncadd.s32 @!p0 $0xFFFFE0C0  }
0x69: {  	[tilespmem:s20], [sflag:$0x6] =	stream.indirect.gather [hbm4b:s1+s21], $0x40, s13, s21, $0xb8;
	[tilespmem:$0x1FA00] =	vst v63  }
0x6a: {  	_ =	swait.ge [sflag:s23], $0x1F40  }
0x6b: {  	[sflag:s23] =	ssyncset.done $0x0  }
0x6c: {  	s14 =	simm.s32 $0x2880;
	s8 =	simm.s32 @!p0 $0xF;
	[sflag:s23] =	ssyncadd.s32 $0xFFFFE0C0  }
0x6d: {  	[spmem:s2] =	stream.indirect.scatter.add.f32 [tilespmem:s24], [sflag:$0xA], $0x40, s14, s21, $0xb8;
	[tilespmem:$0x1FA00] =	vst v63  }
0x6e: {  	_ =	swait.ge @!p0 [sflag:s8], $0x1F40  }
0x6f: {  	[sflag:s8] =	ssyncset.done @!p0 $0x0  }
0x70: {  	s16 =	simm.s32 $0x300;
	s15 =	rddreg [dreg:$0x5];
	[sflag:s8] =	ssyncadd.s32 @!p0 $0xFFFFE0C0  }
0x71: {  	[tilespmem:s15], [sflag:$0x7] =	stream.indirect.gather [hbm4b:s1+s21], $0x40, s16, s21, $0xb8;
	[tilespmem:$0x1FA00] =	vst v63  }
0x72: {  	_ =	swait.ge [sflag:s26], $0x1F40  }
0x73: {  	[sflag:s26] =	ssyncset.done $0x0  }
0x74: {  	s17 =	simm.s32 $0x2900;
	s8 =	simm.s32 @!p0 $0x10;
	[sflag:s26] =	ssyncadd.s32 $0xFFFFE0C0  }
0x75: {  	[spmem:s2] =	stream.indirect.scatter.add.f32 [tilespmem:s28], [sflag:$0xB], $0x40, s17, s21, $0xb8;
	[tilespmem:$0x1FA00] =	vst v63  }
0x76: {  	_ =	swait.ge @!p0 [sflag:s8], $0x1F40  }
0x77: {  	[sflag:s8] =	ssyncset.done @!p0 $0x0  }
0x78: {  	s18 =	simm.s32 $0x380;
	[sflag:s8] =	ssyncadd.s32 @!p0 $0xFFFFE0C0  }
0x79: {  	[tilespmem:s29], [sflag:$0x8] =	stream.indirect.gather [hbm4b:s1+s21], $0x40, s18, s21, $0xb8;
	[tilespmem:$0x1FA00] =	vst v63  }
0x7a: {  	_ =	swait.ge [sflag:s3], $0x1F40  }
0x7b: {  	p0 =	por $0x0, $0x0;
	[sflag:s3] =	ssyncset.done $0x0  }
0x7c: {  	s25 =	simm.s32 $0x2980;
	s8 =	simm.s32 @p0 $0x5;
	[sflag:s3] =	ssyncadd.s32 $0xFFFFE0C0  }
0x7d: {  	[spmem:s2] =	stream.indirect.scatter.add.f32 [tilespmem:s30], [sflag:$0xC], $0x40, s25, s21, $0xb8;
	[tilespmem:$0x1FA00] =	vst v63  }
0x7e: {  	_ =	swait.ge @p0 [sflag:s8], $0x1F40  }
0x7f: {  	s7 =	simm.s32 @p0 $0x2A00;
	s9 =	simm.s32 @p0 $0x7D;
	[sflag:s8] =	ssyncset.done @p0 $0x0  }
0x80: {  	s10 =	simm.s32 @p0 $0xCD00;
	[sflag:s8] =	ssyncadd.s32 @p0 $0xFFFFE0C0;
	s8 =	simm.s32 @!p0 $0x9  }
0x81: {  	[spmem:s2] =	stream.indirect.scatter.add.f32 @p0 [tilespmem:s10], [sflag:$0xD], $0x40, s7, s9, $0xb8;
	[tilespmem:$0x1FA00] =	vst v63  }
0x82: {  	_ =	swait.ge @!p0 [sflag:s8], $0x1F40  }
0x83: {  	s7 =	simm.s32 @!p0 $0x400;
	[sflag:s8] =	ssyncset.done @!p0 $0x0  }
0x84: {  	s10 =	simm.s32 @!p0 $0x7D;
	[sflag:s8] =	ssyncadd.s32 @!p0 $0xFFFFE0C0;
	s8 =	simm.s32 @!p0 $0x5000  }
0x85: {  	[tilespmem:s8], [sflag:$0x1] =	stream.indirect.gather @!p0 [hbm4b:s1+s10], $0x40, s7, s10, $0xb8;
	[tilespmem:$0x1FA00] =	vst v63  }
0x86: {  	s7 =	simm.s32 @!p0 $0x5  }
0x87: {  	_ =	swait.ge @!p0 [sflag:s7], $0x1F40  }
0x88: {  	[sflag:s7] =	ssyncset.done @!p0 $0x0  }
0x89: {  	s8 =	simm.s32 @!p0 $0x2A00;
	[sflag:s7] =	ssyncadd.s32 @!p0 $0xFFFFE0C0;
	s7 =	simm.s32 @!p0 $0xCD00  }
0x8a: {  	[spmem:s2] =	stream.indirect.scatter.add.f32 @!p0 [tilespmem:s7], [sflag:$0xD], $0x40, s8, s10, $0xb8;
	[tilespmem:$0x1FA00] =	vst v63  }
0x8b: {  	s7 =	simm.s32 @!p0 $0xA  }
0x8c: {  	_ =	swait.ge @!p0 [sflag:s7], $0x1F40  }
0x8d: {  	[sflag:s7] =	ssyncset.done @!p0 $0x0  }
0x8e: {  	s8 =	simm.s32 @!p0 $0x480;
	[sflag:s7] =	ssyncadd.s32 @!p0 $0xFFFFE0C0;
	s7 =	simm.s32 @!p0 $0x6F40  }
0x8f: {  	[tilespmem:s7], [sflag:$0x2] =	stream.indirect.gather @!p0 [hbm4b:s1+s10], $0x40, s8, s10, $0xb8;
	[tilespmem:$0x1FA00] =	vst v63  }
0x90: {  	_ =	swait.ge [sflag:s5], $0x1F40  }
0x91: {  	[sflag:s5] =	ssyncset.done $0x0  }
0x92: {  	s31 =	simm.s32 $0x2A80;
	s8 =	simm.s32 @p0 $0x7;
	[sflag:s5] =	ssyncadd.s32 $0xFFFFE0C0  }
0x93: {  	[spmem:s2] =	stream.indirect.scatter.add.f32 [tilespmem:s20], [sflag:$0xE], $0x40, s31, s21, $0xb8;
	[tilespmem:$0x1FA00] =	vst v63  }
0x94: {  	_ =	swait.ge @p0 [sflag:s8], $0x1F40  }
0x95: {  	[sflag:s8] =	ssyncset.done @p0 $0x0  }
0x96: {  	s7 =	simm.s32 @p0 $0x2B00;
	[sflag:s8] =	ssyncadd.s32 @p0 $0xFFFFE0C0;
	s8 =	simm.s32 @p0 $0x10B80  }
0x97: {  	[spmem:s2] =	stream.indirect.scatter.add.f32 @p0 [tilespmem:s8], [sflag:$0xF], $0x40, s7, s9, $0xb8;
	[tilespmem:$0x1FA00] =	vst v63  }
0x98: {  	s7 =	simm.s32 @!p0 $0xB  }
0x99: {  	_ =	swait.ge @!p0 [sflag:s7], $0x1F40  }
0x9a: {  	[sflag:s7] =	ssyncset.done @!p0 $0x0  }
0x9b: {  	s8 =	simm.s32 @!p0 $0x500;
	[sflag:s7] =	ssyncadd.s32 @!p0 $0xFFFFE0C0;
	s7 =	simm.s32 @!p0 $0x8E80  }
0x9c: {  	[tilespmem:s7], [sflag:$0x3] =	stream.indirect.gather @!p0 [hbm4b:s1+s10], $0x40, s8, s10, $0xb8;
	[tilespmem:$0x1FA00] =	vst v63  }
0x9d: {  	s7 =	simm.s32 @!p0 $0x7  }
0x9e: {  	_ =	swait.ge @!p0 [sflag:s7], $0x1F40  }
0x9f: {  	[sflag:s7] =	ssyncset.done @!p0 $0x0  }
0xa0: {  	s8 =	simm.s32 @!p0 $0x2B00;
	[sflag:s7] =	ssyncadd.s32 @!p0 $0xFFFFE0C0;
	s7 =	simm.s32 @!p0 $0x10B80  }
0xa1: {  	[spmem:s2] =	stream.indirect.scatter.add.f32 @!p0 [tilespmem:s7], [sflag:$0xF], $0x40, s8, s10, $0xb8;
	[tilespmem:$0x1FA00] =	vst v63  }
0xa2: {  	s7 =	simm.s32 @!p0 $0xC  }
0xa3: {  	_ =	swait.ge @!p0 [sflag:s7], $0x1F40  }
0xa4: {  	p1 =	por $0x0, $0x0;
	s16 =	simm.s32 $0x1000;
	[sflag:s7] =	ssyncset.done @!p0 $0x0  }
0xa5: {  	s8 =	simm.s32 @!p0 $0x580;
	[sflag:s7] =	ssyncadd.s32 @!p0 $0xFFFFE0C0;
	s7 =	simm.s32 @!p0 $0xADC0  }
0xa6: {  	[tilespmem:s7], [sflag:$0x4] =	stream.indirect.gather @!p0 [hbm4b:s1+s10], $0x40, s8, s10, $0xb8;
	[tilespmem:$0x1FA00] =	vst v63  }
0xa7: {  	s17 =	simm.s32 $0x2000;
	s18 =	simm.s32 $0x2B80;
	_ =	swait.ge [sflag:s6], $0x1F40  }
.LBB2_4:
0xa8: {  	[sflag:s6] =	ssyncset.done $0x0  }
0xa9: {  	s8 =	simm.s32 @!p1 $0xD;
	[sflag:s6] =	ssyncadd.s32 $0xFFFFE0C0  }
0xaa: {  	[spmem:s2] =	stream.indirect.scatter.add.f32 [tilespmem:s29], [sflag:$0x10], $0x40, s18, s21, $0xb8;
	[tilespmem:$0x1FA00] =	vst v63  }
0xab: {  	_ =	swait.ge @!p1 [sflag:s8], $0x1F40  }
0xac: {  	s25 =	sshra.s32 s16, $0x2;
	[sflag:s8] =	ssyncset.done @!p1 $0x0  }
0xad: {  	s15 =	sadd.s32 $0x200, s25;
	s9 =	rddreg [dreg:$0x4];
	[sflag:s8] =	ssyncadd.s32 @!p1 $0xFFFFE0C0  }
0xae: {  	[tilespmem:s9], [sflag:$0x5] =	stream.indirect.gather [hbm4b:s1+s21], $0x40, s15, s21, $0xb8;
	[tilespmem:$0x1FA00] =	vst v63  }
0xaf: {  	_ =	swait.ge [sflag:s0], $0x1F40  }
0xb0: {  	[sflag:s0] =	ssyncset.done $0x0  }
0xb1: {  	s31 =	sadd.s32 $0x2800, s25;
	s9 =	simm.s32 @!p1 $0xE;
	[sflag:s0] =	ssyncadd.s32 $0xFFFFE0C0  }
0xb2: {  	[spmem:s2] =	stream.indirect.scatter.add.f32 [tilespmem:s22], [sflag:$0x9], $0x40, s31, s21, $0xb8;
	[tilespmem:$0x1FA00] =	vst v63  }
0xb3: {  	_ =	swait.ge @!p1 [sflag:s9], $0x1F40  }
0xb4: {  	[sflag:s9] =	ssyncset.done @!p1 $0x0  }
0xb5: {  	s4 =	sadd.s32 $0x280, s25;
	[sflag:s9] =	ssyncadd.s32 @!p1 $0xFFFFE0C0  }
0xb6: {  	[tilespmem:s20], [sflag:$0x6] =	stream.indirect.gather [hbm4b:s1+s21], $0x40, s4, s21, $0xb8;
	[tilespmem:$0x1FA00] =	vst v63  }
0xb7: {  	_ =	swait.ge [sflag:s23], $0x1F40  }
0xb8: {  	[sflag:s23] =	ssyncset.done $0x0  }
0xb9: {  	s10 =	sadd.s32 $0x2880, s25;
	s9 =	simm.s32 @!p1 $0xF;
	[sflag:s23] =	ssyncadd.s32 $0xFFFFE0C0  }
0xba: {  	[spmem:s2] =	stream.indirect.scatter.add.f32 [tilespmem:s24], [sflag:$0xA], $0x40, s10, s21, $0xb8;
	[tilespmem:$0x1FA00] =	vst v63  }
0xbb: {  	_ =	swait.ge @!p1 [sflag:s9], $0x1F40  }
0xbc: {  	[sflag:s9] =	ssyncset.done @!p1 $0x0  }
0xbd: {  	s12 =	sadd.s32 $0x300, s25;
	s11 =	rddreg [dreg:$0x5];
	[sflag:s9] =	ssyncadd.s32 @!p1 $0xFFFFE0C0  }
0xbe: {  	[tilespmem:s11], [sflag:$0x7] =	stream.indirect.gather [hbm4b:s1+s21], $0x40, s12, s21, $0xb8;
	[tilespmem:$0x1FA00] =	vst v63  }
0xbf: {  	_ =	swait.ge [sflag:s26], $0x1F40  }
0xc0: {  	[sflag:s26] =	ssyncset.done $0x0  }
0xc1: {  	s13 =	sadd.s32 $0x2900, s25;
	s9 =	simm.s32 @!p1 $0x10;
	[sflag:s26] =	ssyncadd.s32 $0xFFFFE0C0  }
0xc2: {  	[spmem:s2] =	stream.indirect.scatter.add.f32 [tilespmem:s28], [sflag:$0xB], $0x40, s13, s21, $0xb8;
	[tilespmem:$0x1FA00] =	vst v63  }
0xc3: {  	_ =	swait.ge @!p1 [sflag:s9], $0x1F40  }
0xc4: {  	[sflag:s9] =	ssyncset.done @!p1 $0x0  }
0xc5: {  	s14 =	sadd.s32 $0x380, s25;
	[sflag:s9] =	ssyncadd.s32 @!p1 $0xFFFFE0C0  }
0xc6: {  	[tilespmem:s29], [sflag:$0x8] =	stream.indirect.gather [hbm4b:s1+s21], $0x40, s14, s21, $0xb8;
	[tilespmem:$0x1FA00] =	vst v63  }
0xc7: {  	_ =	swait.ge [sflag:s3], $0x1F40  }
0xc8: {  	p1 =	seq.s32 s16, $0x9000;
	[sflag:s3] =	ssyncset.done $0x0  }
0xc9: {  	s15 =	sadd.s32 $0x2980, s25;
	s10 =	simm.s32 @p1 $0x5;
	[sflag:s3] =	ssyncadd.s32 $0xFFFFE0C0  }
0xca: {  	[spmem:s2] =	stream.indirect.scatter.add.f32 [tilespmem:s30], [sflag:$0xC], $0x40, s15, s21, $0xb8;
	[tilespmem:$0x1FA00] =	vst v63  }
0xcb: {  	s11 =	sshra.s32 @p1 s16, $0x2;
	_ =	swait.ge @p1 [sflag:s10], $0x1F40  }
0xcc: {  	s9 =	simm.s32 @p1 $0x7D;
	s12 =	simm.s32 @p1 $0xCD00;
	[sflag:s10] =	ssyncset.done @p1 $0x0  }
0xcd: {  	s8 =	sadd.s32 @p1 $0x2A00, s11;
	[sflag:s10] =	ssyncadd.s32 @p1 $0xFFFFE0C0;
	s10 =	simm.s32 @!p1 $0x9  }
0xce: {  	[spmem:s2] =	stream.indirect.scatter.add.f32 @p1 [tilespmem:s12], [sflag:$0xD], $0x40, s8, s9, $0xb8;
	[tilespmem:$0x1FA00] =	vst v63  }
0xcf: {  	s16 =	sshra.s32 @!p1 s16, $0x2;
	_ =	swait.ge @!p1 [sflag:s10], $0x1F40  }
0xd0: {  	s31 =	simm.s32 @!p1 $0x5;
	s13 =	sadd.s32 @!p1 $0x400, s16;
	[sflag:s10] =	ssyncset.done @!p1 $0x0  }
0xd1: {  	s15 =	simm.s32 @!p1 $0x5000;
	s8 =	simm.s32 @!p1 $0x7D;
	[sflag:s10] =	ssyncadd.s32 @!p1 $0xFFFFE0C0  }
0xd2: {  	[tilespmem:s15], [sflag:$0x1] =	stream.indirect.gather @!p1 [hbm4b:s1+s8], $0x40, s13, s8, $0xb8;
	[tilespmem:$0x1FA00] =	vst v63  }
0xd3: {  	_ =	swait.ge @!p1 [sflag:s31], $0x1F40  }
0xd4: {  	s4 =	simm.s32 @!p1 $0xCD00;
	[sflag:s31] =	ssyncset.done @!p1 $0x0  }
0xd5: {  	s12 =	sadd.s32 @!p1 $0x2A00, s16;
	[sflag:s31] =	ssyncadd.s32 @!p1 $0xFFFFE0C0;
	s31 =	simm.s32 @!p1 $0xA  }
0xd6: {  	[spmem:s2] =	stream.indirect.scatter.add.f32 @!p1 [tilespmem:s4], [sflag:$0xD], $0x40, s12, s8, $0xb8;
	[tilespmem:$0x1FA00] =	vst v63  }
0xd7: {  	_ =	swait.ge @!p1 [sflag:s31], $0x1F40  }
0xd8: {  	s7 =	smov.u32 s17;
	[sflag:s31] =	ssyncset.done @!p1 $0x0  }
0xd9: {  	s14 =	sadd.s32 @!p1 $0x480, s16;
	s4 =	simm.s32 @!p1 $0x6F40;
	[sflag:s31] =	ssyncadd.s32 @!p1 $0xFFFFE0C0  }
0xda: {  	[tilespmem:s4], [sflag:$0x2] =	stream.indirect.gather @!p1 [hbm4b:s1+s8], $0x40, s14, s8, $0xb8;
	[tilespmem:$0x1FA00] =	vst v63  }
0xdb: {  	s10 =	sadd.s32 @!p1 $0x580, s16;
	s13 =	sadd.s32 @!p1 $0x500, s16;
	_ =	swait.ge [sflag:s5], $0x1F40  }
0xdc: {  	s15 =	sadd.s32 @!p1 $0x2B00, s16;
	s16 =	smov.u32 s7;
	[sflag:s5] =	ssyncset.done $0x0  }
0xdd: {  	s7 =	simm.s32 @p1 $0x7;
	s31 =	sadd.s32 $0x2A80, s25;
	[sflag:s5] =	ssyncadd.s32 $0xFFFFE0C0  }
0xde: {  	[spmem:s2] =	stream.indirect.scatter.add.f32 [tilespmem:s20], [sflag:$0xE], $0x40, s31, s21, $0xb8;
	[tilespmem:$0x1FA00] =	vst v63  }
0xdf: {  	_ =	swait.ge @p1 [sflag:s7], $0x1F40  }
0xe0: {  	s11 =	sadd.s32 @p1 $0x2B00, s11;
	[sflag:s7] =	ssyncset.done @p1 $0x0  }
0xe1: {  	s4 =	simm.s32 @p1 $0x10B80;
	[sflag:s7] =	ssyncadd.s32 @p1 $0xFFFFE0C0;
	s7 =	simm.s32 @!p1 $0xB  }
0xe2: {  	[spmem:s2] =	stream.indirect.scatter.add.f32 @p1 [tilespmem:s4], [sflag:$0xF], $0x40, s11, s9, $0xb8;
	[tilespmem:$0x1FA00] =	vst v63  }
0xe3: {  	_ =	swait.ge @!p1 [sflag:s7], $0x1F40  }
0xe4: {  	[sflag:s7] =	ssyncset.done @!p1 $0x0  }
0xe5: {  	s4 =	simm.s32 @!p1 $0x8E80;
	[sflag:s7] =	ssyncadd.s32 @!p1 $0xFFFFE0C0;
	s7 =	simm.s32 @!p1 $0x7  }
0xe6: {  	[tilespmem:s4], [sflag:$0x3] =	stream.indirect.gather @!p1 [hbm4b:s1+s8], $0x40, s13, s8, $0xb8;
	[tilespmem:$0x1FA00] =	vst v63  }
0xe7: {  	s17 =	sadd.s32 $0x1000, s17;
	_ =	swait.ge @!p1 [sflag:s7], $0x1F40  }
0xe8: {  	p0 =	sne.s32 s17, $0xA000;
	[sflag:s7] =	ssyncset.done @!p1 $0x0  }
0xe9: {  	s4 =	simm.s32 @!p1 $0x10B80;
	[sflag:s7] =	ssyncadd.s32 @!p1 $0xFFFFE0C0;
	s7 =	simm.s32 @!p1 $0xC  }
0xea: {  	[spmem:s2] =	stream.indirect.scatter.add.f32 @!p1 [tilespmem:s4], [sflag:$0xF], $0x40, s15, s8, $0xb8;
	[tilespmem:$0x1FA00] =	vst v63  }
.Ltmp1:
0xeb: {  	_ =	swait.ge @!p1 [sflag:s7], $0x1F40;
	(pc) =	sbr.rel @p0 .LBB2_4-.Ltmp1, $4  }
0xec: {  	[sflag:s7] =	ssyncset.done @!p1 $0x0  }
0xed: {  	s4 =	simm.s32 @!p1 $0xADC0;
	[sflag:s7] =	ssyncadd.s32 @!p1 $0xFFFFE0C0  }
0xee: {  	[tilespmem:s4], [sflag:$0x4] =	stream.indirect.gather @!p1 [hbm4b:s1+s8], $0x40, s10, s8, $0xb8;
	[tilespmem:$0x1FA00] =	vst v63  }
0xef: {  	s18 =	sadd.s32 $0x2B80, s25;
	p1 =	seq.s32 s16, $0x0;
	_ =	swait.ge [sflag:s6], $0x1F40  }
0xf0: {  	[sflag:s6] =	ssyncset.done $0x0  }
0xf1: {  	s4 =	simm.s32 @!p1 $0xD;
	[sflag:s6] =	ssyncadd.s32 $0xFFFFE0C0  }
0xf2: {  	[spmem:s2] =	stream.indirect.scatter.add.f32 [tilespmem:s29], [sflag:$0x10], $0x40, s18, s21, $0xb8;
	[tilespmem:$0x1FA00] =	vst v63  }
0xf3: {  	_ =	swait.ge @!p1 [sflag:s4], $0x1F40  }
0xf4: {  	s7 =	sshra.s32 s16, $0x2;
	[sflag:s4] =	ssyncset.done @!p1 $0x0  }
0xf5: {  	s10 =	sadd.s32 $0x200, s7;
	s8 =	rddreg [dreg:$0x4];
	[sflag:s4] =	ssyncadd.s32 @!p1 $0xFFFFE0C0  }
0xf6: {  	[tilespmem:s8], [sflag:$0x5] =	stream.indirect.gather [hbm4b:s1+s21], $0x40, s10, s21, $0xb8;
	[tilespmem:$0x1FA00] =	vst v63  }
0xf7: {  	_ =	swait.ge [sflag:s0], $0x1F40  }
0xf8: {  	[sflag:s0] =	ssyncset.done $0x0  }
0xf9: {  	s11 =	sadd.s32 $0x2800, s7;
	s8 =	simm.s32 @!p1 $0xE;
	[sflag:s0] =	ssyncadd.s32 $0xFFFFE0C0  }
0xfa: {  	[spmem:s2] =	stream.indirect.scatter.add.f32 [tilespmem:s22], [sflag:$0x9], $0x40, s11, s21, $0xb8;
	[tilespmem:$0x1FA00] =	vst v63  }
0xfb: {  	_ =	swait.ge @!p1 [sflag:s8], $0x1F40  }
0xfc: {  	[sflag:s8] =	ssyncset.done @!p1 $0x0  }
0xfd: {  	s12 =	sadd.s32 $0x280, s7;
	[sflag:s8] =	ssyncadd.s32 @!p1 $0xFFFFE0C0  }
0xfe: {  	[tilespmem:s20], [sflag:$0x6] =	stream.indirect.gather [hbm4b:s1+s21], $0x40, s12, s21, $0xb8;
	[tilespmem:$0x1FA00] =	vst v63  }
0xff: {  	_ =	swait.ge [sflag:s23], $0x1F40  }
0x100: {  	[sflag:s23] =	ssyncset.done $0x0  }
0x101: {  	s13 =	sadd.s32 $0x2880, s7;
	s8 =	simm.s32 @!p1 $0xF;
	[sflag:s23] =	ssyncadd.s32 $0xFFFFE0C0  }
0x102: {  	[spmem:s2] =	stream.indirect.scatter.add.f32 [tilespmem:s24], [sflag:$0xA], $0x40, s13, s21, $0xb8;
	[tilespmem:$0x1FA00] =	vst v63  }
0x103: {  	_ =	swait.ge @!p1 [sflag:s8], $0x1F40  }
0x104: {  	[sflag:s8] =	ssyncset.done @!p1 $0x0  }
0x105: {  	s15 =	sadd.s32 $0x300, s7;
	s14 =	rddreg [dreg:$0x5];
	[sflag:s8] =	ssyncadd.s32 @!p1 $0xFFFFE0C0  }
0x106: {  	[tilespmem:s14], [sflag:$0x7] =	stream.indirect.gather [hbm4b:s1+s21], $0x40, s15, s21, $0xb8;
	[tilespmem:$0x1FA00] =	vst v63  }
0x107: {  	_ =	swait.ge [sflag:s26], $0x1F40  }
0x108: {  	[sflag:s26] =	ssyncset.done $0x0  }
0x109: {  	s17 =	sadd.s32 $0x2900, s7;
	s8 =	simm.s32 @!p1 $0x10;
	[sflag:s26] =	ssyncadd.s32 $0xFFFFE0C0  }
0x10a: {  	[spmem:s2] =	stream.indirect.scatter.add.f32 [tilespmem:s28], [sflag:$0xB], $0x40, s17, s21, $0xb8;
	[tilespmem:$0x1FA00] =	vst v63  }
0x10b: {  	_ =	swait.ge @!p1 [sflag:s8], $0x1F40  }
0x10c: {  	[sflag:s8] =	ssyncset.done @!p1 $0x0  }
0x10d: {  	s18 =	sadd.s32 $0x380, s7;
	[sflag:s8] =	ssyncadd.s32 @!p1 $0xFFFFE0C0  }
0x10e: {  	[tilespmem:s29], [sflag:$0x8] =	stream.indirect.gather [hbm4b:s1+s21], $0x40, s18, s21, $0xb8;
	[tilespmem:$0x1FA00] =	vst v63  }
0x10f: {  	_ =	swait.ge [sflag:s3], $0x1F40  }
0x110: {  	p0 =	seq.s32 s16, $0x9000;
	[sflag:s3] =	ssyncset.done $0x0  }
0x111: {  	s25 =	sadd.s32 $0x2980, s7;
	s8 =	simm.s32 @p0 $0x5;
	[sflag:s3] =	ssyncadd.s32 $0xFFFFE0C0  }
0x112: {  	[spmem:s2] =	stream.indirect.scatter.add.f32 [tilespmem:s30], [sflag:$0xC], $0x40, s25, s21, $0xb8;
	[tilespmem:$0x1FA00] =	vst v63  }
0x113: {  	s4 =	sshra.s32 @p0 s16, $0x2;
	_ =	swait.ge @p0 [sflag:s8], $0x1F40  }
0x114: {  	s9 =	sadd.s32 @p0 $0x2A00, s4;
	s10 =	simm.s32 @p0 $0x7D;
	[sflag:s8] =	ssyncset.done @p0 $0x0  }
0x115: {  	s11 =	simm.s32 @p0 $0xCD00;
	[sflag:s8] =	ssyncadd.s32 @p0 $0xFFFFE0C0;
	s8 =	simm.s32 @!p0 $0x9  }
0x116: {  	[spmem:s2] =	stream.indirect.scatter.add.f32 @p0 [tilespmem:s11], [sflag:$0xD], $0x40, s9, s10, $0xb8;
	[tilespmem:$0x1FA00] =	vst v63  }
0x117: {  	_ =	swait.ge @!p0 [sflag:s8], $0x1F40  }
0x118: {  	s12 =	simm.s32 @!p0 $0x7D;
	s9 =	sshra.s32 @!p0 s16, $0x2;
	[sflag:s8] =	ssyncset.done @!p0 $0x0  }
0x119: {  	s11 =	sadd.s32 @!p0 $0x400, s9;
	[sflag:s8] =	ssyncadd.s32 @!p0 $0xFFFFE0C0;
	s8 =	simm.s32 @!p0 $0x5000  }
0x11a: {  	[tilespmem:s8], [sflag:$0x1] =	stream.indirect.gather @!p0 [hbm4b:s1+s12], $0x40, s11, s12, $0xb8;
	[tilespmem:$0x1FA00] =	vst v63  }
0x11b: {  	s8 =	simm.s32 @!p0 $0x5  }
0x11c: {  	_ =	swait.ge @!p0 [sflag:s8], $0x1F40  }
0x11d: {  	[sflag:s8] =	ssyncset.done @!p0 $0x0  }
0x11e: {  	s11 =	sadd.s32 @!p0 $0x2A00, s9;
	[sflag:s8] =	ssyncadd.s32 @!p0 $0xFFFFE0C0;
	s8 =	simm.s32 @!p0 $0xCD00  }
0x11f: {  	[spmem:s2] =	stream.indirect.scatter.add.f32 @!p0 [tilespmem:s8], [sflag:$0xD], $0x40, s11, s12, $0xb8;
	[tilespmem:$0x1FA00] =	vst v63  }
0x120: {  	s8 =	simm.s32 @!p0 $0xA  }
0x121: {  	_ =	swait.ge @!p0 [sflag:s8], $0x1F40  }
0x122: {  	[sflag:s8] =	ssyncset.done @!p0 $0x0  }
0x123: {  	s11 =	sadd.s32 @!p0 $0x480, s9;
	[sflag:s8] =	ssyncadd.s32 @!p0 $0xFFFFE0C0;
	s8 =	simm.s32 @!p0 $0x6F40  }
0x124: {  	[tilespmem:s8], [sflag:$0x2] =	stream.indirect.gather @!p0 [hbm4b:s1+s12], $0x40, s11, s12, $0xb8;
	[tilespmem:$0x1FA00] =	vst v63  }
0x125: {  	_ =	swait.ge [sflag:s5], $0x1F40  }
0x126: {  	[sflag:s5] =	ssyncset.done $0x0  }
0x127: {  	s31 =	sadd.s32 $0x2A80, s7;
	s8 =	simm.s32 @p0 $0x7;
	[sflag:s5] =	ssyncadd.s32 $0xFFFFE0C0  }
0x128: {  	[spmem:s2] =	stream.indirect.scatter.add.f32 [tilespmem:s20], [sflag:$0xE], $0x40, s31, s21, $0xb8;
	[tilespmem:$0x1FA00] =	vst v63  }
0x129: {  	_ =	swait.ge @p0 [sflag:s8], $0x1F40  }
0x12a: {  	[sflag:s8] =	ssyncset.done @p0 $0x0  }
0x12b: {  	s4 =	sadd.s32 @p0 $0x2B00, s4;
	[sflag:s8] =	ssyncadd.s32 @p0 $0xFFFFE0C0;
	s8 =	simm.s32 @p0 $0x10B80  }
0x12c: {  	[spmem:s2] =	stream.indirect.scatter.add.f32 @p0 [tilespmem:s8], [sflag:$0xF], $0x40, s4, s10, $0xb8;
	[tilespmem:$0x1FA00] =	vst v63  }
0x12d: {  	s4 =	simm.s32 @!p0 $0xB  }
0x12e: {  	_ =	swait.ge @!p0 [sflag:s4], $0x1F40  }
0x12f: {  	[sflag:s4] =	ssyncset.done @!p0 $0x0  }
0x130: {  	s8 =	sadd.s32 @!p0 $0x500, s9;
	[sflag:s4] =	ssyncadd.s32 @!p0 $0xFFFFE0C0;
	s4 =	simm.s32 @!p0 $0x8E80  }
0x131: {  	[tilespmem:s4], [sflag:$0x3] =	stream.indirect.gather @!p0 [hbm4b:s1+s12], $0x40, s8, s12, $0xb8;
	[tilespmem:$0x1FA00] =	vst v63  }
0x132: {  	s4 =	simm.s32 @!p0 $0x7  }
0x133: {  	_ =	swait.ge @!p0 [sflag:s4], $0x1F40  }
0x134: {  	[sflag:s4] =	ssyncset.done @!p0 $0x0  }
0x135: {  	s8 =	sadd.s32 @!p0 $0x2B00, s9;
	[sflag:s4] =	ssyncadd.s32 @!p0 $0xFFFFE0C0;
	s4 =	simm.s32 @!p0 $0x10B80  }
0x136: {  	[spmem:s2] =	stream.indirect.scatter.add.f32 @!p0 [tilespmem:s4], [sflag:$0xF], $0x40, s8, s12, $0xb8;
	[tilespmem:$0x1FA00] =	vst v63  }
0x137: {  	s4 =	simm.s32 @!p0 $0xC  }
0x138: {  	_ =	swait.ge @!p0 [sflag:s4], $0x1F40  }
0x139: {  	[sflag:s4] =	ssyncset.done @!p0 $0x0  }
0x13a: {  	s8 =	sadd.s32 @!p0 $0x580, s9;
	[sflag:s4] =	ssyncadd.s32 @!p0 $0xFFFFE0C0;
	s4 =	simm.s32 @!p0 $0xADC0  }
0x13b: {  	[tilespmem:s4], [sflag:$0x4] =	stream.indirect.gather @!p0 [hbm4b:s1+s12], $0x40, s8, s12, $0xb8;
	[tilespmem:$0x1FA00] =	vst v63  }
0x13c: {  	_ =	swait.ge [sflag:s6], $0x1F40  }
0x13d: {  	[sflag:s6] =	ssyncset.done $0x0  }
0x13e: {  	s7 =	sadd.s32 $0x2B80, s7;
	s8 =	simm.s32 $0x9;
	[sflag:s6] =	ssyncadd.s32 $0xFFFFE0C0  }
0x13f: {  	[spmem:s2] =	stream.indirect.scatter.add.f32 [tilespmem:s29], [sflag:$0x10], $0x40, s7, s21, $0xb8;
	[tilespmem:$0x1FA00] =	vst v63  }
0x140: {  	_ =	swait.ge [sflag:s8], $0x1F40  }
0x141: {  	[sflag:s8] =	ssyncset.done $0x0  }
0x142: {  	s9 =	simm.s32 $0xA;
	[sflag:s8] =	ssyncadd.s32 $0xFFFFE0C0  }
0x143: {  	_ =	swait.ge [sflag:s9], $0x1F40  }
0x144: {  	[sflag:s9] =	ssyncset.done $0x0  }
0x145: {  	s10 =	simm.s32 $0xB;
	[sflag:s9] =	ssyncadd.s32 $0xFFFFE0C0  }
0x146: {  	_ =	swait.ge [sflag:s10], $0x1F40  }
0x147: {  	[sflag:s10] =	ssyncset.done $0x0  }
0x148: {  	s11 =	simm.s32 $0xC;
	[sflag:s10] =	ssyncadd.s32 $0xFFFFE0C0  }
0x149: {  	_ =	swait.ge [sflag:s11], $0x1F40  }
0x14a: {  	[sflag:s11] =	ssyncset.done $0x0  }
0x14b: {  	s12 =	simm.s32 $0xD;
	[sflag:s11] =	ssyncadd.s32 $0xFFFFE0C0  }
0x14c: {  	_ =	swait.ge [sflag:s12], $0x1F40  }
0x14d: {  	[sflag:s12] =	ssyncset.done $0x0  }
0x14e: {  	s13 =	simm.s32 $0xE;
	[sflag:s12] =	ssyncadd.s32 $0xFFFFE0C0  }
0x14f: {  	_ =	swait.ge [sflag:s13], $0x1F40  }
0x150: {  	[sflag:s13] =	ssyncset.done $0x0  }
0x151: {  	s14 =	simm.s32 $0xF;
	[sflag:s13] =	ssyncadd.s32 $0xFFFFE0C0  }
0x152: {  	_ =	swait.ge [sflag:s14], $0x1F40  }
0x153: {  	[sflag:s14] =	ssyncset.done $0x0  }
0x154: {  	s15 =	simm.s32 $0x10;
	[sflag:s14] =	ssyncadd.s32 $0xFFFFE0C0  }
0x155: {  	_ =	swait.ge [sflag:s15], $0x1F40  }
0x156: {  	[sflag:s15] =	ssyncset.done $0x0  }
0x157: {  	[sflag:s15] =	ssyncadd.s32 $0xFFFFE0C0  }
0x158: {  	s16 =	stileid.u32;
	[bflag:$0x0] =	sbarrier.arrive $0xFFFF  }
0x159: {  	s4 =	sshll.u32 s16, $0x6;
	s17 =	rddreg [dreg:$0xa]  }
0x15a: {  	s4 =	sor.u32 $0x1C11, s4;
	s18 =	rddreg [dreg:$0x15]  }
0x15b: {  	[hbm:s17], [sflag:s4] =	dma.local [spmem:s18], $0x1400  }
0x15c: {  	_ =	swait.ge [sflag:s19], $0x1400  }
0x15d: {  	s25 =	rddreg [dreg:$0x6]  }
0x15e: {  	s31 =	rddreg [dreg:$0xb];
	s10 =	sadd.s32 $0x1, s25  }
0x15f: {  	p0 =	sne.s32 s10, s31  }
.Ltmp2:
0x160: {  	_ = 	snop;
	(pc) =	sbr.rel @p0 .LBB2_1-.Ltmp2, $3  }
0x161: {  	_ =	sdelay $0x1  }
0x162: {  	[sflag:s19] =	ssyncset.done $0x0  }
0x163: {  	[sflag:s19] =	ssyncadd.s32 $0xFFFFEC00  }
0x164: {  	_ =	sfence.sel $0x180000  }
0x165: {  	[bflag:$0x0] =	sbarrier.arrive $0xFFFF  }
0x166: {  	_ =	strace $0x9000004A  }
0x167: {  	s0 =	stileid.u32;
	[bflag:$0x2] =	sbarrier.arrive $0xFFFF  }
0x168: {  	p0 =	sne.s32 s0, $0x0;
	s0 =	rddreg [dreg:$0x3]  }
0x169: {  	s0 =	sadd.s32 @!p0 $0x100000, s0  }
0x16a: {  	[sflag:s0] =	ssyncadd.tile.s32 @!p0 $0x1;
	_ =	shalt  }
.Lfunc_end2:
_tile_overlayer_lowered:
.L_overlay_start_2:
0x16b: {  	(tag) =	ssettag $0x2  }
0x16c: {  	s0 =	rddreg [dreg:$0x0];
	s2 =	stileid.u32  }
0x16d: {  	s1 =	rddreg [dreg:$0x1];
	p0 =	sne.s32 s2, $0x0  }
0x16e: {  	s3 =	rddreg [dreg:$0x2];
	[bflag:$0x3] =	sbarrier.arrive $0xFFFF;
	s2 =	simm.s32 @!p0 $0x1C11  }
0x16f: {  	[timem:s3], [sflag:s2] =	dma.local @!p0 [hbm:s0], s1  }
0x170: {  	s0 =	simm.s32 @!p0 $0x11  }
0x171: {  	_ =	swait.ge @!p0 [sflag:s0], s1  }
0x172: {  	s1 =	ssub.s32 @!p0 $0x0, s1;
	[sflag:s0] =	ssyncset.done @!p0 $0x0  }
0x173: {  	[sflag:s0] =	ssyncadd.s32 @!p0 s1  }
0x174: {  	[bflag:$0x3] =	sbarrier.arrive $0xFFFF  }
0x175: {  	_ =	shalt  }

// kernel: kernel.7.cloned.1.call-start
scs
__scs_entry_jumppad:
0x0: {  	(pc) =	sbr.rel $0x88, $3  }
0x1: {  	(tag) =	ssettag $0x0;
	lr =	simm.s32 $0x1  }
0x2: {  	[smem:$0x3F98] =	sst lr;
	_ =	strace $0xD0000000  }
0x3: {  	_ = 	snop  }
0x4: {  	_ = 	snop  }
0x5: {  	_ = 	snop  }
0x6: {  	_ = 	snop  }
0x7: {  	_ = 	snop  }
__scs_overlays_trampoline_lowered:
0x8: {  	[smem:$0x3FA7] =	sst s0  }
0x9: {  	[smem:$0x3FA8] =	sst s1  }
0xa: {  	[smem:$0x3FA9] =	sst s2  }
0xb: {  	[smem:$0x3FAA] =	sst s3  }
0xc: {  	[smem:$0x3FAB] =	sst s4  }
0xd: {  	[smem:$0x3FAC] =	sst s5  }
0xe: {  	[smem:$0x3FAD] =	sst s6  }
0xf: {  	[smem:$0x3FAE] =	sst s7  }
0x10: {  	[smem:$0x3FAF] =	sst s8  }
0x11: {  	[smem:$0x3FB0] =	sst s9;
	s0 =	simm.s32 @!p0 $0x0  }
0x12: {  	s1 =	sld [smem:$0x3F96];
	s0 =	simm.s32 @p0 $0x1  }
0x13: {  	[smem:$0x3FB1] =	sst s0;
	s0 =	simm.s32 @!p1 $0x0  }
0x14: {  	s2 =	sld [smem:$0x3F95];
	s0 =	simm.s32 @p1 $0x1  }
0x15: {  	[smem:$0x3FB2] =	sst s0;
	s0 =	simm.s32 @!p2 $0x0  }
0x16: {  	s3 =	sld [smem:$0x3FDB];
	s0 =	simm.s32 @p2 $0x1  }
0x17: {  	s4 =	simm.s32 $0x1BF5;
	[smem:$0x3FB4] =	sst s0  }
0x18: {  	s0 =	sld [smem:$0x3F97];
	_ =	swait.ge [sflag:s4], $0x0  }
0x19: {  	s7 =	sld [smem:$0x3F98]  }
0x1a: {  	s8 =	sadd.s32 $0xFFFFE003, lr  }
0x1b: {  	s9 =	sadd.s32 $0xFFFFFEF7, lr;
	s5 =	simm.s32 $0xFFFFFFFF;
	p2 =	slt.u32 s8, $0xFFFFF086  }
0x1c: {  	p1 =	slt.u32 s9, $0xF7A;
	s5 =	simm.s32 @!p2 $0x0  }
0x1d: {  	s5 =	simm.s32 @p1 $0x1;
	p0 =	seq.s32 s7, s2  }
0x1e: {  	s7 =	smul.u32 @!p0 $0xF7A, s2;
	p2 =	seq.s32 @!p0 s5, $0x0  }
0x1f: {  	s9 =	smul.u32 $0xF7A, s1;
	s8 =	simm.s32 @!p0 $0x1BF5;
	p2 =	por !p2, p0  }
0x20: {  	[sflag:s8] =	ssyncset.s32 @!p0 $0xFFFFF086;
	s6 =	sadd.s32 @!p0 s3, s7;
	s7 =	simm.s32 @!p0 $0x108  }
0x21: {  	s3 =	sadd.s32 s3, s9;
	s6 =	sadd.s32 @!p0 $0x88, s6;
	s7 =	simm.s32 @p2 $0x1082  }
0x22: {  	[simem:s7], [sflag:s8] =	dma.local @!p0 [hbm:s6], $0xF7A  }
0x23: {  	s9 =	sor.u32 $0xD0000000, s2;
	s6 =	simm.s32 $0x108;
	_ =	swait.ge @!p0 [sflag:s8], $0x0  }
0x24: {  	s3 =	sadd.s32 $0x88, s3;
	s6 =	simm.s32 @!p1 $0x1082;
	[sflag:s4] =	ssyncset.s32 $0xFFFFF086  }
0x25: {  	[simem:s6], [sflag:s4] =	dma.local [hbm:s3], $0xF7A  }
0x26: {  	[smem:$0x3F98] =	sst s1;
	(tag) =	ssettag s2;
	_ =	strace s9  }
0x27: {  	s1 =	sld [smem:$0x3FA8]  }
0x28: {  	s2 =	sld [smem:$0x3FA9]  }
0x29: {  	s4 =	sld [smem:$0x3FAB]  }
0x2a: {  	p0 =	seq.s32 s5, $0x0;
	s5 =	sld [smem:$0x3FAC]  }
0x2b: {  	s6 =	sld [smem:$0x3FAD]  }
0x2c: {  	s7 =	sld [smem:$0x3FAE]  }
0x2d: {  	s3 =	simm.s32 $0x108;
	s8 =	sld [smem:$0x3FAF]  }
0x2e: {  	s3 =	simm.s32 @!p0 $0x1082;
	s9 =	sld [smem:$0x3FB0]  }
0x2f: {  	lr =	sadd.s32 s0, s3;
	s0 =	sld [smem:$0x3FA7]  }
0x30: {  	s3 =	sld [smem:$0x3FAA]  }
0x31: {  	[smem:$0x3FB3] =	sst s10  }
0x32: {  	s10 =	sld [smem:$0x3FB1];
	_ =	sdelay $0x3  }
0x33: {  	p0 =	seq.s32 s10, $0x1;
	s10 =	sld [smem:$0x3FB3];
	_ =	sdelay $0x3  }
0x34: {  	[smem:$0x3FB3] =	sst s10  }
0x35: {  	s10 =	sld [smem:$0x3FB2];
	_ =	sdelay $0x3  }
0x36: {  	p1 =	seq.s32 s10, $0x1;
	s10 =	sld [smem:$0x3FB3];
	_ =	sdelay $0x3  }
0x37: {  	[smem:$0x3FB3] =	sst s10  }
0x38: {  	s10 =	sld [smem:$0x3FB4]  }
0x39: {  	_ = 	snop;
	(pc) =	sbr.ind lr, $3  }
0x3a: {  	_ = 	snop  }
0x3b: {  	_ = 	snop  }
0x3c: {  	p2 =	seq.s32 s10, $0x1;
	s10 =	sld [smem:$0x3FB3]  }
0x3d: {  	_ =	shalt  }
0x3e: {  	_ =	shalt  }
0x3f: {  	_ =	shalt  }
0x40: {  	_ =	shalt  }
0x41: {  	_ =	shalt  }
0x42: {  	_ =	shalt  }
0x43: {  	_ =	shalt  }
0x44: {  	_ =	shalt  }
0x45: {  	_ =	shalt  }
0x46: {  	_ =	shalt  }
0x47: {  	_ =	shalt  }
0x48: {  	_ =	shalt  }
0x49: {  	_ =	shalt  }
0x4a: {  	_ =	shalt  }
0x4b: {  	_ =	shalt  }
0x4c: {  	_ =	shalt  }
0x4d: {  	_ =	shalt  }
0x4e: {  	_ =	shalt  }
0x4f: {  	_ =	shalt  }
0x50: {  	_ =	shalt  }
0x51: {  	_ =	shalt  }
0x52: {  	_ =	shalt  }
0x53: {  	_ =	shalt  }
0x54: {  	_ =	shalt  }
0x55: {  	_ =	shalt  }
0x56: {  	_ =	shalt  }
0x57: {  	_ =	shalt  }
0x58: {  	_ =	shalt  }
0x59: {  	_ =	shalt  }
0x5a: {  	_ =	shalt  }
0x5b: {  	_ =	shalt  }
0x5c: {  	_ =	shalt  }
0x5d: {  	_ =	shalt  }
0x5e: {  	_ =	shalt  }
0x5f: {  	_ =	shalt  }
0x60: {  	_ =	shalt  }
0x61: {  	_ =	shalt  }
0x62: {  	_ =	shalt  }
0x63: {  	_ =	shalt  }
0x64: {  	_ =	shalt  }
0x65: {  	_ =	shalt  }
0x66: {  	_ =	shalt  }
0x67: {  	_ =	shalt  }
0x68: {  	_ =	shalt  }
0x69: {  	_ =	shalt  }
0x6a: {  	_ =	shalt  }
0x6b: {  	_ =	shalt  }
0x6c: {  	_ =	shalt  }
0x6d: {  	_ =	shalt  }
0x6e: {  	_ =	shalt  }
0x6f: {  	_ =	shalt  }
0x70: {  	_ =	shalt  }
0x71: {  	_ =	shalt  }
0x72: {  	_ =	shalt  }
0x73: {  	_ =	shalt  }
0x74: {  	_ =	shalt  }
0x75: {  	_ =	shalt  }
0x76: {  	_ =	shalt  }
0x77: {  	_ =	shalt  }
0x78: {  	_ =	shalt  }
0x79: {  	_ =	shalt  }
0x7a: {  	_ =	shalt  }
0x7b: {  	_ =	shalt  }
0x7c: {  	_ =	shalt  }
0x7d: {  	_ =	shalt  }
0x7e: {  	_ =	shalt  }
0x7f: {  	_ =	shalt  }
0x80: {  	_ =	shalt  }
0x81: {  	_ =	shalt  }
0x82: {  	_ =	shalt  }
0x83: {  	_ =	shalt  }
0x84: {  	_ =	shalt  }
0x85: {  	_ =	shalt  }
0x86: {  	_ =	shalt  }
0x87: {  	_ =	shalt  }
.Lfunc_end0:
.L_simem_size_0:
called_computation_lowered:
.L_overlay_start_0:
0x88: {  	s2 =	sld [smem:$0x3FD9]  }
0x89: {  	s3 =	sld [smem:$0x3FFE];
	_ =	sdelay $0x1  }
0x8a: {  	s1 =	srdreg.scid  }
0x8b: {  	s0 =	sand.u32 $0x1, s1  }
0x8c: {  	s17 =	sshll.u32 s0, $0xA;
	s2 =	sadd.s32 s3, s2  }
0x8d: {  	s2 =	sadd.s32 s2, s17  }
0x8e: {  	[smem:$0x3FBF] =	sst s2  }
0x8f: {  	_ = 	snop  }
0x90: {  	s2 =	sld [smem:$0x3FD0];
	(tm) =	ssettm $0x1  }
0x91: {  	s18 =	sld [smem:$0x3FFB];
	_ =	sdelay $0x3  }
0x92: {  	_ =	strace s18  }
0x93: {  	s3 =	sld [smem:$0x3FFC];
	_ =	sdelay $0x3  }
0x94: {  	_ =	strace s3  }
0x95: {  	s3 =	sld [smem:$0x3FFD];
	_ =	sdelay $0x3  }
0x96: {  	_ =	strace s3  }
0x97: {  	_ =	strace $0x8FFFFFFF  }
0x98: {  	s19 =	sld [smem:$0x3FDB];
	_ =	sdelay $0x1  }
0x99: {  	s4 =	simm.s32 $_scs_section_size  }
0x9a: {  	s5 =	simm.s32 $_size__tile_overlayer_lowered;
	s6 =	simm.s32 $_tile_overlayer_lowered  }
0x9b: {  	s22 =	simm.s32 $0x1BFF;
	s21 =	sshll.u32 s6, $0x1;
	s3 =	sadd.s32 s4, s19  }
0x9c: {  	s7 =	simm.s32 $0x0;
	s20 =	sshll.u32 s5, $0x1;
	s5 =	sadd.s32 s21, s3  }
0x9d: {  	[timem:s7], [sflag:s22] =	dma.local [hbm:s5], s20  }
0x9e: {  	_ =	swait.ge [sflag:s22], s20  }
0x9f: {  	s4 =	ssub.s32 $0x0, s20;
	[sflag:s22] =	ssyncset.done $0x0  }
0xa0: {  	[sflag:s22] =	ssyncadd.s32 s4;
	_ =	sdelay $0x1  }
0xa1: {  	s23 =	simm.s32 $0x1B8B  }
0xa2: {  	_ =	swait.ge [sflag:s23], $0x1  }
0xa3: {  	[sflag:s23] =	ssyncset.done $0x0  }
0xa4: {  	s25 =	simm.s32 $0x1B8E;
	s24 =	sld [smem:$0x3FFE];
	[sflag:s23] =	ssyncadd.s32 $0xFFFFFFFF  }
0xa5: {  	s26 =	simm.s32 $execute0_lowered;
	[smem:$0x3FD2] =	sst s25  }
0xa6: {  	s5 =	sshll.u32 s26, $0x1;
	_ =	strace $0x80000046;
	[dreg:$0x1] =	wrdreg $0xFFFFFFFF  }
0xa7: {  	s28 =	simm.s32 $_size_execute0_lowered;
	s3 =	sadd.s32 s3, s5;
	[dreg:$0x0] =	wrdreg $0x0  }
0xa8: {  	s5 =	sshll.u32 s28, $0x1;
	[dreg:$0x2] =	wrdreg s3  }
0xa9: {  	[dreg:$0x3] =	wrdreg s5  }
0xaa: {  	[dreg:$0x4] =	wrdreg $0xC0  }
0xab: {  	_ =	task [dreg:s7], $0x5FFFF  }
0xac: {  	[dreg:$0x1] =	wrdreg $0xFFFFFFFF  }
0xad: {  	[dreg:$0x0] =	wrdreg $0x60  }
0xae: {  	[dreg:$0x2] =	wrdreg s24  }
0xaf: {  	[dreg:$0x3] =	wrdreg s2  }
0xb0: {  	[dreg:$0x4] =	wrdreg $0x15A000  }
0xb1: {  	[dreg:$0x5] =	wrdreg $0x9  }
0xb2: {  	_ =	task.clear_ibuf [dreg:s7], $0x6FFFF;
	_ =	strace $0x90000046  }
0xb3: {  	s29 =	simm.s32 $0x9;
	_ =	strace $0x80000048  }
0xb4: {  	_ =	swait.ge [sflag:s29], $0x1  }
0xb5: {  	[sflag:s29] =	ssyncadd.s32 $0xFFFFFFFF  }
0xb6: {  	_ =	strace $0x90000048  }
0xb7: {  	_ =	sfence  }
0xb8: {  	s30 =	sld [smem:$0x0];
	_ =	sdelay $0x2  }
0xb9: {  	s31 =	sshll.u32 s1, $0xD;
	s1 =	sshrl.u32 s1, $0x2  }
0xba: {  	s3 =	sand.u32 $0x4000, s31;
	s1 =	sadd.s32 s1, s30  }
0xbb: {  	s0 =	sor.u32 s3, s0;
	s1 =	sshll.u32 s1, $0x11  }
0xbc: {  	s0 =	sor.u32 s1, s0  }
0xbd: {  	s0 =	sadd.s32 $0x8F2B, s0  }
0xbe: {  	[sflag:s0] =	ssyncadd.remote.s32 $0x1  }
0xbf: {  	_ =	sfence.sel $0xFFFF  }
0xc0: {  	[dreg:$0x0] =	wrdreg $0xFFFFFFFF;
	(pc) =	sbr.abs _section_cstart, $3  }
0xc1: {  	[dreg:$0x1] =	wrdreg $0xFFFFFFFF  }
0xc2: {  	_ =	task.clear_ibuf [dreg:s7], $0x2FFFF;
	_ =	strace $0x9FFFFFFF  }
0xc3: {  	(tm) =	ssettm $0x7FFFFFFF  }
tec
execute0_lowered:
.L_overlay_start_1:
0x0: {  	(tag) =	ssettag $0x1  }
0x1: {  	s0 =	srdreg.scid  }
0x2: {  	s9 =	stileid.u32;
	s1 =	rddreg [dreg:$0x0]  }
0x3: {  	s0 =	sand.u32 $0x1, s0;
	s3 =	sshll.u32 s9, $0x1;
	s7 =	smul.u32 $0xA000, s9  }
0x4: {  	s2 =	rddreg [dreg:$0x1];
	s9 =	smul.u32 $0x28000, s9;
	s4 =	sor.u32 s0, s3  }
0x5: {  	s3 =	rddreg [dreg:$0x2];
	s6 =	smul.u32 $0xA0000, s0;
	s0 =	ssub.s32 $0x2, s0  }
0x6: {  	s5 =	smul.u32 $0x500, s4;
	s4 =	simm.s32 $0x0;
	s10 =	sshrl.u32 s0, $0x1  }
0x7: {  	s16 =	sshrl.u32 s9, $0x2;
	[smem:$0x7FF] =	sst s4;
	s6 =	sadd.s32 s7, s6  }
0x8: {  	s0 =	ssub.s32 s0, s10;
	s7 =	sadd.s32 s7, s3;
	_ =	strace $0x80000047  }
0x9: {  	s8 =	sadd.s32 s5, s1;
	[dreg:$0x9] =	wrdreg s7;
	s0 =	smax.u32 s0, $0x1  }
0xa: {  	s5 =	sadd.s32 $0x16C00, s1;
	s17 =	sadd.s32 $0x2C00, s8;
	[dreg:$0xb] =	wrdreg s0  }
0xb: {  	s6 =	sshrl.u32 s6, $0x3;
	s8 =	sadd.s32 $0xCC00, s8;
	[dreg:$0x5] =	wrdreg s17  }
0xc: {  	s1 =	sadd.s32 s6, s1;
	s6 =	sadd.s32 s16, s3;
	[dreg:$0x6] =	wrdreg s8  }
0xd: {  	s18 =	sadd.s32 $0x2A600, s1;
	[dreg:$0x7] =	wrdreg s6  }
0xe: {  	s30 =	simm.s32 $0x8E80;
	s1 =	sadd.s32 $0x52600, s1;
	[dreg:$0x8] =	wrdreg s18  }
0xf: {  	s11 =	simm.s32 $0x12AC0;
	s19 =	sadd.s32 $0x1000, s6;
	[dreg:$0xa] =	wrdreg s1  }
0x10: {  	s29 =	simm.s32 $0x4;
	s20 =	sadd.s32 $0x2000, s6;
	[dreg:$0xc] =	wrdreg s19  }
0x11: {  	s12 =	simm.s32 $0x6;
	s21 =	sadd.s32 $0x3000, s6;
	[dreg:$0xd] =	wrdreg s20  }
0x12: {  	s31 =	simm.s32 $0x8;
	s22 =	sadd.s32 $0x4000, s6;
	[dreg:$0xe] =	wrdreg s21  }
0x13: {  	s9 =	simm.s32 $0x2;
	s23 =	sadd.s32 $0x5000, s6;
	[dreg:$0xf] =	wrdreg s22  }
0x14: {  	s10 =	simm.s32 $0x3;
	s24 =	sadd.s32 $0x6000, s6;
	[dreg:$0x10] =	wrdreg s23  }
0x15: {  	s7 =	simm.s32 $0xEC40;
	s25 =	sadd.s32 $0x7000, s6;
	[dreg:$0x11] =	wrdreg s24  }
0x16: {  	s0 =	simm.s32 $0xCD00;
	s26 =	sadd.s32 $0x8000, s6;
	[dreg:$0x12] =	wrdreg s25  }
0x17: {  	s28 =	sadd.s32 $0x9000, s6;
	s6 =	simm.s32 $0x1;
	[dreg:$0x13] =	wrdreg s26  }
0x18: {  	[dreg:$0x14] =	wrdreg s28;
	s24 =	simm.s32 $0x7D;
	s19 =	simm.s32 $0x5000  }
0x19: {  	v0 =	vimm.f32 $0.0e+00;
	s20 =	simm.s32 $0x6F40;
	s1 =	simm.s32 $0xADC0;
	s26 =	simm.s32 $0x10B80  }
.LBB2_1:
0x1a: {  	[dreg:$0x4] =	wrdreg s4;
	s13 =	simm.s32 $0x100;
	s8 =	simm.s32 $0x0  }
.LBB2_2:
0x1b: {  	p0 =	sne.s32 s13, $0x3F00;
	[tilespmem:s8+$0x14A30] =	vst v0;
	s14 =	smov.u32 s13;
	s13 =	sadd.s32 $0x100, s13  }
.Ltmp0:
0x1c: {  	[tilespmem:s8+$0x14A20] =	vst v0;
	(pc) =	sbr.rel @p0 .LBB2_2-.Ltmp0, $3  }
0x1d: {  	[tilespmem:s8+$0x14A00] =	vst v0  }
0x1e: {  	[tilespmem:s8+$0x14A10] =	vst v0;
	_ =	sdelay $0x1  }
0x1f: {  	s8 =	sshra.s32 s14, $0x2  }
0x20: {  	[tilespmem:s8+$0x14A30] =	vst v0  }
0x21: {  	[tilespmem:s8+$0x14A20] =	vst v0  }
0x22: {  	[tilespmem:s8+$0x14A00] =	vst v0  }
0x23: {  	[tilespmem:s8+$0x14A10] =	vst v0;
	s22 =	simm.s32 $0x0;
	s4 =	rddreg [dreg:$0x5];
	s13 =	simm.s32 $0x11  }
0x24: {  	[tilespmem:s22], [sflag:$0x11] =	stream.linear.gather [hbm4b:s4+s22], $0x2800, $0x38;
	[tilespmem:$0x1FA00] =	vst v63  }
0x25: {  	_ =	swait.ge [sflag:s13], $0x2800  }
0x26: {  	[sflag:s13] =	ssyncset.done $0x0  }
0x27: {  	s14 =	simm.s32 $0x2800;
	s23 =	rddreg [dreg:$0x6];
	[sflag:s13] =	ssyncadd.s32 $0xFFFFD800  }
0x28: {  	[tilespmem:s14], [sflag:$0x11] =	stream.linear.gather [hbm4b:s23+s22], $0x2800, $0x38;
	[tilespmem:$0x1FA00] =	vst v63  }
0x29: {  	_ =	swait.ge [sflag:s13], $0x2800  }
0x2a: {  	[sflag:s13] =	ssyncset.done $0x0  }
0x2b: {  	[sflag:s13] =	ssyncadd.s32 $0xFFFFD800  }
0x2c: {  	[tilespmem:s19], [sflag:$0x1] =	stream.indirect.gather [hbm4b:s2+s24], $0x40, s22, s24, $0xb8;
	[tilespmem:$0x1FA00] =	vst v63  }
0x2d: {  	s25 =	simm.s32 $0x80  }
0x2e: {  	[tilespmem:s20], [sflag:$0x2] =	stream.indirect.gather [hbm4b:s2+s24], $0x40, s25, s24, $0xb8;
	[tilespmem:$0x1FA00] =	vst v63  }
0x2f: {  	s28 =	simm.s32 $0x100  }
0x30: {  	[tilespmem:s30], [sflag:$0x3] =	stream.indirect.gather [hbm4b:s2+s24], $0x40, s28, s24, $0xb8;
	[tilespmem:$0x1FA00] =	vst v63  }
0x31: {  	s8 =	simm.s32 $0x180  }
0x32: {  	[tilespmem:s1], [sflag:$0x4] =	stream.indirect.gather [hbm4b:s2+s24], $0x40, s8, s24, $0xb8;
	[tilespmem:$0x1FA00] =	vst v63  }
0x33: {  	s15 =	simm.s32 $0x14A00;
	s14 =	rddreg [dreg:$0x7]  }
0x34: {  	[spmem:s14] =	stream.linear.scatter [tilespmem:s15], [sflag:$0x11], $0x1000, $0x38;
	[tilespmem:$0x1FA00] =	vst v63  }
0x35: {  	_ =	swait.ge [sflag:s13], $0x1000  }
0x36: {  	[sflag:s13] =	ssyncset.done $0x0  }
0x37: {  	s16 =	rddreg [dreg:$0xc];
	[sflag:s13] =	ssyncadd.s32 $0xFFFFF000  }
0x38: {  	[spmem:s16] =	stream.linear.scatter [tilespmem:s15], [sflag:$0x11], $0x1000, $0x38;
	[tilespmem:$0x1FA00] =	vst v63  }
0x39: {  	_ =	swait.ge [sflag:s13], $0x1000  }
0x3a: {  	[sflag:s13] =	ssyncset.done $0x0  }
0x3b: {  	s17 =	rddreg [dreg:$0xd];
	[sflag:s13] =	ssyncadd.s32 $0xFFFFF000  }
0x3c: {  	[spmem:s17] =	stream.linear.scatter [tilespmem:s15], [sflag:$0x11], $0x1000, $0x38;
	[tilespmem:$0x1FA00] =	vst v63  }
0x3d: {  	_ =	swait.ge [sflag:s13], $0x1000  }
0x3e: {  	[sflag:s13] =	ssyncset.done $0x0  }
0x3f: {  	s18 =	rddreg [dreg:$0xe];
	[sflag:s13] =	ssyncadd.s32 $0xFFFFF000  }
0x40: {  	[spmem:s18] =	stream.linear.scatter [tilespmem:s15], [sflag:$0x11], $0x1000, $0x38;
	[tilespmem:$0x1FA00] =	vst v63  }
0x41: {  	_ =	swait.ge [sflag:s13], $0x1000  }
0x42: {  	[sflag:s13] =	ssyncset.done $0x0  }
0x43: {  	s21 =	rddreg [dreg:$0xf];
	[sflag:s13] =	ssyncadd.s32 $0xFFFFF000  }
0x44: {  	[spmem:s21] =	stream.linear.scatter [tilespmem:s15], [sflag:$0x11], $0x1000, $0x38;
	[tilespmem:$0x1FA00] =	vst v63  }
0x45: {  	_ =	swait.ge [sflag:s13], $0x1000  }
0x46: {  	[sflag:s13] =	ssyncset.done $0x0  }
0x47: {  	s22 =	rddreg [dreg:$0x10];
	[sflag:s13] =	ssyncadd.s32 $0xFFFFF000  }
0x48: {  	[spmem:s22] =	stream.linear.scatter [tilespmem:s15], [sflag:$0x11], $0x1000, $0x38;
	[tilespmem:$0x1FA00] =	vst v63  }
0x49: {  	_ =	swait.ge [sflag:s13], $0x1000  }
0x4a: {  	[sflag:s13] =	ssyncset.done $0x0  }
0x4b: {  	s23 =	rddreg [dreg:$0x11];
	[sflag:s13] =	ssyncadd.s32 $0xFFFFF000  }
0x4c: {  	[spmem:s23] =	stream.linear.scatter [tilespmem:s15], [sflag:$0x11], $0x1000, $0x38;
	[tilespmem:$0x1FA00] =	vst v63  }
0x4d: {  	_ =	swait.ge [sflag:s13], $0x1000  }
0x4e: {  	[sflag:s13] =	ssyncset.done $0x0  }
0x4f: {  	s25 =	rddreg [dreg:$0x12];
	[sflag:s13] =	ssyncadd.s32 $0xFFFFF000  }
0x50: {  	[spmem:s25] =	stream.linear.scatter [tilespmem:s15], [sflag:$0x11], $0x1000, $0x38;
	[tilespmem:$0x1FA00] =	vst v63  }
0x51: {  	_ =	swait.ge [sflag:s13], $0x1000  }
0x52: {  	[sflag:s13] =	ssyncset.done $0x0  }
0x53: {  	s28 =	rddreg [dreg:$0x13];
	[sflag:s13] =	ssyncadd.s32 $0xFFFFF000  }
0x54: {  	[spmem:s28] =	stream.linear.scatter [tilespmem:s15], [sflag:$0x11], $0x1000, $0x38;
	[tilespmem:$0x1FA00] =	vst v63  }
0x55: {  	_ =	swait.ge [sflag:s13], $0x1000  }
0x56: {  	[sflag:s13] =	ssyncset.done $0x0  }
0x57: {  	s14 =	rddreg [dreg:$0x14];
	[sflag:s13] =	ssyncadd.s32 $0xFFFFF000  }
0x58: {  	[spmem:s14] =	stream.linear.scatter [tilespmem:s15], [sflag:$0x11], $0x1000, $0x38;
	[tilespmem:$0x1FA00] =	vst v63  }
0x59: {  	_ =	swait.ge [sflag:s13], $0x1000  }
0x5a: {  	[sflag:s13] =	ssyncset.done $0x0  }
0x5b: {  	p0 =	por $0x1, $0x1;
	[sflag:s13] =	ssyncadd.s32 $0xFFFFF000  }
0x5c: {  	s8 =	simm.s32 @!p0 $0xD;
	[bflag:$0x0] =	sbarrier.arrive $0xFFFF  }
0x5d: {  	_ =	swait.ge @!p0 [sflag:s8], $0x1F40  }
0x5e: {  	[sflag:s8] =	ssyncset.done @!p0 $0x0  }
0x5f: {  	s15 =	simm.s32 $0x200;
	[sflag:s8] =	ssyncadd.s32 @!p0 $0xFFFFE0C0  }
0x60: {  	[tilespmem:s0], [sflag:$0x5] =	stream.indirect.gather [hbm4b:s2+s24], $0x40, s15, s24, $0xb8;
	[tilespmem:$0x1FA00] =	vst v63  }
0x61: {  	_ =	swait.ge [sflag:s6], $0x1F40  }
0x62: {  	[sflag:s6] =	ssyncset.done $0x0  }
0x63: {  	s16 =	simm.s32 $0x2800;
	s13 =	simm.s32 @!p0 $0xE;
	[sflag:s6] =	ssyncadd.s32 $0xFFFFE0C0  }
0x64: {  	[spmem:s3] =	stream.indirect.scatter.add.f32 [tilespmem:s19], [sflag:$0x9], $0x40, s16, s24, $0xb8;
	[tilespmem:$0x1FA00] =	vst v63  }
0x65: {  	_ =	swait.ge @!p0 [sflag:s13], $0x1F40  }
0x66: {  	[sflag:s13] =	ssyncset.done @!p0 $0x0  }
0x67: {  	s17 =	simm.s32 $0x280;
	[sflag:s13] =	ssyncadd.s32 @!p0 $0xFFFFE0C0  }
0x68: {  	[tilespmem:s7], [sflag:$0x6] =	stream.indirect.gather [hbm4b:s2+s24], $0x40, s17, s24, $0xb8;
	[tilespmem:$0x1FA00] =	vst v63  }
0x69: {  	_ =	swait.ge [sflag:s9], $0x1F40  }
0x6a: {  	[sflag:s9] =	ssyncset.done $0x0  }
0x6b: {  	s18 =	simm.s32 $0x2880;
	s13 =	simm.s32 @!p0 $0xF;
	[sflag:s9] =	ssyncadd.s32 $0xFFFFE0C0  }
0x6c: {  	[spmem:s3] =	stream.indirect.scatter.add.f32 [tilespmem:s20], [sflag:$0xA], $0x40, s18, s24, $0xb8;
	[tilespmem:$0x1FA00] =	vst v63  }
0x6d: {  	_ =	swait.ge @!p0 [sflag:s13], $0x1F40  }
0x6e: {  	[sflag:s13] =	ssyncset.done @!p0 $0x0  }
0x6f: {  	s21 =	simm.s32 $0x300;
	[sflag:s13] =	ssyncadd.s32 @!p0 $0xFFFFE0C0  }
0x70: {  	[tilespmem:s26], [sflag:$0x7] =	stream.indirect.gather [hbm4b:s2+s24], $0x40, s21, s24, $0xb8;
	[tilespmem:$0x1FA00] =	vst v63  }
0x71: {  	_ =	swait.ge [sflag:s10], $0x1F40  }
0x72: {  	[sflag:s10] =	ssyncset.done $0x0  }
0x73: {  	s22 =	simm.s32 $0x2900;
	s13 =	simm.s32 @!p0 $0x10;
	[sflag:s10] =	ssyncadd.s32 $0xFFFFE0C0  }
0x74: {  	[spmem:s3] =	stream.indirect.scatter.add.f32 [tilespmem:s30], [sflag:$0xB], $0x40, s22, s24, $0xb8;
	[tilespmem:$0x1FA00] =	vst v63  }
0x75: {  	_ =	swait.ge @!p0 [sflag:s13], $0x1F40  }
0x76: {  	[sflag:s13] =	ssyncset.done @!p0 $0x0  }
0x77: {  	s23 =	simm.s32 $0x380;
	[sflag:s13] =	ssyncadd.s32 @!p0 $0xFFFFE0C0  }
0x78: {  	[tilespmem:s11], [sflag:$0x8] =	stream.indirect.gather [hbm4b:s2+s24], $0x40, s23, s24, $0xb8;
	[tilespmem:$0x1FA00] =	vst v63  }
0x79: {  	_ =	swait.ge [sflag:s29], $0x1F40  }
0x7a: {  	p0 =	por $0x0, $0x0;
	[sflag:s29] =	ssyncset.done $0x0  }
0x7b: {  	s25 =	simm.s32 $0x2980;
	s13 =	simm.s32 @p0 $0x5;
	[sflag:s29] =	ssyncadd.s32 $0xFFFFE0C0  }
0x7c: {  	[spmem:s3] =	stream.indirect.scatter.add.f32 [tilespmem:s1], [sflag:$0xC], $0x40, s25, s24, $0xb8;
	[tilespmem:$0x1FA00] =	vst v63  }
0x7d: {  	_ =	swait.ge @p0 [sflag:s13], $0x1F40  }
0x7e: {  	s8 =	simm.s32 @p0 $0x2A00;
	s14 =	simm.s32 @p0 $0x7D;
	[sflag:s13] =	ssyncset.done @p0 $0x0  }
0x7f: {  	s15 =	simm.s32 @p0 $0xCD00;
	[sflag:s13] =	ssyncadd.s32 @p0 $0xFFFFE0C0;
	s13 =	simm.s32 @!p0 $0x9  }
0x80: {  	[spmem:s3] =	stream.indirect.scatter.add.f32 @p0 [tilespmem:s15], [sflag:$0xD], $0x40, s8, s14, $0xb8;
	[tilespmem:$0x1FA00] =	vst v63  }
0x81: {  	_ =	swait.ge @!p0 [sflag:s13], $0x1F40  }
0x82: {  	s8 =	simm.s32 @!p0 $0x400;
	[sflag:s13] =	ssyncset.done @!p0 $0x0  }
0x83: {  	s15 =	simm.s32 @!p0 $0x7D;
	[sflag:s13] =	ssyncadd.s32 @!p0 $0xFFFFE0C0;
	s13 =	simm.s32 @!p0 $0x5000  }
0x84: {  	[tilespmem:s13], [sflag:$0x1] =	stream.indirect.gather @!p0 [hbm4b:s2+s15], $0x40, s8, s15, $0xb8;
	[tilespmem:$0x1FA00] =	vst v63  }
0x85: {  	s8 =	simm.s32 @!p0 $0x5  }
0x86: {  	_ =	swait.ge @!p0 [sflag:s8], $0x1F40  }
0x87: {  	[sflag:s8] =	ssyncset.done @!p0 $0x0  }
0x88: {  	s13 =	simm.s32 @!p0 $0x2A00;
	[sflag:s8] =	ssyncadd.s32 @!p0 $0xFFFFE0C0;
	s8 =	simm.s32 @!p0 $0xCD00  }
0x89: {  	[spmem:s3] =	stream.indirect.scatter.add.f32 @!p0 [tilespmem:s8], [sflag:$0xD], $0x40, s13, s15, $0xb8;
	[tilespmem:$0x1FA00] =	vst v63  }
0x8a: {  	s8 =	simm.s32 @!p0 $0xA  }
0x8b: {  	_ =	swait.ge @!p0 [sflag:s8], $0x1F40  }
0x8c: {  	[sflag:s8] =	ssyncset.done @!p0 $0x0  }
0x8d: {  	s13 =	simm.s32 @!p0 $0x480;
	[sflag:s8] =	ssyncadd.s32 @!p0 $0xFFFFE0C0;
	s8 =	simm.s32 @!p0 $0x6F40  }
0x8e: {  	[tilespmem:s8], [sflag:$0x2] =	stream.indirect.gather @!p0 [hbm4b:s2+s15], $0x40, s13, s15, $0xb8;
	[tilespmem:$0x1FA00] =	vst v63  }
0x8f: {  	_ =	swait.ge [sflag:s12], $0x1F40  }
0x90: {  	[sflag:s12] =	ssyncset.done $0x0  }
0x91: {  	s28 =	simm.s32 $0x2A80;
	s13 =	simm.s32 @p0 $0x7;
	[sflag:s12] =	ssyncadd.s32 $0xFFFFE0C0  }
0x92: {  	[spmem:s3] =	stream.indirect.scatter.add.f32 [tilespmem:s7], [sflag:$0xE], $0x40, s28, s24, $0xb8;
	[tilespmem:$0x1FA00] =	vst v63  }
0x93: {  	_ =	swait.ge @p0 [sflag:s13], $0x1F40  }
0x94: {  	[sflag:s13] =	ssyncset.done @p0 $0x0  }
0x95: {  	s8 =	simm.s32 @p0 $0x2B00;
	[sflag:s13] =	ssyncadd.s32 @p0 $0xFFFFE0C0;
	s13 =	simm.s32 @p0 $0x10B80  }
0x96: {  	[spmem:s3] =	stream.indirect.scatter.add.f32 @p0 [tilespmem:s13], [sflag:$0xF], $0x40, s8, s14, $0xb8;
	[tilespmem:$0x1FA00] =	vst v63  }
0x97: {  	s8 =	simm.s32 @!p0 $0xB  }
0x98: {  	_ =	swait.ge @!p0 [sflag:s8], $0x1F40  }
0x99: {  	[sflag:s8] =	ssyncset.done @!p0 $0x0  }
0x9a: {  	s13 =	simm.s32 @!p0 $0x500;
	[sflag:s8] =	ssyncadd.s32 @!p0 $0xFFFFE0C0;
	s8 =	simm.s32 @!p0 $0x8E80  }
0x9b: {  	[tilespmem:s8], [sflag:$0x3] =	stream.indirect.gather @!p0 [hbm4b:s2+s15], $0x40, s13, s15, $0xb8;
	[tilespmem:$0x1FA00] =	vst v63  }
0x9c: {  	s8 =	simm.s32 @!p0 $0x7  }
0x9d: {  	_ =	swait.ge @!p0 [sflag:s8], $0x1F40  }
0x9e: {  	[sflag:s8] =	ssyncset.done @!p0 $0x0  }
0x9f: {  	s13 =	simm.s32 @!p0 $0x2B00;
	[sflag:s8] =	ssyncadd.s32 @!p0 $0xFFFFE0C0;
	s8 =	simm.s32 @!p0 $0x10B80  }
0xa0: {  	[spmem:s3] =	stream.indirect.scatter.add.f32 @!p0 [tilespmem:s8], [sflag:$0xF], $0x40, s13, s15, $0xb8;
	[tilespmem:$0x1FA00] =	vst v63  }
0xa1: {  	s8 =	simm.s32 @!p0 $0xC  }
0xa2: {  	_ =	swait.ge @!p0 [sflag:s8], $0x1F40  }
0xa3: {  	p1 =	por $0x0, $0x0;
	s14 =	simm.s32 $0x2B80;
	[sflag:s8] =	ssyncset.done @!p0 $0x0  }
0xa4: {  	s13 =	simm.s32 @!p0 $0x580;
	[sflag:s8] =	ssyncadd.s32 @!p0 $0xFFFFE0C0;
	s8 =	simm.s32 @!p0 $0xADC0  }
0xa5: {  	[tilespmem:s8], [sflag:$0x4] =	stream.indirect.gather @!p0 [hbm4b:s2+s15], $0x40, s13, s15, $0xb8;
	[tilespmem:$0x1FA00] =	vst v63  }
0xa6: {  	s8 =	simm.s32 $0x1000;
	s13 =	simm.s32 $0x2000;
	_ =	swait.ge [sflag:s31], $0x1F40  }
.LBB2_4:
0xa7: {  	s17 =	simm.s32 @!p1 $0xD  }
0xa8: {  	[sflag:s31] =	ssyncset.done $0x0;
	s16 =	smov.u32 s13;
	s13 =	sadd.s32 $0x1000, s13  }
0xa9: {  	p0 =	sne.s32 s13, $0xA000;
	[sflag:s31] =	ssyncadd.s32 $0xFFFFE0C0  }
0xaa: {  	[spmem:s3] =	stream.indirect.scatter.add.f32 [tilespmem:s11], [sflag:$0x10], $0x40, s14, s24, $0xb8;
	[tilespmem:$0x1FA00] =	vst v63  }
0xab: {  	s15 =	sshra.s32 s8, $0x2;
	_ =	swait.ge @!p1 [sflag:s17], $0x1F40  }
0xac: {  	s18 =	sadd.s32 $0x200, s15;
	s14 =	sadd.s32 $0x2B80, s15;
	[sflag:s17] =	ssyncset.done @!p1 $0x0  }
0xad: {  	[sflag:s17] =	ssyncadd.s32 @!p1 $0xFFFFE0C0  }
0xae: {  	[tilespmem:s0], [sflag:$0x5] =	stream.indirect.gather [hbm4b:s2+s24], $0x40, s18, s24, $0xb8;
	[tilespmem:$0x1FA00] =	vst v63  }
0xaf: {  	_ =	swait.ge [sflag:s6], $0x1F40  }
0xb0: {  	s17 =	sadd.s32 $0x2800, s15;
	s18 =	simm.s32 @!p1 $0xE;
	[sflag:s6] =	ssyncset.done $0x0  }
0xb1: {  	[sflag:s6] =	ssyncadd.s32 $0xFFFFE0C0  }
0xb2: {  	[spmem:s3] =	stream.indirect.scatter.add.f32 [tilespmem:s19], [sflag:$0x9], $0x40, s17, s24, $0xb8;
	[tilespmem:$0x1FA00] =	vst v63  }
0xb3: {  	_ =	swait.ge @!p1 [sflag:s18], $0x1F40  }
0xb4: {  	s17 =	sadd.s32 $0x280, s15;
	[sflag:s18] =	ssyncset.done @!p1 $0x0  }
0xb5: {  	[sflag:s18] =	ssyncadd.s32 @!p1 $0xFFFFE0C0  }
0xb6: {  	[tilespmem:s7], [sflag:$0x6] =	stream.indirect.gather [hbm4b:s2+s24], $0x40, s17, s24, $0xb8;
	[tilespmem:$0x1FA00] =	vst v63  }
0xb7: {  	_ =	swait.ge [sflag:s9], $0x1F40  }
0xb8: {  	s18 =	simm.s32 @!p1 $0xF;
	s17 =	sadd.s32 $0x2880, s15;
	[sflag:s9] =	ssyncset.done $0x0  }
0xb9: {  	[sflag:s9] =	ssyncadd.s32 $0xFFFFE0C0  }
0xba: {  	[spmem:s3] =	stream.indirect.scatter.add.f32 [tilespmem:s20], [sflag:$0xA], $0x40, s17, s24, $0xb8;
	[tilespmem:$0x1FA00] =	vst v63  }
0xbb: {  	_ =	swait.ge @!p1 [sflag:s18], $0x1F40  }
0xbc: {  	s17 =	sadd.s32 $0x300, s15;
	[sflag:s18] =	ssyncset.done @!p1 $0x0  }
0xbd: {  	[sflag:s18] =	ssyncadd.s32 @!p1 $0xFFFFE0C0  }
0xbe: {  	[tilespmem:s26], [sflag:$0x7] =	stream.indirect.gather [hbm4b:s2+s24], $0x40, s17, s24, $0xb8;
	[tilespmem:$0x1FA00] =	vst v63  }
0xbf: {  	_ =	swait.ge [sflag:s10], $0x1F40  }
0xc0: {  	s18 =	simm.s32 @!p1 $0x10;
	s17 =	sadd.s32 $0x2900, s15;
	[sflag:s10] =	ssyncset.done $0x0  }
0xc1: {  	[sflag:s10] =	ssyncadd.s32 $0xFFFFE0C0  }
0xc2: {  	[spmem:s3] =	stream.indirect.scatter.add.f32 [tilespmem:s30], [sflag:$0xB], $0x40, s17, s24, $0xb8;
	[tilespmem:$0x1FA00] =	vst v63  }
0xc3: {  	_ =	swait.ge @!p1 [sflag:s18], $0x1F40  }
0xc4: {  	s17 =	sadd.s32 $0x380, s15;
	[sflag:s18] =	ssyncset.done @!p1 $0x0  }
0xc5: {  	[sflag:s18] =	ssyncadd.s32 @!p1 $0xFFFFE0C0  }
0xc6: {  	[tilespmem:s11], [sflag:$0x8] =	stream.indirect.gather [hbm4b:s2+s24], $0x40, s17, s24, $0xb8;
	[tilespmem:$0x1FA00] =	vst v63  }
0xc7: {  	_ =	swait.ge [sflag:s29], $0x1F40  }
0xc8: {  	p1 =	seq.s32 s8, $0x9000;
	s17 =	sadd.s32 $0x2980, s15;
	[sflag:s29] =	ssyncset.done $0x0  }
0xc9: {  	s19 =	simm.s32 @p1 $0x5;
	s20 =	sshra.s32 @p1 s8, $0x2;
	[sflag:s29] =	ssyncadd.s32 $0xFFFFE0C0  }
0xca: {  	[spmem:s3] =	stream.indirect.scatter.add.f32 [tilespmem:s1], [sflag:$0xC], $0x40, s17, s24, $0xb8;
	[tilespmem:$0x1FA00] =	vst v63  }
0xcb: {  	s8 =	sshra.s32 @!p1 s8, $0x2;
	s17 =	sadd.s32 @p1 $0x2A00, s20;
	_ =	swait.ge @p1 [sflag:s19], $0x1F40  }
0xcc: {  	s18 =	simm.s32 @p1 $0x7D;
	s21 =	simm.s32 @p1 $0xCD00;
	[sflag:s19] =	ssyncset.done @p1 $0x0  }
0xcd: {  	s4 =	sadd.s32 @!p1 $0x400, s8;
	[sflag:s19] =	ssyncadd.s32 @p1 $0xFFFFE0C0;
	s19 =	simm.s32 @!p1 $0x9  }
0xce: {  	[spmem:s3] =	stream.indirect.scatter.add.f32 @p1 [tilespmem:s21], [sflag:$0xD], $0x40, s17, s18, $0xb8;
	[tilespmem:$0x1FA00] =	vst v63  }
0xcf: {  	s23 =	sadd.s32 @!p1 $0x2A00, s8;
	s22 =	sadd.s32 @!p1 $0x480, s8;
	_ =	swait.ge @!p1 [sflag:s19], $0x1F40  }
0xd0: {  	s17 =	simm.s32 @!p1 $0x7D;
	s21 =	simm.s32 @!p1 $0x5000;
	[sflag:s19] =	ssyncset.done @!p1 $0x0  }
0xd1: {  	s20 =	sadd.s32 @p1 $0x2B00, s20;
	[sflag:s19] =	ssyncadd.s32 @!p1 $0xFFFFE0C0;
	s19 =	simm.s32 @!p1 $0x5  }
0xd2: {  	[tilespmem:s21], [sflag:$0x1] =	stream.indirect.gather @!p1 [hbm4b:s2+s17], $0x40, s4, s17, $0xb8;
	[tilespmem:$0x1FA00] =	vst v63  }
0xd3: {  	s25 =	sadd.s32 @!p1 $0x2B00, s8;
	s4 =	sadd.s32 @!p1 $0x500, s8;
	_ =	swait.ge @!p1 [sflag:s19], $0x1F40  }
0xd4: {  	s28 =	simm.s32 @!p1 $0xCD00;
	s21 =	sadd.s32 @!p1 $0x580, s8;
	[sflag:s19] =	ssyncset.done @!p1 $0x0  }
0xd5: {  	s8 =	smov.u32 s16;
	[sflag:s19] =	ssyncadd.s32 @!p1 $0xFFFFE0C0;
	s19 =	simm.s32 @!p1 $0xA  }
0xd6: {  	[spmem:s3] =	stream.indirect.scatter.add.f32 @!p1 [tilespmem:s28], [sflag:$0xD], $0x40, s23, s17, $0xb8;
	[tilespmem:$0x1FA00] =	vst v63  }
0xd7: {  	_ =	swait.ge @!p1 [sflag:s19], $0x1F40  }
0xd8: {  	s16 =	simm.s32 @!p1 $0x6F40;
	[sflag:s19] =	ssyncset.done @!p1 $0x0  }
0xd9: {  	[sflag:s19] =	ssyncadd.s32 @!p1 $0xFFFFE0C0;
	s19 =	simm.s32 $0x5000  }
0xda: {  	[tilespmem:s16], [sflag:$0x2] =	stream.indirect.gather @!p1 [hbm4b:s2+s17], $0x40, s22, s17, $0xb8;
	[tilespmem:$0x1FA00] =	vst v63  }
0xdb: {  	_ =	swait.ge [sflag:s12], $0x1F40  }
0xdc: {  	s15 =	sadd.s32 $0x2A80, s15;
	[sflag:s12] =	ssyncset.done $0x0  }
0xdd: {  	s16 =	simm.s32 @p1 $0x7;
	[sflag:s12] =	ssyncadd.s32 $0xFFFFE0C0  }
0xde: {  	[spmem:s3] =	stream.indirect.scatter.add.f32 [tilespmem:s7], [sflag:$0xE], $0x40, s15, s24, $0xb8;
	[tilespmem:$0x1FA00] =	vst v63  }
0xdf: {  	_ =	swait.ge @p1 [sflag:s16], $0x1F40  }
0xe0: {  	s15 =	simm.s32 @p1 $0x10B80;
	[sflag:s16] =	ssyncset.done @p1 $0x0  }
0xe1: {  	[sflag:s16] =	ssyncadd.s32 @p1 $0xFFFFE0C0;
	s16 =	simm.s32 @!p1 $0xB  }
0xe2: {  	[spmem:s3] =	stream.indirect.scatter.add.f32 @p1 [tilespmem:s15], [sflag:$0xF], $0x40, s20, s18, $0xb8;
	[tilespmem:$0x1FA00] =	vst v63  }
0xe3: {  	s20 =	simm.s32 $0x6F40  }
0xe4: {  	_ =	swait.ge @!p1 [sflag:s16], $0x1F40  }
0xe5: {  	s15 =	simm.s32 @!p1 $0x8E80;
	[sflag:s16] =	ssyncset.done @!p1 $0x0  }
0xe6: {  	[sflag:s16] =	ssyncadd.s32 @!p1 $0xFFFFE0C0;
	s16 =	simm.s32 @!p1 $0x7  }
0xe7: {  	[tilespmem:s15], [sflag:$0x3] =	stream.indirect.gather @!p1 [hbm4b:s2+s17], $0x40, s4, s17, $0xb8;
	[tilespmem:$0x1FA00] =	vst v63  }
0xe8: {  	_ =	swait.ge @!p1 [sflag:s16], $0x1F40  }
0xe9: {  	s4 =	simm.s32 @!p1 $0x10B80;
	[sflag:s16] =	ssyncset.done @!p1 $0x0  }
0xea: {  	s15 =	simm.s32 @!p1 $0xC;
	[sflag:s16] =	ssyncadd.s32 @!p1 $0xFFFFE0C0  }
0xeb: {  	[spmem:s3] =	stream.indirect.scatter.add.f32 @!p1 [tilespmem:s4], [sflag:$0xF], $0x40, s25, s17, $0xb8;
	[tilespmem:$0x1FA00] =	vst v63  }
.Ltmp1:
0xec: {  	_ =	swait.ge @!p1 [sflag:s15], $0x1F40;
	(pc) =	sbr.rel @p0 .LBB2_4-.Ltmp1, $4  }
0xed: {  	s4 =	simm.s32 @!p1 $0xADC0;
	[sflag:s15] =	ssyncset.done @!p1 $0x0  }
0xee: {  	[sflag:s15] =	ssyncadd.s32 @!p1 $0xFFFFE0C0  }
0xef: {  	[tilespmem:s4], [sflag:$0x4] =	stream.indirect.gather @!p1 [hbm4b:s2+s17], $0x40, s21, s17, $0xb8;
	[tilespmem:$0x1FA00] =	vst v63  }
0xf0: {  	p1 =	seq.s32 s8, $0x0;
	_ =	swait.ge [sflag:s31], $0x1F40  }
0xf1: {  	[sflag:s31] =	ssyncset.done $0x0  }
0xf2: {  	s4 =	simm.s32 @!p1 $0xD;
	[sflag:s31] =	ssyncadd.s32 $0xFFFFE0C0  }
0xf3: {  	[spmem:s3] =	stream.indirect.scatter.add.f32 [tilespmem:s11], [sflag:$0x10], $0x40, s14, s24, $0xb8;
	[tilespmem:$0x1FA00] =	vst v63  }
0xf4: {  	_ =	swait.ge @!p1 [sflag:s4], $0x1F40  }
0xf5: {  	s13 =	sshra.s32 s8, $0x2;
	[sflag:s4] =	ssyncset.done @!p1 $0x0  }
0xf6: {  	s21 =	sadd.s32 $0x200, s13;
	[sflag:s4] =	ssyncadd.s32 @!p1 $0xFFFFE0C0  }
0xf7: {  	[tilespmem:s0], [sflag:$0x5] =	stream.indirect.gather [hbm4b:s2+s24], $0x40, s21, s24, $0xb8;
	[tilespmem:$0x1FA00] =	vst v63  }
0xf8: {  	_ =	swait.ge [sflag:s6], $0x1F40  }
0xf9: {  	[sflag:s6] =	ssyncset.done $0x0  }
0xfa: {  	s22 =	sadd.s32 $0x2800, s13;
	s14 =	simm.s32 @!p1 $0xE;
	[sflag:s6] =	ssyncadd.s32 $0xFFFFE0C0  }
0xfb: {  	[spmem:s3] =	stream.indirect.scatter.add.f32 [tilespmem:s19], [sflag:$0x9], $0x40, s22, s24, $0xb8;
	[tilespmem:$0x1FA00] =	vst v63  }
0xfc: {  	_ =	swait.ge @!p1 [sflag:s14], $0x1F40  }
0xfd: {  	[sflag:s14] =	ssyncset.done @!p1 $0x0  }
0xfe: {  	s23 =	sadd.s32 $0x280, s13;
	[sflag:s14] =	ssyncadd.s32 @!p1 $0xFFFFE0C0  }
0xff: {  	[tilespmem:s7], [sflag:$0x6] =	stream.indirect.gather [hbm4b:s2+s24], $0x40, s23, s24, $0xb8;
	[tilespmem:$0x1FA00] =	vst v63  }
0x100: {  	_ =	swait.ge [sflag:s9], $0x1F40  }
0x101: {  	[sflag:s9] =	ssyncset.done $0x0  }
0x102: {  	s25 =	sadd.s32 $0x2880, s13;
	s14 =	simm.s32 @!p1 $0xF;
	[sflag:s9] =	ssyncadd.s32 $0xFFFFE0C0  }
0x103: {  	[spmem:s3] =	stream.indirect.scatter.add.f32 [tilespmem:s20], [sflag:$0xA], $0x40, s25, s24, $0xb8;
	[tilespmem:$0x1FA00] =	vst v63  }
0x104: {  	_ =	swait.ge @!p1 [sflag:s14], $0x1F40  }
0x105: {  	[sflag:s14] =	ssyncset.done @!p1 $0x0  }
0x106: {  	s28 =	sadd.s32 $0x300, s13;
	[sflag:s14] =	ssyncadd.s32 @!p1 $0xFFFFE0C0  }
0x107: {  	[tilespmem:s26], [sflag:$0x7] =	stream.indirect.gather [hbm4b:s2+s24], $0x40, s28, s24, $0xb8;
	[tilespmem:$0x1FA00] =	vst v63  }
0x108: {  	_ =	swait.ge [sflag:s10], $0x1F40  }
0x109: {  	[sflag:s10] =	ssyncset.done $0x0  }
0x10a: {  	s15 =	sadd.s32 $0x2900, s13;
	s14 =	simm.s32 @!p1 $0x10;
	[sflag:s10] =	ssyncadd.s32 $0xFFFFE0C0  }
0x10b: {  	[spmem:s3] =	stream.indirect.scatter.add.f32 [tilespmem:s30], [sflag:$0xB], $0x40, s15, s24, $0xb8;
	[tilespmem:$0x1FA00] =	vst v63  }
0x10c: {  	_ =	swait.ge @!p1 [sflag:s14], $0x1F40  }
0x10d: {  	[sflag:s14] =	ssyncset.done @!p1 $0x0  }
0x10e: {  	s16 =	sadd.s32 $0x380, s13;
	[sflag:s14] =	ssyncadd.s32 @!p1 $0xFFFFE0C0  }
0x10f: {  	[tilespmem:s11], [sflag:$0x8] =	stream.indirect.gather [hbm4b:s2+s24], $0x40, s16, s24, $0xb8;
	[tilespmem:$0x1FA00] =	vst v63  }
0x110: {  	_ =	swait.ge [sflag:s29], $0x1F40  }
0x111: {  	p0 =	seq.s32 s8, $0x9000;
	[sflag:s29] =	ssyncset.done $0x0  }
0x112: {  	s17 =	sadd.s32 $0x2980, s13;
	s14 =	simm.s32 @p0 $0x5;
	[sflag:s29] =	ssyncadd.s32 $0xFFFFE0C0  }
0x113: {  	[spmem:s3] =	stream.indirect.scatter.add.f32 [tilespmem:s1], [sflag:$0xC], $0x40, s17, s24, $0xb8;
	[tilespmem:$0x1FA00] =	vst v63  }
0x114: {  	s4 =	sshra.s32 @p0 s8, $0x2;
	_ =	swait.ge @p0 [sflag:s14], $0x1F40  }
0x115: {  	s15 =	sadd.s32 @p0 $0x2A00, s4;
	s16 =	simm.s32 @p0 $0x7D;
	[sflag:s14] =	ssyncset.done @p0 $0x0  }
0x116: {  	s17 =	simm.s32 @p0 $0xCD00;
	[sflag:s14] =	ssyncadd.s32 @p0 $0xFFFFE0C0;
	s14 =	simm.s32 @!p0 $0x9  }
0x117: {  	[spmem:s3] =	stream.indirect.scatter.add.f32 @p0 [tilespmem:s17], [sflag:$0xD], $0x40, s15, s16, $0xb8;
	[tilespmem:$0x1FA00] =	vst v63  }
0x118: {  	s8 =	sshra.s32 @!p0 s8, $0x2;
	_ =	swait.ge @!p0 [sflag:s14], $0x1F40  }
0x119: {  	s15 =	sadd.s32 @!p0 $0x400, s8;
	[sflag:s14] =	ssyncset.done @!p0 $0x0  }
0x11a: {  	s17 =	simm.s32 @!p0 $0x7D;
	[sflag:s14] =	ssyncadd.s32 @!p0 $0xFFFFE0C0;
	s14 =	simm.s32 @!p0 $0x5000  }
0x11b: {  	[tilespmem:s14], [sflag:$0x1] =	stream.indirect.gather @!p0 [hbm4b:s2+s17], $0x40, s15, s17, $0xb8;
	[tilespmem:$0x1FA00] =	vst v63  }
0x11c: {  	s14 =	simm.s32 @!p0 $0x5  }
0x11d: {  	_ =	swait.ge @!p0 [sflag:s14], $0x1F40  }
0x11e: {  	[sflag:s14] =	ssyncset.done @!p0 $0x0  }
0x11f: {  	s15 =	sadd.s32 @!p0 $0x2A00, s8;
	[sflag:s14] =	ssyncadd.s32 @!p0 $0xFFFFE0C0;
	s14 =	simm.s32 @!p0 $0xCD00  }
0x120: {  	[spmem:s3] =	stream.indirect.scatter.add.f32 @!p0 [tilespmem:s14], [sflag:$0xD], $0x40, s15, s17, $0xb8;
	[tilespmem:$0x1FA00] =	vst v63  }
0x121: {  	s14 =	simm.s32 @!p0 $0xA  }
0x122: {  	_ =	swait.ge @!p0 [sflag:s14], $0x1F40  }
0x123: {  	[sflag:s14] =	ssyncset.done @!p0 $0x0  }
0x124: {  	s15 =	sadd.s32 @!p0 $0x480, s8;
	[sflag:s14] =	ssyncadd.s32 @!p0 $0xFFFFE0C0;
	s14 =	simm.s32 @!p0 $0x6F40  }
0x125: {  	[tilespmem:s14], [sflag:$0x2] =	stream.indirect.gather @!p0 [hbm4b:s2+s17], $0x40, s15, s17, $0xb8;
	[tilespmem:$0x1FA00] =	vst v63  }
0x126: {  	_ =	swait.ge [sflag:s12], $0x1F40  }
0x127: {  	[sflag:s12] =	ssyncset.done $0x0  }
0x128: {  	s18 =	sadd.s32 $0x2A80, s13;
	s14 =	simm.s32 @p0 $0x7;
	[sflag:s12] =	ssyncadd.s32 $0xFFFFE0C0  }
0x129: {  	[spmem:s3] =	stream.indirect.scatter.add.f32 [tilespmem:s7], [sflag:$0xE], $0x40, s18, s24, $0xb8;
	[tilespmem:$0x1FA00] =	vst v63  }
0x12a: {  	_ =	swait.ge @p0 [sflag:s14], $0x1F40  }
0x12b: {  	[sflag:s14] =	ssyncset.done @p0 $0x0  }
0x12c: {  	s4 =	sadd.s32 @p0 $0x2B00, s4;
	[sflag:s14] =	ssyncadd.s32 @p0 $0xFFFFE0C0;
	s14 =	simm.s32 @p0 $0x10B80  }
0x12d: {  	[spmem:s3] =	stream.indirect.scatter.add.f32 @p0 [tilespmem:s14], [sflag:$0xF], $0x40, s4, s16, $0xb8;
	[tilespmem:$0x1FA00] =	vst v63  }
0x12e: {  	s4 =	simm.s32 @!p0 $0xB  }
0x12f: {  	_ =	swait.ge @!p0 [sflag:s4], $0x1F40  }
0x130: {  	s15 =	simm.s32 @!p0 $0x8E80;
	[sflag:s4] =	ssyncset.done @!p0 $0x0  }
0x131: {  	s14 =	sadd.s32 @!p0 $0x500, s8;
	[sflag:s4] =	ssyncadd.s32 @!p0 $0xFFFFE0C0;
	s4 =	simm.s32 @!p0 $0x7  }
0x132: {  	[tilespmem:s15], [sflag:$0x3] =	stream.indirect.gather @!p0 [hbm4b:s2+s17], $0x40, s14, s17, $0xb8;
	[tilespmem:$0x1FA00] =	vst v63  }
0x133: {  	_ =	swait.ge @!p0 [sflag:s4], $0x1F40  }
0x134: {  	s14 =	sadd.s32 @!p0 $0x2B00, s8;
	[sflag:s4] =	ssyncset.done @!p0 $0x0  }
0x135: {  	s15 =	simm.s32 @!p0 $0x10B80;
	[sflag:s4] =	ssyncadd.s32 @!p0 $0xFFFFE0C0;
	s4 =	simm.s32 @!p0 $0xC  }
0x136: {  	[spmem:s3] =	stream.indirect.scatter.add.f32 @!p0 [tilespmem:s15], [sflag:$0xF], $0x40, s14, s17, $0xb8;
	[tilespmem:$0x1FA00] =	vst v63  }
0x137: {  	_ =	swait.ge @!p0 [sflag:s4], $0x1F40  }
0x138: {  	[sflag:s4] =	ssyncset.done @!p0 $0x0  }
0x139: {  	s8 =	sadd.s32 @!p0 $0x580, s8;
	s14 =	simm.s32 @!p0 $0xADC0;
	[sflag:s4] =	ssyncadd.s32 @!p0 $0xFFFFE0C0  }
0x13a: {  	[tilespmem:s14], [sflag:$0x4] =	stream.indirect.gather @!p0 [hbm4b:s2+s17], $0x40, s8, s17, $0xb8;
	[tilespmem:$0x1FA00] =	vst v63  }
0x13b: {  	_ =	swait.ge [sflag:s31], $0x1F40  }
0x13c: {  	[sflag:s31] =	ssyncset.done $0x0  }
0x13d: {  	s21 =	sadd.s32 $0x2B80, s13;
	s22 =	simm.s32 $0x9;
	[sflag:s31] =	ssyncadd.s32 $0xFFFFE0C0  }
0x13e: {  	[spmem:s3] =	stream.indirect.scatter.add.f32 [tilespmem:s11], [sflag:$0x10], $0x40, s21, s24, $0xb8;
	[tilespmem:$0x1FA00] =	vst v63  }
0x13f: {  	_ =	swait.ge [sflag:s22], $0x1F40  }
0x140: {  	[sflag:s22] =	ssyncset.done $0x0  }
0x141: {  	s23 =	simm.s32 $0xA;
	[sflag:s22] =	ssyncadd.s32 $0xFFFFE0C0  }
0x142: {  	_ =	swait.ge [sflag:s23], $0x1F40  }
0x143: {  	[sflag:s23] =	ssyncset.done $0x0  }
0x144: {  	s25 =	simm.s32 $0xB;
	[sflag:s23] =	ssyncadd.s32 $0xFFFFE0C0  }
0x145: {  	_ =	swait.ge [sflag:s25], $0x1F40  }
0x146: {  	[sflag:s25] =	ssyncset.done $0x0  }
0x147: {  	s28 =	simm.s32 $0xC;
	[sflag:s25] =	ssyncadd.s32 $0xFFFFE0C0  }
0x148: {  	_ =	swait.ge [sflag:s28], $0x1F40  }
0x149: {  	[sflag:s28] =	ssyncset.done $0x0  }
0x14a: {  	s8 =	simm.s32 $0xD;
	[sflag:s28] =	ssyncadd.s32 $0xFFFFE0C0  }
0x14b: {  	_ =	swait.ge [sflag:s8], $0x1F40  }
0x14c: {  	[sflag:s8] =	ssyncset.done $0x0  }
0x14d: {  	s13 =	simm.s32 $0xE;
	[sflag:s8] =	ssyncadd.s32 $0xFFFFE0C0  }
0x14e: {  	_ =	swait.ge [sflag:s13], $0x1F40  }
0x14f: {  	[sflag:s13] =	ssyncset.done $0x0  }
0x150: {  	s14 =	simm.s32 $0xF;
	[sflag:s13] =	ssyncadd.s32 $0xFFFFE0C0  }
0x151: {  	_ =	swait.ge [sflag:s14], $0x1F40  }
0x152: {  	[sflag:s14] =	ssyncset.done $0x0  }
0x153: {  	s15 =	simm.s32 $0x10;
	[sflag:s14] =	ssyncadd.s32 $0xFFFFE0C0  }
0x154: {  	_ =	swait.ge [sflag:s15], $0x1F40  }
0x155: {  	[sflag:s15] =	ssyncset.done $0x0  }
0x156: {  	[sflag:s15] =	ssyncadd.s32 $0xFFFFE0C0  }
0x157: {  	s16 =	stileid.u32;
	[bflag:$0x0] =	sbarrier.arrive $0xFFFF  }
0x158: {  	s4 =	sshll.u32 s16, $0x6;
	s18 =	rddreg [dreg:$0x9]  }
0x159: {  	s17 =	sor.u32 $0x1C11, s4;
	s22 =	rddreg [dreg:$0x8]  }
0x15a: {  	[dreg:$0x15] =	wrdreg s17;
	s21 =	sshrl.u32 s18, $0x3  }
0x15b: {  	s8 =	simm.s32 $0x11;
	[dreg:$0x16] =	wrdreg s21  }
0x15c: {  	[hbm:s22], [sflag:s17] =	dma.local [spmem:s21], $0x1400  }
0x15d: {  	_ =	swait.ge [sflag:s8], $0x1400  }
0x15e: {  	[sflag:s8] =	ssyncset.done $0x0  }
0x15f: {  	s23 =	simm.s32 $0x0;
	[sflag:s8] =	ssyncadd.s32 $0xFFFFEC00  }
0x160: {  	[tilespmem:s19], [sflag:$0x1] =	stream.indirect.gather [hbm4b:s5+s24], $0x40, s23, s24, $0xb8;
	[tilespmem:$0x1FA00] =	vst v63  }
0x161: {  	s25 =	simm.s32 $0x80  }
0x162: {  	[tilespmem:s20], [sflag:$0x2] =	stream.indirect.gather [hbm4b:s5+s24], $0x40, s25, s24, $0xb8;
	[tilespmem:$0x1FA00] =	vst v63  }
0x163: {  	s28 =	simm.s32 $0x100  }
0x164: {  	[tilespmem:s30], [sflag:$0x3] =	stream.indirect.gather [hbm4b:s5+s24], $0x40, s28, s24, $0xb8;
	[tilespmem:$0x1FA00] =	vst v63  }
0x165: {  	s13 =	simm.s32 $0x180  }
0x166: {  	[tilespmem:s1], [sflag:$0x4] =	stream.indirect.gather [hbm4b:s5+s24], $0x40, s13, s24, $0xb8;
	[tilespmem:$0x1FA00] =	vst v63  }
0x167: {  	s15 =	simm.s32 $0x14A00;
	s14 =	rddreg [dreg:$0x7]  }
0x168: {  	[spmem:s14] =	stream.linear.scatter [tilespmem:s15], [sflag:$0x11], $0x1000, $0x38;
	[tilespmem:$0x1FA00] =	vst v63  }
0x169: {  	_ =	swait.ge [sflag:s8], $0x1000  }
0x16a: {  	[sflag:s8] =	ssyncset.done $0x0  }
0x16b: {  	s16 =	rddreg [dreg:$0xc];
	[sflag:s8] =	ssyncadd.s32 $0xFFFFF000  }
0x16c: {  	[spmem:s16] =	stream.linear.scatter [tilespmem:s15], [sflag:$0x11], $0x1000, $0x38;
	[tilespmem:$0x1FA00] =	vst v63  }
0x16d: {  	_ =	swait.ge [sflag:s8], $0x1000  }
0x16e: {  	[sflag:s8] =	ssyncset.done $0x0  }
0x16f: {  	s17 =	rddreg [dreg:$0xd];
	[sflag:s8] =	ssyncadd.s32 $0xFFFFF000  }
0x170: {  	[spmem:s17] =	stream.linear.scatter [tilespmem:s15], [sflag:$0x11], $0x1000, $0x38;
	[tilespmem:$0x1FA00] =	vst v63  }
0x171: {  	_ =	swait.ge [sflag:s8], $0x1000  }
0x172: {  	[sflag:s8] =	ssyncset.done $0x0  }
0x173: {  	s18 =	rddreg [dreg:$0xe];
	[sflag:s8] =	ssyncadd.s32 $0xFFFFF000  }
0x174: {  	[spmem:s18] =	stream.linear.scatter [tilespmem:s15], [sflag:$0x11], $0x1000, $0x38;
	[tilespmem:$0x1FA00] =	vst v63  }
0x175: {  	_ =	swait.ge [sflag:s8], $0x1000  }
0x176: {  	[sflag:s8] =	ssyncset.done $0x0  }
0x177: {  	s21 =	rddreg [dreg:$0xf];
	[sflag:s8] =	ssyncadd.s32 $0xFFFFF000  }
0x178: {  	[spmem:s21] =	stream.linear.scatter [tilespmem:s15], [sflag:$0x11], $0x1000, $0x38;
	[tilespmem:$0x1FA00] =	vst v63  }
0x179: {  	_ =	swait.ge [sflag:s8], $0x1000  }
0x17a: {  	[sflag:s8] =	ssyncset.done $0x0  }
0x17b: {  	s22 =	rddreg [dreg:$0x10];
	[sflag:s8] =	ssyncadd.s32 $0xFFFFF000  }
0x17c: {  	[spmem:s22] =	stream.linear.scatter [tilespmem:s15], [sflag:$0x11], $0x1000, $0x38;
	[tilespmem:$0x1FA00] =	vst v63  }
0x17d: {  	_ =	swait.ge [sflag:s8], $0x1000  }
0x17e: {  	[sflag:s8] =	ssyncset.done $0x0  }
0x17f: {  	s23 =	rddreg [dreg:$0x11];
	[sflag:s8] =	ssyncadd.s32 $0xFFFFF000  }
0x180: {  	[spmem:s23] =	stream.linear.scatter [tilespmem:s15], [sflag:$0x11], $0x1000, $0x38;
	[tilespmem:$0x1FA00] =	vst v63  }
0x181: {  	_ =	swait.ge [sflag:s8], $0x1000  }
0x182: {  	[sflag:s8] =	ssyncset.done $0x0  }
0x183: {  	s25 =	rddreg [dreg:$0x12];
	[sflag:s8] =	ssyncadd.s32 $0xFFFFF000  }
0x184: {  	[spmem:s25] =	stream.linear.scatter [tilespmem:s15], [sflag:$0x11], $0x1000, $0x38;
	[tilespmem:$0x1FA00] =	vst v63  }
0x185: {  	_ =	swait.ge [sflag:s8], $0x1000  }
0x186: {  	[sflag:s8] =	ssyncset.done $0x0  }
0x187: {  	s28 =	rddreg [dreg:$0x13];
	[sflag:s8] =	ssyncadd.s32 $0xFFFFF000  }
0x188: {  	[spmem:s28] =	stream.linear.scatter [tilespmem:s15], [sflag:$0x11], $0x1000, $0x38;
	[tilespmem:$0x1FA00] =	vst v63  }
0x189: {  	_ =	swait.ge [sflag:s8], $0x1000  }
0x18a: {  	[sflag:s8] =	ssyncset.done $0x0  }
0x18b: {  	s14 =	rddreg [dreg:$0x14];
	[sflag:s8] =	ssyncadd.s32 $0xFFFFF000  }
0x18c: {  	[spmem:s14] =	stream.linear.scatter [tilespmem:s15], [sflag:$0x11], $0x1000, $0x38;
	[tilespmem:$0x1FA00] =	vst v63  }
0x18d: {  	_ =	swait.ge [sflag:s8], $0x1000  }
0x18e: {  	[sflag:s8] =	ssyncset.done $0x0  }
0x18f: {  	p0 =	por $0x1, $0x1;
	[sflag:s8] =	ssyncadd.s32 $0xFFFFF000  }
0x190: {  	s4 =	simm.s32 @!p0 $0xD;
	[bflag:$0x0] =	sbarrier.arrive $0xFFFF  }
0x191: {  	_ =	swait.ge @!p0 [sflag:s4], $0x1F40  }
0x192: {  	[sflag:s4] =	ssyncset.done @!p0 $0x0  }
0x193: {  	s15 =	simm.s32 $0x200;
	[sflag:s4] =	ssyncadd.s32 @!p0 $0xFFFFE0C0  }
0x194: {  	[tilespmem:s0], [sflag:$0x5] =	stream.indirect.gather [hbm4b:s5+s24], $0x40, s15, s24, $0xb8;
	[tilespmem:$0x1FA00] =	vst v63  }
0x195: {  	_ =	swait.ge [sflag:s6], $0x1F40  }
0x196: {  	[sflag:s6] =	ssyncset.done $0x0  }
0x197: {  	s13 =	simm.s32 @!p0 $0xE;
	s16 =	simm.s32 $0x2800;
	[sflag:s6] =	ssyncadd.s32 $0xFFFFE0C0  }
0x198: {  	[spmem:s3] =	stream.indirect.scatter.add.f32 [tilespmem:s19], [sflag:$0x9], $0x40, s16, s24, $0xb8;
	[tilespmem:$0x1FA00] =	vst v63  }
0x199: {  	_ =	swait.ge @!p0 [sflag:s13], $0x1F40  }
0x19a: {  	[sflag:s13] =	ssyncset.done @!p0 $0x0  }
0x19b: {  	s17 =	simm.s32 $0x280;
	[sflag:s13] =	ssyncadd.s32 @!p0 $0xFFFFE0C0  }
0x19c: {  	[tilespmem:s7], [sflag:$0x6] =	stream.indirect.gather [hbm4b:s5+s24], $0x40, s17, s24, $0xb8;
	[tilespmem:$0x1FA00] =	vst v63  }
0x19d: {  	_ =	swait.ge [sflag:s9], $0x1F40  }
0x19e: {  	[sflag:s9] =	ssyncset.done $0x0  }
0x19f: {  	s18 =	simm.s32 $0x2880;
	s13 =	simm.s32 @!p0 $0xF;
	[sflag:s9] =	ssyncadd.s32 $0xFFFFE0C0  }
0x1a0: {  	[spmem:s3] =	stream.indirect.scatter.add.f32 [tilespmem:s20], [sflag:$0xA], $0x40, s18, s24, $0xb8;
	[tilespmem:$0x1FA00] =	vst v63  }
0x1a1: {  	_ =	swait.ge @!p0 [sflag:s13], $0x1F40  }
0x1a2: {  	[sflag:s13] =	ssyncset.done @!p0 $0x0  }
0x1a3: {  	s21 =	simm.s32 $0x300;
	[sflag:s13] =	ssyncadd.s32 @!p0 $0xFFFFE0C0  }
0x1a4: {  	[tilespmem:s26], [sflag:$0x7] =	stream.indirect.gather [hbm4b:s5+s24], $0x40, s21, s24, $0xb8;
	[tilespmem:$0x1FA00] =	vst v63  }
0x1a5: {  	_ =	swait.ge [sflag:s10], $0x1F40  }
0x1a6: {  	[sflag:s10] =	ssyncset.done $0x0  }
0x1a7: {  	s22 =	simm.s32 $0x2900;
	s13 =	simm.s32 @!p0 $0x10;
	[sflag:s10] =	ssyncadd.s32 $0xFFFFE0C0  }
0x1a8: {  	[spmem:s3] =	stream.indirect.scatter.add.f32 [tilespmem:s30], [sflag:$0xB], $0x40, s22, s24, $0xb8;
	[tilespmem:$0x1FA00] =	vst v63  }
0x1a9: {  	_ =	swait.ge @!p0 [sflag:s13], $0x1F40  }
0x1aa: {  	[sflag:s13] =	ssyncset.done @!p0 $0x0  }
0x1ab: {  	s23 =	simm.s32 $0x380;
	[sflag:s13] =	ssyncadd.s32 @!p0 $0xFFFFE0C0  }
0x1ac: {  	[tilespmem:s11], [sflag:$0x8] =	stream.indirect.gather [hbm4b:s5+s24], $0x40, s23, s24, $0xb8;
	[tilespmem:$0x1FA00] =	vst v63  }
0x1ad: {  	_ =	swait.ge [sflag:s29], $0x1F40  }
0x1ae: {  	p0 =	por $0x0, $0x0;
	[sflag:s29] =	ssyncset.done $0x0  }
0x1af: {  	s25 =	simm.s32 $0x2980;
	s13 =	simm.s32 @p0 $0x5;
	[sflag:s29] =	ssyncadd.s32 $0xFFFFE0C0  }
0x1b0: {  	[spmem:s3] =	stream.indirect.scatter.add.f32 [tilespmem:s1], [sflag:$0xC], $0x40, s25, s24, $0xb8;
	[tilespmem:$0x1FA00] =	vst v63  }
0x1b1: {  	_ =	swait.ge @p0 [sflag:s13], $0x1F40  }
0x1b2: {  	s4 =	simm.s32 @p0 $0x2A00;
	s14 =	simm.s32 @p0 $0x7D;
	[sflag:s13] =	ssyncset.done @p0 $0x0  }
0x1b3: {  	s15 =	simm.s32 @p0 $0xCD00;
	[sflag:s13] =	ssyncadd.s32 @p0 $0xFFFFE0C0;
	s13 =	simm.s32 @!p0 $0x9  }
0x1b4: {  	[spmem:s3] =	stream.indirect.scatter.add.f32 @p0 [tilespmem:s15], [sflag:$0xD], $0x40, s4, s14, $0xb8;
	[tilespmem:$0x1FA00] =	vst v63  }
0x1b5: {  	_ =	swait.ge @!p0 [sflag:s13], $0x1F40  }
0x1b6: {  	s4 =	simm.s32 @!p0 $0x400;
	[sflag:s13] =	ssyncset.done @!p0 $0x0  }
0x1b7: {  	s15 =	simm.s32 @!p0 $0x7D;
	[sflag:s13] =	ssyncadd.s32 @!p0 $0xFFFFE0C0;
	s13 =	simm.s32 @!p0 $0x5000  }
0x1b8: {  	[tilespmem:s13], [sflag:$0x1] =	stream.indirect.gather @!p0 [hbm4b:s5+s15], $0x40, s4, s15, $0xb8;
	[tilespmem:$0x1FA00] =	vst v63  }
0x1b9: {  	s4 =	simm.s32 @!p0 $0x5  }
0x1ba: {  	_ =	swait.ge @!p0 [sflag:s4], $0x1F40  }
0x1bb: {  	[sflag:s4] =	ssyncset.done @!p0 $0x0  }
0x1bc: {  	s13 =	simm.s32 @!p0 $0x2A00;
	[sflag:s4] =	ssyncadd.s32 @!p0 $0xFFFFE0C0;
	s4 =	simm.s32 @!p0 $0xCD00  }
0x1bd: {  	[spmem:s3] =	stream.indirect.scatter.add.f32 @!p0 [tilespmem:s4], [sflag:$0xD], $0x40, s13, s15, $0xb8;
	[tilespmem:$0x1FA00] =	vst v63  }
0x1be: {  	s4 =	simm.s32 @!p0 $0xA  }
0x1bf: {  	_ =	swait.ge @!p0 [sflag:s4], $0x1F40  }
0x1c0: {  	[sflag:s4] =	ssyncset.done @!p0 $0x0  }
0x1c1: {  	s13 =	simm.s32 @!p0 $0x480;
	[sflag:s4] =	ssyncadd.s32 @!p0 $0xFFFFE0C0;
	s4 =	simm.s32 @!p0 $0x6F40  }
0x1c2: {  	[tilespmem:s4], [sflag:$0x2] =	stream.indirect.gather @!p0 [hbm4b:s5+s15], $0x40, s13, s15, $0xb8;
	[tilespmem:$0x1FA00] =	vst v63  }
0x1c3: {  	_ =	swait.ge [sflag:s12], $0x1F40  }
0x1c4: {  	[sflag:s12] =	ssyncset.done $0x0  }
0x1c5: {  	s28 =	simm.s32 $0x2A80;
	s13 =	simm.s32 @p0 $0x7;
	[sflag:s12] =	ssyncadd.s32 $0xFFFFE0C0  }
0x1c6: {  	[spmem:s3] =	stream.indirect.scatter.add.f32 [tilespmem:s7], [sflag:$0xE], $0x40, s28, s24, $0xb8;
	[tilespmem:$0x1FA00] =	vst v63  }
0x1c7: {  	_ =	swait.ge @p0 [sflag:s13], $0x1F40  }
0x1c8: {  	[sflag:s13] =	ssyncset.done @p0 $0x0  }
0x1c9: {  	s4 =	simm.s32 @p0 $0x2B00;
	[sflag:s13] =	ssyncadd.s32 @p0 $0xFFFFE0C0;
	s13 =	simm.s32 @p0 $0x10B80  }
0x1ca: {  	[spmem:s3] =	stream.indirect.scatter.add.f32 @p0 [tilespmem:s13], [sflag:$0xF], $0x40, s4, s14, $0xb8;
	[tilespmem:$0x1FA00] =	vst v63  }
0x1cb: {  	s4 =	simm.s32 @!p0 $0xB  }
0x1cc: {  	_ =	swait.ge @!p0 [sflag:s4], $0x1F40  }
0x1cd: {  	[sflag:s4] =	ssyncset.done @!p0 $0x0  }
0x1ce: {  	s13 =	simm.s32 @!p0 $0x500;
	[sflag:s4] =	ssyncadd.s32 @!p0 $0xFFFFE0C0;
	s4 =	simm.s32 @!p0 $0x8E80  }
0x1cf: {  	[tilespmem:s4], [sflag:$0x3] =	stream.indirect.gather @!p0 [hbm4b:s5+s15], $0x40, s13, s15, $0xb8;
	[tilespmem:$0x1FA00] =	vst v63  }
0x1d0: {  	s4 =	simm.s32 @!p0 $0x7  }
0x1d1: {  	_ =	swait.ge @!p0 [sflag:s4], $0x1F40  }
0x1d2: {  	[sflag:s4] =	ssyncset.done @!p0 $0x0  }
0x1d3: {  	s13 =	simm.s32 @!p0 $0x2B00;
	[sflag:s4] =	ssyncadd.s32 @!p0 $0xFFFFE0C0;
	s4 =	simm.s32 @!p0 $0x10B80  }
0x1d4: {  	[spmem:s3] =	stream.indirect.scatter.add.f32 @!p0 [tilespmem:s4], [sflag:$0xF], $0x40, s13, s15, $0xb8;
	[tilespmem:$0x1FA00] =	vst v63  }
0x1d5: {  	s4 =	simm.s32 @!p0 $0xC  }
0x1d6: {  	_ =	swait.ge @!p0 [sflag:s4], $0x1F40  }
0x1d7: {  	p1 =	por $0x0, $0x0;
	s14 =	simm.s32 $0x2000;
	[sflag:s4] =	ssyncset.done @!p0 $0x0  }
0x1d8: {  	s13 =	simm.s32 @!p0 $0x580;
	[sflag:s4] =	ssyncadd.s32 @!p0 $0xFFFFE0C0;
	s4 =	simm.s32 @!p0 $0xADC0  }
0x1d9: {  	[tilespmem:s4], [sflag:$0x4] =	stream.indirect.gather @!p0 [hbm4b:s5+s15], $0x40, s13, s15, $0xb8;
	[tilespmem:$0x1FA00] =	vst v63  }
0x1da: {  	s13 =	simm.s32 $0x1000;
	s15 =	simm.s32 $0x2B80;
	_ =	swait.ge [sflag:s31], $0x1F40  }
.LBB2_6:
0x1db: {  	s4 =	simm.s32 @!p1 $0xD  }
0x1dc: {  	[sflag:s31] =	ssyncset.done $0x0;
	s17 =	smov.u32 s14;
	s14 =	sadd.s32 $0x1000, s14  }
0x1dd: {  	p0 =	sne.s32 s14, $0xA000;
	[sflag:s31] =	ssyncadd.s32 $0xFFFFE0C0  }
0x1de: {  	[spmem:s3] =	stream.indirect.scatter.add.f32 [tilespmem:s11], [sflag:$0x10], $0x40, s15, s24, $0xb8;
	[tilespmem:$0x1FA00] =	vst v63  }
0x1df: {  	s16 =	sshra.s32 s13, $0x2;
	_ =	swait.ge @!p1 [sflag:s4], $0x1F40  }
0x1e0: {  	s18 =	sadd.s32 $0x200, s16;
	s15 =	sadd.s32 $0x2B80, s16;
	[sflag:s4] =	ssyncset.done @!p1 $0x0  }
0x1e1: {  	[sflag:s4] =	ssyncadd.s32 @!p1 $0xFFFFE0C0  }
0x1e2: {  	[tilespmem:s0], [sflag:$0x5] =	stream.indirect.gather [hbm4b:s5+s24], $0x40, s18, s24, $0xb8;
	[tilespmem:$0x1FA00] =	vst v63  }
0x1e3: {  	_ =	swait.ge [sflag:s6], $0x1F40  }
0x1e4: {  	s4 =	sadd.s32 $0x2800, s16;
	s18 =	simm.s32 @!p1 $0xE;
	[sflag:s6] =	ssyncset.done $0x0  }
0x1e5: {  	[sflag:s6] =	ssyncadd.s32 $0xFFFFE0C0  }
0x1e6: {  	[spmem:s3] =	stream.indirect.scatter.add.f32 [tilespmem:s19], [sflag:$0x9], $0x40, s4, s24, $0xb8;
	[tilespmem:$0x1FA00] =	vst v63  }
0x1e7: {  	_ =	swait.ge @!p1 [sflag:s18], $0x1F40  }
0x1e8: {  	s4 =	sadd.s32 $0x280, s16;
	[sflag:s18] =	ssyncset.done @!p1 $0x0  }
0x1e9: {  	[sflag:s18] =	ssyncadd.s32 @!p1 $0xFFFFE0C0  }
0x1ea: {  	[tilespmem:s7], [sflag:$0x6] =	stream.indirect.gather [hbm4b:s5+s24], $0x40, s4, s24, $0xb8;
	[tilespmem:$0x1FA00] =	vst v63  }
0x1eb: {  	_ =	swait.ge [sflag:s9], $0x1F40  }
0x1ec: {  	s18 =	simm.s32 @!p1 $0xF;
	s4 =	sadd.s32 $0x2880, s16;
	[sflag:s9] =	ssyncset.done $0x0  }
0x1ed: {  	[sflag:s9] =	ssyncadd.s32 $0xFFFFE0C0  }
0x1ee: {  	[spmem:s3] =	stream.indirect.scatter.add.f32 [tilespmem:s20], [sflag:$0xA], $0x40, s4, s24, $0xb8;
	[tilespmem:$0x1FA00] =	vst v63  }
0x1ef: {  	_ =	swait.ge @!p1 [sflag:s18], $0x1F40  }
0x1f0: {  	s4 =	sadd.s32 $0x300, s16;
	[sflag:s18] =	ssyncset.done @!p1 $0x0  }
0x1f1: {  	[sflag:s18] =	ssyncadd.s32 @!p1 $0xFFFFE0C0  }
0x1f2: {  	[tilespmem:s26], [sflag:$0x7] =	stream.indirect.gather [hbm4b:s5+s24], $0x40, s4, s24, $0xb8;
	[tilespmem:$0x1FA00] =	vst v63  }
0x1f3: {  	_ =	swait.ge [sflag:s10], $0x1F40  }
0x1f4: {  	s18 =	simm.s32 @!p1 $0x10;
	s4 =	sadd.s32 $0x2900, s16;
	[sflag:s10] =	ssyncset.done $0x0  }
0x1f5: {  	[sflag:s10] =	ssyncadd.s32 $0xFFFFE0C0  }
0x1f6: {  	[spmem:s3] =	stream.indirect.scatter.add.f32 [tilespmem:s30], [sflag:$0xB], $0x40, s4, s24, $0xb8;
	[tilespmem:$0x1FA00] =	vst v63  }
0x1f7: {  	_ =	swait.ge @!p1 [sflag:s18], $0x1F40  }
0x1f8: {  	s4 =	sadd.s32 $0x380, s16;
	[sflag:s18] =	ssyncset.done @!p1 $0x0  }
0x1f9: {  	[sflag:s18] =	ssyncadd.s32 @!p1 $0xFFFFE0C0  }
0x1fa: {  	[tilespmem:s11], [sflag:$0x8] =	stream.indirect.gather [hbm4b:s5+s24], $0x40, s4, s24, $0xb8;
	[tilespmem:$0x1FA00] =	vst v63  }
0x1fb: {  	_ =	swait.ge [sflag:s29], $0x1F40  }
0x1fc: {  	p1 =	seq.s32 s13, $0x9000;
	s4 =	sadd.s32 $0x2980, s16;
	[sflag:s29] =	ssyncset.done $0x0  }
0x1fd: {  	s18 =	simm.s32 @p1 $0x5;
	s20 =	sshra.s32 @p1 s13, $0x2;
	[sflag:s29] =	ssyncadd.s32 $0xFFFFE0C0  }
0x1fe: {  	[spmem:s3] =	stream.indirect.scatter.add.f32 [tilespmem:s1], [sflag:$0xC], $0x40, s4, s24, $0xb8;
	[tilespmem:$0x1FA00] =	vst v63  }
0x1ff: {  	s13 =	sshra.s32 @!p1 s13, $0x2;
	s4 =	sadd.s32 @p1 $0x2A00, s20;
	_ =	swait.ge @p1 [sflag:s18], $0x1F40  }
0x200: {  	s19 =	simm.s32 @p1 $0x7D;
	s22 =	simm.s32 @p1 $0xCD00;
	[sflag:s18] =	ssyncset.done @p1 $0x0  }
0x201: {  	s23 =	simm.s32 @!p1 $0x9;
	s25 =	sadd.s32 @!p1 $0x400, s13;
	[sflag:s18] =	ssyncadd.s32 @p1 $0xFFFFE0C0  }
0x202: {  	[spmem:s3] =	stream.indirect.scatter.add.f32 @p1 [tilespmem:s22], [sflag:$0xD], $0x40, s4, s19, $0xb8;
	[tilespmem:$0x1FA00] =	vst v63  }
0x203: {  	s4 =	sadd.s32 @!p1 $0x2A00, s13;
	s22 =	sadd.s32 @!p1 $0x480, s13;
	_ =	swait.ge @!p1 [sflag:s23], $0x1F40  }
0x204: {  	s28 =	simm.s32 @!p1 $0x5000;
	s18 =	simm.s32 @!p1 $0x7D;
	[sflag:s23] =	ssyncset.done @!p1 $0x0  }
0x205: {  	s21 =	sadd.s32 @p1 $0x2B00, s20;
	[sflag:s23] =	ssyncadd.s32 @!p1 $0xFFFFE0C0;
	s23 =	simm.s32 @!p1 $0x5  }
0x206: {  	[tilespmem:s28], [sflag:$0x1] =	stream.indirect.gather @!p1 [hbm4b:s5+s18], $0x40, s25, s18, $0xb8;
	[tilespmem:$0x1FA00] =	vst v63  }
0x207: {  	s25 =	sadd.s32 @!p1 $0x500, s13;
	s28 =	sadd.s32 @!p1 $0x2B00, s13;
	_ =	swait.ge @!p1 [sflag:s23], $0x1F40  }
0x208: {  	s8 =	simm.s32 @!p1 $0xCD00;
	s20 =	sadd.s32 @!p1 $0x580, s13;
	[sflag:s23] =	ssyncset.done @!p1 $0x0  }
0x209: {  	s13 =	smov.u32 s17;
	[sflag:s23] =	ssyncadd.s32 @!p1 $0xFFFFE0C0;
	s23 =	simm.s32 @!p1 $0xA  }
0x20a: {  	[spmem:s3] =	stream.indirect.scatter.add.f32 @!p1 [tilespmem:s8], [sflag:$0xD], $0x40, s4, s18, $0xb8;
	[tilespmem:$0x1FA00] =	vst v63  }
0x20b: {  	_ =	swait.ge @!p1 [sflag:s23], $0x1F40  }
0x20c: {  	s4 =	simm.s32 @!p1 $0x6F40;
	[sflag:s23] =	ssyncset.done @!p1 $0x0  }
0x20d: {  	[sflag:s23] =	ssyncadd.s32 @!p1 $0xFFFFE0C0  }
0x20e: {  	[tilespmem:s4], [sflag:$0x2] =	stream.indirect.gather @!p1 [hbm4b:s5+s18], $0x40, s22, s18, $0xb8;
	[tilespmem:$0x1FA00] =	vst v63  }
0x20f: {  	_ =	swait.ge [sflag:s12], $0x1F40  }
0x210: {  	s4 =	sadd.s32 $0x2A80, s16;
	[sflag:s12] =	ssyncset.done $0x0  }
0x211: {  	s8 =	simm.s32 @p1 $0x7;
	[sflag:s12] =	ssyncadd.s32 $0xFFFFE0C0  }
0x212: {  	[spmem:s3] =	stream.indirect.scatter.add.f32 [tilespmem:s7], [sflag:$0xE], $0x40, s4, s24, $0xb8;
	[tilespmem:$0x1FA00] =	vst v63  }
0x213: {  	_ =	swait.ge @p1 [sflag:s8], $0x1F40  }
0x214: {  	s4 =	simm.s32 @p1 $0x10B80;
	[sflag:s8] =	ssyncset.done @p1 $0x0  }
0x215: {  	[sflag:s8] =	ssyncadd.s32 @p1 $0xFFFFE0C0;
	s8 =	simm.s32 @!p1 $0xB  }
0x216: {  	[spmem:s3] =	stream.indirect.scatter.add.f32 @p1 [tilespmem:s4], [sflag:$0xF], $0x40, s21, s19, $0xb8;
	[tilespmem:$0x1FA00] =	vst v63  }
0x217: {  	s19 =	simm.s32 $0x5000  }
0x218: {  	_ =	swait.ge @!p1 [sflag:s8], $0x1F40  }
0x219: {  	s4 =	simm.s32 @!p1 $0x8E80;
	[sflag:s8] =	ssyncset.done @!p1 $0x0  }
0x21a: {  	[sflag:s8] =	ssyncadd.s32 @!p1 $0xFFFFE0C0;
	s8 =	simm.s32 @!p1 $0x7  }
0x21b: {  	[tilespmem:s4], [sflag:$0x3] =	stream.indirect.gather @!p1 [hbm4b:s5+s18], $0x40, s25, s18, $0xb8;
	[tilespmem:$0x1FA00] =	vst v63  }
0x21c: {  	_ =	swait.ge @!p1 [sflag:s8], $0x1F40  }
0x21d: {  	s4 =	simm.s32 @!p1 $0x10B80;
	[sflag:s8] =	ssyncset.done @!p1 $0x0  }
0x21e: {  	[sflag:s8] =	ssyncadd.s32 @!p1 $0xFFFFE0C0;
	s8 =	simm.s32 @!p1 $0xC  }
0x21f: {  	[spmem:s3] =	stream.indirect.scatter.add.f32 @!p1 [tilespmem:s4], [sflag:$0xF], $0x40, s28, s18, $0xb8;
	[tilespmem:$0x1FA00] =	vst v63  }
0x220: {  	_ =	swait.ge @!p1 [sflag:s8], $0x1F40  }
.Ltmp2:
0x221: {  	s4 =	simm.s32 @!p1 $0xADC0;
	[sflag:s8] =	ssyncset.done @!p1 $0x0;
	(pc) =	sbr.rel @p0 .LBB2_6-.Ltmp2, $4  }
0x222: {  	[sflag:s8] =	ssyncadd.s32 @!p1 $0xFFFFE0C0  }
0x223: {  	[tilespmem:s4], [sflag:$0x4] =	stream.indirect.gather @!p1 [hbm4b:s5+s18], $0x40, s20, s18, $0xb8;
	[tilespmem:$0x1FA00] =	vst v63  }
0x224: {  	s20 =	simm.s32 $0x6F40  }
0x225: {  	p1 =	seq.s32 s13, $0x0;
	_ =	swait.ge [sflag:s31], $0x1F40  }
0x226: {  	[sflag:s31] =	ssyncset.done $0x0  }
0x227: {  	s4 =	simm.s32 @!p1 $0xD;
	[sflag:s31] =	ssyncadd.s32 $0xFFFFE0C0  }
0x228: {  	[spmem:s3] =	stream.indirect.scatter.add.f32 [tilespmem:s11], [sflag:$0x10], $0x40, s15, s24, $0xb8;
	[tilespmem:$0x1FA00] =	vst v63  }
0x229: {  	_ =	swait.ge @!p1 [sflag:s4], $0x1F40  }
0x22a: {  	s14 =	sshra.s32 s13, $0x2;
	[sflag:s4] =	ssyncset.done @!p1 $0x0  }
0x22b: {  	s8 =	sadd.s32 $0x200, s14;
	[sflag:s4] =	ssyncadd.s32 @!p1 $0xFFFFE0C0  }
0x22c: {  	[tilespmem:s0], [sflag:$0x5] =	stream.indirect.gather [hbm4b:s5+s24], $0x40, s8, s24, $0xb8;
	[tilespmem:$0x1FA00] =	vst v63  }
0x22d: {  	_ =	swait.ge [sflag:s6], $0x1F40  }
0x22e: {  	[sflag:s6] =	ssyncset.done $0x0  }
0x22f: {  	s25 =	sadd.s32 $0x2800, s14;
	s8 =	simm.s32 @!p1 $0xE;
	[sflag:s6] =	ssyncadd.s32 $0xFFFFE0C0  }
0x230: {  	[spmem:s3] =	stream.indirect.scatter.add.f32 [tilespmem:s19], [sflag:$0x9], $0x40, s25, s24, $0xb8;
	[tilespmem:$0x1FA00] =	vst v63  }
0x231: {  	_ =	swait.ge @!p1 [sflag:s8], $0x1F40  }
0x232: {  	[sflag:s8] =	ssyncset.done @!p1 $0x0  }
0x233: {  	s28 =	sadd.s32 $0x280, s14;
	[sflag:s8] =	ssyncadd.s32 @!p1 $0xFFFFE0C0  }
0x234: {  	[tilespmem:s7], [sflag:$0x6] =	stream.indirect.gather [hbm4b:s5+s24], $0x40, s28, s24, $0xb8;
	[tilespmem:$0x1FA00] =	vst v63  }
0x235: {  	_ =	swait.ge [sflag:s9], $0x1F40  }
0x236: {  	[sflag:s9] =	ssyncset.done $0x0  }
0x237: {  	s15 =	sadd.s32 $0x2880, s14;
	s8 =	simm.s32 @!p1 $0xF;
	[sflag:s9] =	ssyncadd.s32 $0xFFFFE0C0  }
0x238: {  	[spmem:s3] =	stream.indirect.scatter.add.f32 [tilespmem:s20], [sflag:$0xA], $0x40, s15, s24, $0xb8;
	[tilespmem:$0x1FA00] =	vst v63  }
0x239: {  	_ =	swait.ge @!p1 [sflag:s8], $0x1F40  }
0x23a: {  	[sflag:s8] =	ssyncset.done @!p1 $0x0  }
0x23b: {  	s16 =	sadd.s32 $0x300, s14;
	[sflag:s8] =	ssyncadd.s32 @!p1 $0xFFFFE0C0  }
0x23c: {  	[tilespmem:s26], [sflag:$0x7] =	stream.indirect.gather [hbm4b:s5+s24], $0x40, s16, s24, $0xb8;
	[tilespmem:$0x1FA00] =	vst v63  }
0x23d: {  	_ =	swait.ge [sflag:s10], $0x1F40  }
0x23e: {  	[sflag:s10] =	ssyncset.done $0x0  }
0x23f: {  	s17 =	sadd.s32 $0x2900, s14;
	s8 =	simm.s32 @!p1 $0x10;
	[sflag:s10] =	ssyncadd.s32 $0xFFFFE0C0  }
0x240: {  	[spmem:s3] =	stream.indirect.scatter.add.f32 [tilespmem:s30], [sflag:$0xB], $0x40, s17, s24, $0xb8;
	[tilespmem:$0x1FA00] =	vst v63  }
0x241: {  	_ =	swait.ge @!p1 [sflag:s8], $0x1F40  }
0x242: {  	[sflag:s8] =	ssyncset.done @!p1 $0x0  }
0x243: {  	s18 =	sadd.s32 $0x380, s14;
	[sflag:s8] =	ssyncadd.s32 @!p1 $0xFFFFE0C0  }
0x244: {  	[tilespmem:s11], [sflag:$0x8] =	stream.indirect.gather [hbm4b:s5+s24], $0x40, s18, s24, $0xb8;
	[tilespmem:$0x1FA00] =	vst v63  }
0x245: {  	_ =	swait.ge [sflag:s29], $0x1F40  }
0x246: {  	p0 =	seq.s32 s13, $0x9000;
	[sflag:s29] =	ssyncset.done $0x0  }
0x247: {  	s21 =	sadd.s32 $0x2980, s14;
	s8 =	simm.s32 @p0 $0x5;
	[sflag:s29] =	ssyncadd.s32 $0xFFFFE0C0  }
0x248: {  	[spmem:s3] =	stream.indirect.scatter.add.f32 [tilespmem:s1], [sflag:$0xC], $0x40, s21, s24, $0xb8;
	[tilespmem:$0x1FA00] =	vst v63  }
0x249: {  	s4 =	sshra.s32 @p0 s13, $0x2;
	_ =	swait.ge @p0 [sflag:s8], $0x1F40  }
0x24a: {  	s15 =	sadd.s32 @p0 $0x2A00, s4;
	s16 =	simm.s32 @p0 $0x7D;
	[sflag:s8] =	ssyncset.done @p0 $0x0  }
0x24b: {  	s17 =	simm.s32 @p0 $0xCD00;
	[sflag:s8] =	ssyncadd.s32 @p0 $0xFFFFE0C0;
	s8 =	simm.s32 @!p0 $0x9  }
0x24c: {  	[spmem:s3] =	stream.indirect.scatter.add.f32 @p0 [tilespmem:s17], [sflag:$0xD], $0x40, s15, s16, $0xb8;
	[tilespmem:$0x1FA00] =	vst v63  }
0x24d: {  	s13 =	sshra.s32 @!p0 s13, $0x2;
	_ =	swait.ge @!p0 [sflag:s8], $0x1F40  }
0x24e: {  	s15 =	sadd.s32 @!p0 $0x400, s13;
	[sflag:s8] =	ssyncset.done @!p0 $0x0  }
0x24f: {  	s17 =	simm.s32 @!p0 $0x7D;
	[sflag:s8] =	ssyncadd.s32 @!p0 $0xFFFFE0C0;
	s8 =	simm.s32 @!p0 $0x5000  }
0x250: {  	[tilespmem:s8], [sflag:$0x1] =	stream.indirect.gather @!p0 [hbm4b:s5+s17], $0x40, s15, s17, $0xb8;
	[tilespmem:$0x1FA00] =	vst v63  }
0x251: {  	s8 =	simm.s32 @!p0 $0x5  }
0x252: {  	_ =	swait.ge @!p0 [sflag:s8], $0x1F40  }
0x253: {  	[sflag:s8] =	ssyncset.done @!p0 $0x0  }
0x254: {  	s15 =	sadd.s32 @!p0 $0x2A00, s13;
	[sflag:s8] =	ssyncadd.s32 @!p0 $0xFFFFE0C0;
	s8 =	simm.s32 @!p0 $0xCD00  }
0x255: {  	[spmem:s3] =	stream.indirect.scatter.add.f32 @!p0 [tilespmem:s8], [sflag:$0xD], $0x40, s15, s17, $0xb8;
	[tilespmem:$0x1FA00] =	vst v63  }
0x256: {  	s8 =	simm.s32 @!p0 $0xA  }
0x257: {  	_ =	swait.ge @!p0 [sflag:s8], $0x1F40  }
0x258: {  	[sflag:s8] =	ssyncset.done @!p0 $0x0  }
0x259: {  	s15 =	sadd.s32 @!p0 $0x480, s13;
	[sflag:s8] =	ssyncadd.s32 @!p0 $0xFFFFE0C0;
	s8 =	simm.s32 @!p0 $0x6F40  }
0x25a: {  	[tilespmem:s8], [sflag:$0x2] =	stream.indirect.gather @!p0 [hbm4b:s5+s17], $0x40, s15, s17, $0xb8;
	[tilespmem:$0x1FA00] =	vst v63  }
0x25b: {  	_ =	swait.ge [sflag:s12], $0x1F40  }
0x25c: {  	[sflag:s12] =	ssyncset.done $0x0  }
0x25d: {  	s22 =	sadd.s32 $0x2A80, s14;
	s8 =	simm.s32 @p0 $0x7;
	[sflag:s12] =	ssyncadd.s32 $0xFFFFE0C0  }
0x25e: {  	[spmem:s3] =	stream.indirect.scatter.add.f32 [tilespmem:s7], [sflag:$0xE], $0x40, s22, s24, $0xb8;
	[tilespmem:$0x1FA00] =	vst v63  }
0x25f: {  	_ =	swait.ge @p0 [sflag:s8], $0x1F40  }
0x260: {  	[sflag:s8] =	ssyncset.done @p0 $0x0  }
0x261: {  	s4 =	sadd.s32 @p0 $0x2B00, s4;
	[sflag:s8] =	ssyncadd.s32 @p0 $0xFFFFE0C0;
	s8 =	simm.s32 @p0 $0x10B80  }
0x262: {  	[spmem:s3] =	stream.indirect.scatter.add.f32 @p0 [tilespmem:s8], [sflag:$0xF], $0x40, s4, s16, $0xb8;
	[tilespmem:$0x1FA00] =	vst v63  }
0x263: {  	s4 =	simm.s32 @!p0 $0xB  }
0x264: {  	_ =	swait.ge @!p0 [sflag:s4], $0x1F40  }
0x265: {  	[sflag:s4] =	ssyncset.done @!p0 $0x0  }
0x266: {  	s8 =	sadd.s32 @!p0 $0x500, s13;
	[sflag:s4] =	ssyncadd.s32 @!p0 $0xFFFFE0C0;
	s4 =	simm.s32 @!p0 $0x8E80  }
0x267: {  	[tilespmem:s4], [sflag:$0x3] =	stream.indirect.gather @!p0 [hbm4b:s5+s17], $0x40, s8, s17, $0xb8;
	[tilespmem:$0x1FA00] =	vst v63  }
0x268: {  	s4 =	simm.s32 @!p0 $0x7  }
0x269: {  	_ =	swait.ge @!p0 [sflag:s4], $0x1F40  }
0x26a: {  	[sflag:s4] =	ssyncset.done @!p0 $0x0  }
0x26b: {  	s8 =	sadd.s32 @!p0 $0x2B00, s13;
	[sflag:s4] =	ssyncadd.s32 @!p0 $0xFFFFE0C0;
	s4 =	simm.s32 @!p0 $0x10B80  }
0x26c: {  	[spmem:s3] =	stream.indirect.scatter.add.f32 @!p0 [tilespmem:s4], [sflag:$0xF], $0x40, s8, s17, $0xb8;
	[tilespmem:$0x1FA00] =	vst v63  }
0x26d: {  	s4 =	simm.s32 @!p0 $0xC  }
0x26e: {  	_ =	swait.ge @!p0 [sflag:s4], $0x1F40  }
0x26f: {  	[sflag:s4] =	ssyncset.done @!p0 $0x0  }
0x270: {  	s8 =	sadd.s32 @!p0 $0x580, s13;
	[sflag:s4] =	ssyncadd.s32 @!p0 $0xFFFFE0C0;
	s4 =	simm.s32 @!p0 $0xADC0  }
0x271: {  	[tilespmem:s4], [sflag:$0x4] =	stream.indirect.gather @!p0 [hbm4b:s5+s17], $0x40, s8, s17, $0xb8;
	[tilespmem:$0x1FA00] =	vst v63  }
0x272: {  	_ =	swait.ge [sflag:s31], $0x1F40  }
0x273: {  	[sflag:s31] =	ssyncset.done $0x0  }
0x274: {  	s23 =	sadd.s32 $0x2B80, s14;
	s25 =	simm.s32 $0x9;
	[sflag:s31] =	ssyncadd.s32 $0xFFFFE0C0  }
0x275: {  	[spmem:s3] =	stream.indirect.scatter.add.f32 [tilespmem:s11], [sflag:$0x10], $0x40, s23, s24, $0xb8;
	[tilespmem:$0x1FA00] =	vst v63  }
0x276: {  	_ =	swait.ge [sflag:s25], $0x1F40  }
0x277: {  	[sflag:s25] =	ssyncset.done $0x0  }
0x278: {  	s28 =	simm.s32 $0xA;
	[sflag:s25] =	ssyncadd.s32 $0xFFFFE0C0  }
0x279: {  	_ =	swait.ge [sflag:s28], $0x1F40  }
0x27a: {  	[sflag:s28] =	ssyncset.done $0x0  }
0x27b: {  	s8 =	simm.s32 $0xB;
	[sflag:s28] =	ssyncadd.s32 $0xFFFFE0C0  }
0x27c: {  	_ =	swait.ge [sflag:s8], $0x1F40  }
0x27d: {  	[sflag:s8] =	ssyncset.done $0x0  }
0x27e: {  	s13 =	simm.s32 $0xC;
	[sflag:s8] =	ssyncadd.s32 $0xFFFFE0C0  }
0x27f: {  	_ =	swait.ge [sflag:s13], $0x1F40  }
0x280: {  	[sflag:s13] =	ssyncset.done $0x0  }
0x281: {  	s14 =	simm.s32 $0xD;
	[sflag:s13] =	ssyncadd.s32 $0xFFFFE0C0  }
0x282: {  	_ =	swait.ge [sflag:s14], $0x1F40  }
0x283: {  	[sflag:s14] =	ssyncset.done $0x0  }
0x284: {  	s15 =	simm.s32 $0xE;
	[sflag:s14] =	ssyncadd.s32 $0xFFFFE0C0  }
0x285: {  	_ =	swait.ge [sflag:s15], $0x1F40  }
0x286: {  	[sflag:s15] =	ssyncset.done $0x0  }
0x287: {  	s16 =	simm.s32 $0xF;
	[sflag:s15] =	ssyncadd.s32 $0xFFFFE0C0  }
0x288: {  	_ =	swait.ge [sflag:s16], $0x1F40  }
0x289: {  	[sflag:s16] =	ssyncset.done $0x0  }
0x28a: {  	s17 =	simm.s32 $0x10;
	[sflag:s16] =	ssyncadd.s32 $0xFFFFE0C0  }
0x28b: {  	_ =	swait.ge [sflag:s17], $0x1F40  }
0x28c: {  	[sflag:s17] =	ssyncset.done $0x0  }
0x28d: {  	[sflag:s17] =	ssyncadd.s32 $0xFFFFE0C0  }
0x28e: {  	[bflag:$0x0] =	sbarrier.arrive $0xFFFF  }
0x28f: {  	s18 =	rddreg [dreg:$0xa]  }
0x290: {  	s21 =	rddreg [dreg:$0x15]  }
0x291: {  	s23 =	simm.s32 $0x11;
	s22 =	rddreg [dreg:$0x16]  }
0x292: {  	[hbm:s18], [sflag:s21] =	dma.local [spmem:s22], $0x1400  }
0x293: {  	_ =	swait.ge [sflag:s23], $0x1400  }
0x294: {  	s25 =	rddreg [dreg:$0x4]  }
0x295: {  	s28 =	rddreg [dreg:$0xb];
	s4 =	sadd.s32 $0x1, s25  }
0x296: {  	p0 =	sne.s32 s4, s28  }
.Ltmp3:
0x297: {  	_ = 	snop;
	(pc) =	sbr.rel @p0 .LBB2_1-.Ltmp3, $3  }
0x298: {  	_ =	sdelay $0x1  }
0x299: {  	[sflag:s23] =	ssyncset.done $0x0  }
0x29a: {  	[sflag:s23] =	ssyncadd.s32 $0xFFFFEC00  }
0x29b: {  	_ =	sfence.sel $0x180000  }
0x29c: {  	[bflag:$0x0] =	sbarrier.arrive $0xFFFF  }
0x29d: {  	_ =	strace $0x90000047  }
0x29e: {  	s0 =	stileid.u32;
	[bflag:$0x2] =	sbarrier.arrive $0xFFFF  }
0x29f: {  	p0 =	sne.s32 s0, $0x0;
	s0 =	rddreg [dreg:$0x3]  }
0x2a0: {  	s0 =	sadd.s32 @!p0 $0x100000, s0  }
0x2a1: {  	[sflag:s0] =	ssyncadd.tile.s32 @!p0 $0x1;
	_ =	shalt  }
.Lfunc_end2:
_tile_overlayer_lowered:
.L_overlay_start_2:
0x2a2: {  	(tag) =	ssettag $0x2  }
0x2a3: {  	s0 =	rddreg [dreg:$0x0];
	s2 =	stileid.u32  }
0x2a4: {  	s1 =	rddreg [dreg:$0x1];
	p0 =	sne.s32 s2, $0x0  }
0x2a5: {  	s3 =	rddreg [dreg:$0x2];
	[bflag:$0x3] =	sbarrier.arrive $0xFFFF;
	s2 =	simm.s32 @!p0 $0x1C11  }
0x2a6: {  	[timem:s3], [sflag:s2] =	dma.local @!p0 [hbm:s0], s1  }
0x2a7: {  	s0 =	simm.s32 @!p0 $0x11  }
0x2a8: {  	_ =	swait.ge @!p0 [sflag:s0], s1  }
0x2a9: {  	s1 =	ssub.s32 @!p0 $0x0, s1;
	[sflag:s0] =	ssyncset.done @!p0 $0x0  }
0x2aa: {  	[sflag:s0] =	ssyncadd.s32 @!p0 s1  }
0x2ab: {  	[bflag:$0x3] =	sbarrier.arrive $0xFFFF  }
0x2ac: {  	_ =	shalt  }

</sc_bundles>
